<compile_context>
chip_gen: v7x
topology: tpu7x:2x2x1
jax: 0.10.2.dev20260603
libtpu: 0.0.44.dev20260713+nightly
codegen_flags: <defaults>
</compile_context>

<pallas_src>
import functools

import jax
import jax.numpy as jnp
from jax import lax
from jax.experimental import pallas as pl
from jax.experimental.pallas import tpu as pltpu
from jax.experimental.pallas import tpu_sc as plsc

N = 10000
E = 320000
D = 128
DE = 16
DEE = 32
NG = 50
NSEG = 100
NLAYERS = 4
JW = 0.5

EW = 128
NC = 2
NS = 16
NW = NC * NS
BE = 128
NB = 79
EPW = NB * BE
EPAD = NW * EPW
NPAD = 10112
ZROWS = NPAD // NS
WROWS = 632
WLAST = N - 15 * WROWS

_PREC = jax.lax.Precision.HIGHEST


def _r(t):
    return t.astype(jnp.bfloat16).astype(jnp.float32)


def _mm(a, b):
    return jax.lax.dot_general(a, b, (((a.ndim - 1,), (0,)), ((), ())),
                               precision=_PREC, preferred_element_type=jnp.float32)


def _mm_t(a, b):
    return jax.lax.dot_general(a, b, (((1,), (1,)), ((), ())),
                               precision=_PREC, preferred_element_type=jnp.float32)


def _gnorm(v, w, b, ms):
    m = jnp.mean(v, axis=0, keepdims=True)
    o = v - m * ms
    var = jnp.mean(o * o, axis=0, keepdims=True)
    return w * o / jnp.sqrt(var + 1e-5) + b



@functools.lru_cache(maxsize=None)
def _make_sc_agg(gather: bool, width: int):
    mesh = plsc.VectorSubcoreMesh(core_axis_name="c", subcore_axis_name="s",
                                  num_cores=NC, num_subcores=NS)
    out_type = jax.ShapeDtypeStruct((NC, N, width), jnp.float32)
    scratch = [
        pltpu.VMEM((NB, BE), jnp.int32),
        pltpu.VMEM((NB, BE), jnp.int32),
        pltpu.VMEM((BE, width), jnp.float32),
        pltpu.VMEM_SHARED((NPAD, width), jnp.float32),
        pltpu.SemaphoreType.DMA,
    ]

    def body(pay, srcb, dstb, z, out, srcv, dstv, buf, acc, sem):
        c = lax.axis_index("c")
        s = lax.axis_index("s")
        wid = c * NS + s

        pltpu.sync_copy(z.at[pl.ds(s * ZROWS, ZROWS)],
                        acc.at[pl.ds(s * ZROWS, ZROWS)])
        if gather:
            pltpu.sync_copy(srcb.at[wid], srcv)
        pltpu.sync_copy(dstb.at[wid], dstv)
        plsc.subcore_barrier()

        def step(j, carry):
            if gather:
                pltpu.async_copy(pay.at[srcv.at[j]], buf, sem).wait()
            else:
                pltpu.async_copy(pay.at[wid, j], buf, sem).wait()
            pltpu.sync_copy(buf, acc.at[dstv.at[j]], add=True)
            return carry

        lax.fori_loop(0, NB, step, 0)
        plsc.subcore_barrier()

        @pl.when(s < NS - 1)
        def _():
            pltpu.sync_copy(acc.at[pl.ds(s * WROWS, WROWS)],
                            out.at[c, pl.ds(s * WROWS, WROWS)])

        @pl.when(s == NS - 1)
        def _():
            pltpu.sync_copy(acc.at[pl.ds((NS - 1) * WROWS, WLAST)],
                            out.at[c, pl.ds((NS - 1) * WROWS, WLAST)])

    return pl.kernel(body, out_type=out_type, mesh=mesh, scratch_types=scratch)


def _sc_agg_x(x, srcb, dstb, zx):
    return _make_sc_agg(True, D)(x, srcb, dstb, zx)


def _sc_agg_eft(eftp, srcb, dstb, ze):
    return _make_sc_agg(False, EW)(eftp, srcb, dstb, ze)



_EBLK = 4096


def _edge_mlp_body(ef_ref, w_ref, b_ref, o_ref):
    o_ref[...] = _r(jnp.maximum(
        _mm(_r(ef_ref[...]), _r(w_ref[...])) + b_ref[...], 0.0))


def _edge_mlp(efp, wp, bp):
    return pl.pallas_call(
        _edge_mlp_body,
        grid=(EPAD // _EBLK,),
        in_specs=[
            pl.BlockSpec((_EBLK, DE), lambda i: (i, 0)),
            pl.BlockSpec((DE, EW), lambda i: (0, 0)),
            pl.BlockSpec((1, EW), lambda i: (0, 0)),
        ],
        out_specs=pl.BlockSpec((_EBLK, EW), lambda i: (i, 0)),
        out_shape=jax.ShapeDtypeStruct((EPAD, EW), jnp.float32),
    )(efp, wp, bp)



def _agg_epilogue(ax_ref, ae_ref, half, wx, we, tb, gw, gb, gm):
    agg = ax_ref[0, half] + ax_ref[1, half]
    ae = ae_ref[0, half] + ae_ref[1, half]
    cnt = ae[:, DEE:DEE + 1]
    pre = (_mm(agg, wx) + _mm(ae[:, :DEE], we) + cnt * tb) / jnp.maximum(cnt, 1.0)
    return _gnorm(jnp.maximum(pre, 0.0), gw, gb, gm)


def _layer0_body(ax_ref, ae_ref, wx_ref, we_ref, tb_ref, gw_ref, gb_ref,
                 gm_ref, o_ref, or_ref):
    wx = _r(wx_ref[...])
    we = _r(we_ref[...])
    tb = tb_ref[...]
    gw = gw_ref[...]
    gb = gb_ref[...]
    gm = gm_ref[...]
    for half in range(2):
        res = _agg_epilogue(ax_ref, ae_ref, half, wx, we, tb, gw, gb, gm)
        o_ref[half] = res
        or_ref[half] = _r(res)


def _layer_body(x0_ref, ax_ref, ae_ref, wx_ref, we_ref, tb_ref, gw_ref,
                gb_ref, gm_ref, hq_ref, hk_ref, hv_ref, gq_ref, gk_ref,
                gv_ref, l1_ref, l2_ref, lb_ref, o_ref, aux_ref, *, want_mean):
    wx = _r(wx_ref[...])
    we = _r(we_ref[...])
    tb = tb_ref[...]
    gw = gw_ref[...]
    gb = gb_ref[...]
    gm = gm_ref[...]
    xn = [_agg_epilogue(ax_ref, ae_ref, h, wx, we, tb, gw, gb, gm)
          for h in range(2)]
    x0h = x0_ref[0]
    x0g = x0_ref[1]
    x0hr = _r(x0h)
    x0gr = _r(x0g)
    hq = jnp.maximum(_mm(x0hr, _r(hq_ref[...])), 0.0)
    hk = jnp.maximum(_mm(x0hr, _r(hk_ref[...])), 0.0)
    hv = _mm(x0hr, _r(hv_ref[...]))
    gq = jnp.maximum(_mm(x0gr, _r(gq_ref[...])), 0.0)
    gk = jnp.maximum(_mm(x0gr, _r(gk_ref[...])), 0.0)
    gv = _mm(x0gr, _r(gv_ref[...]))
    ah = _mm(_r(jax.nn.softmax(_mm_t(_r(hq), _r(gk)), axis=1)), _r(gv))
    ag = _mm(_r(jax.nn.softmax(_mm_t(_r(gq), _r(hk)), axis=1)), _r(hv))
    xc = [_gnorm(ah, gw, gb, gm), _gnorm(ag, gw, gb, gm)]
    x0 = [x0h, x0g]
    for half in range(2):
        y = jnp.maximum(_mm(_r(xn[half]), _r(l1_ref[...])) +
                        _mm(_r(xc[half]), _r(l2_ref[...])) + lb_ref[...], 0.0)
        res = x0[half] * JW + y * (1.0 - JW)
        o_ref[half] = res
        if want_mean:
            aux_ref[0, half:half + 1, :] = jnp.mean(res, axis=0, keepdims=True)
        else:
            aux_ref[half] = _r(res)


def _wspec(shape):
    return pl.BlockSpec(shape, lambda g: tuple(0 for _ in shape))


_AX_SPEC = pl.BlockSpec((NC, 2, NSEG, D), lambda g: (0, g, 0, 0))
_AE_SPEC = pl.BlockSpec((NC, 2, NSEG, EW), lambda g: (0, g, 0, 0))
_X_SPEC = pl.BlockSpec((2, NSEG, D), lambda g: (g, 0, 0))


def _layer0(ax, ae, wx, we, tb, gw, gb, gm):
    return pl.pallas_call(
        _layer0_body,
        grid=(NG,),
        in_specs=[_AX_SPEC, _AE_SPEC, _wspec((D, D)), _wspec((DEE, D)),
                  _wspec((1, D)), _wspec((1, D)), _wspec((1, D)),
                  _wspec((1, D))],
        out_specs=(_X_SPEC, _X_SPEC),
        out_shape=(jax.ShapeDtypeStruct((NSEG, NSEG, D), jnp.float32),
                   jax.ShapeDtypeStruct((NSEG, NSEG, D), jnp.float32)),
    )(ax, ae, wx, we, tb, gw, gb, gm)


def _layer(x0, ax, ae, wx, we, tb, gw, gb, gm, hq, hk, hv, gq, gk, gv,
           l1, l2, lb, want_mean):
    in_specs = [_X_SPEC, _AX_SPEC, _AE_SPEC, _wspec((D, D)), _wspec((DEE, D)),
                _wspec((1, D)), _wspec((1, D)), _wspec((1, D)), _wspec((1, D))]
    in_specs += [_wspec((D, D))] * 6
    in_specs += [_wspec((D, D)), _wspec((D, D)), _wspec((1, D))]
    if want_mean:
        aux_spec = pl.BlockSpec((1, 2, D), lambda g: (g, 0, 0))
        aux_shape = jax.ShapeDtypeStruct((NG, 2, D), jnp.float32)
    else:
        aux_spec = _X_SPEC
        aux_shape = jax.ShapeDtypeStruct((NSEG, NSEG, D), jnp.float32)
    return pl.pallas_call(
        functools.partial(_layer_body, want_mean=want_mean),
        grid=(NG,),
        in_specs=in_specs,
        out_specs=(_X_SPEC, aux_spec),
        out_shape=(jax.ShapeDtypeStruct((NSEG, NSEG, D), jnp.float32),
                   aux_shape),
    )(x0, ax, ae, wx, we, tb, gw, gb, gm, hq, hk, hv, gq, gk, gv, l1, l2, lb)


def _round_body(i_ref, o_ref):
    o_ref[...] = _r(i_ref[...])


def _round_x(x):
    blk = N // 10
    return pl.pallas_call(
        _round_body,
        grid=(10,),
        in_specs=[pl.BlockSpec((blk, D), lambda i: (i, 0))],
        out_specs=pl.BlockSpec((blk, D), lambda i: (i, 0)),
        out_shape=jax.ShapeDtypeStruct((N, D), jnp.float32),
    )(x)



def _readout_body(x1_ref, x2_ref, w1_ref, b1_ref, w2_ref, b2_ref, o_ref):
    h = jnp.maximum(
        _mm(_r(x1_ref[...] - x2_ref[...]), _r(w1_ref[...])) + b1_ref[...], 0.0)
    sc = _mm(_r(h), _r(w2_ref[...])) + b2_ref[...]
    o_ref[...] = jax.nn.softmax(sc, axis=1)


def _readout(x1, x2, w1, b1, w2, b2):
    return pl.pallas_call(
        _readout_body,
        out_shape=jax.ShapeDtypeStruct((NG, 2), jnp.float32),
    )(x1, x2, w1, b1, w2, b2)



def kernel(x, edge_index, edge_features, batch, params):
    f32 = jnp.float32
    src = edge_index[0]
    dst = edge_index[1]
    npd = EPAD - E
    srcb = jnp.concatenate([src, jnp.zeros((npd,), jnp.int32)]).reshape(NW, NB, BE)
    pad_dst = N + jnp.arange(npd, dtype=jnp.int32) % (NPAD - N)
    dstb = jnp.concatenate([dst, pad_dst]).reshape(NW, NB, BE)

    wp = jnp.zeros((DE, EW), f32).at[:, :DEE].set(params['efm_w'])
    bp = jnp.zeros((1, EW), f32).at[0, :DEE].set(params['efm_b']).at[0, DEE].set(1.0)
    efp = jnp.concatenate([edge_features, jnp.zeros((npd, DE), f32)])
    eftp = _edge_mlp(efp, wp, bp).reshape(NW, NB, BE, EW)

    zx = jnp.zeros((NPAD, D), f32)
    ze = jnp.zeros((NPAD, EW), f32)

    gw = params['gn_w'].reshape(1, D)
    gb = params['gn_b'].reshape(1, D)
    gm = params['gn_ms'].reshape(1, D)
    l1 = params['lnm_w'][:D]
    l2 = params['lnm_w'][D:]
    lb = params['lnm_b'].reshape(1, D)

    aggE = _sc_agg_eft(eftp, srcb, dstb, ze)
    ae = aggE.reshape(NC, NSEG, NSEG, EW)
    ax = _sc_agg_x(_round_x(x), srcb, dstb, zx).reshape(NC, NSEG, NSEG, D)

    xcur = None
    xm = None
    for i in range(NLAYERS):
        wx = params['teg_w'][i, :D]
        we = params['teg_w'][i, D:]
        tb = params['teg_b'][i].reshape(1, D)
        if i == 0:
            xcur, xr = _layer0(ax, ae, wx, we, tb, gw, gb, gm)
        else:
            xcur, aux = _layer(xcur, ax, ae, wx, we, tb, gw, gb, gm,
                               params['hQ'], params['hK'], params['hV'],
                               params['gQ'], params['gK'], params['gV'],
                               l1, l2, lb, want_mean=(i == NLAYERS - 1))
            if i == NLAYERS - 1:
                xm = aux
            else:
                xr = aux
        if i < NLAYERS - 1:
            ax = _sc_agg_x(xr.reshape(N, D), srcb, dstb, zx)
            ax = ax.reshape(NC, NSEG, NSEG, D)

    xout1 = xm[:, 0]
    xout2 = xm[:, 1]
    scores = _readout(xout1, xout2, params['fl1_w'],
                      params['fl1_b'].reshape(1, D), params['fl2_w'],
                      params['fl2_b'].reshape(1, 2))
    return (scores.reshape(-1), xcur.reshape(N, D), xout1, xout2)

# --- scband reference (transcript-rebuilt; emitter-appended) ---
"""Pipeline reference for scband-tmatching-79216376807993 (READ-ONLY COPY).

The authoritative reference and input builder live on the scoring server;
editing this copy changes nothing except your own understanding.
"""

import jax, jax.numpy as jnp
import numpy as np

N = 10000
E = 320000
D = 128
DE = 16
DEE = 32
NG = 50
N1 = 100
N2 = 100
NLAYERS = 4
NT = 2
JW = 0.5
NSEG = 2 * NG


def _scatter_mean(src, idx, num_segments):
    s = jax.ops.segment_sum(src, idx, num_segments=num_segments)
    c = jax.ops.segment_sum(jnp.ones((src.shape[0], 1), src.dtype), idx, num_segments=num_segments)
    return s / jnp.maximum(c, 1.0)


def _graph_norm(x, batch, w, b, ms, num_segments):
    mean = _scatter_mean(x, batch, num_segments)
    out = x - mean[batch] * ms
    var = _scatter_mean(out * out, batch, num_segments)
    return w * out / jnp.sqrt(var[batch] + 1e-5) + b


def setup_inputs(seed: int = 0):
    key = jax.random.key(seed)
    ks = jax.random.split(key, 32)
    x = jax.random.normal(ks[0], (N, D), jnp.float32)
    edge_index = jax.random.randint(ks[1], (2, E), 0, N, jnp.int32)
    edge_features = jax.random.normal(ks[2], (E, DE), jnp.float32)
    batch = jnp.repeat(jnp.arange(NSEG, dtype=jnp.int32), 100)
    params = {
        'efm_w': jax.random.normal(ks[3], (DE, DEE), jnp.float32) * 0.05,
        'efm_b': jnp.zeros((DEE,), jnp.float32),
        'teg_w': jax.random.normal(ks[4], (NLAYERS, D + DEE, D), jnp.float32) * 0.05,
        'teg_b': jnp.zeros((NLAYERS, D), jnp.float32),
        'fl1_w': jax.random.normal(ks[5], (D, D), jnp.float32) * 0.05,
        'fl1_b': jnp.zeros((D,), jnp.float32),
        'fl2_w': jax.random.normal(ks[6], (D, NT), jnp.float32) * 0.05,
        'fl2_b': jnp.zeros((NT,), jnp.float32),
        'gn_w': jnp.ones((D,), jnp.float32),
        'gn_b': jnp.zeros((D,), jnp.float32),
        'gn_ms': jnp.ones((D,), jnp.float32),
        'hK': jax.random.normal(ks[7], (D, D), jnp.float32) * 0.05,
        'hQ': jax.random.normal(ks[8], (D, D), jnp.float32) * 0.05,
        'hV': jax.random.normal(ks[9], (D, D), jnp.float32) * 0.05,
        'gK': jax.random.normal(ks[10], (D, D), jnp.float32) * 0.05,
        'gQ': jax.random.normal(ks[11], (D, D), jnp.float32) * 0.05,
        'gV': jax.random.normal(ks[12], (D, D), jnp.float32) * 0.05,
        'lnm_w': jax.random.normal(ks[13], (2 * D, D), jnp.float32) * 0.05,
        'lnm_b': jnp.zeros((D,), jnp.float32),
    }
    return {'x': x, 'edge_index': edge_index, 'edge_features': edge_features, 'batch': batch, 'params': params}


def _forward(x, edge_features, edge_index, batch, params):
    ef = edge_features @ params['efm_w'] + params['efm_b']
    eft = jax.nn.relu(ef)
    src = edge_index[0]
    dst = edge_index[1]
    for i in range(NLAYERS):
        x0 = x
        xs = x0[src]
        x2 = jnp.concatenate([xs, eft], axis=1)
        x2 = x2 @ params['teg_w'][i] + params['teg_b'][i]
        x = _scatter_mean(x2, dst, N)
        x = jax.nn.relu(x)
        x = _graph_norm(x, batch, params['gn_w'], params['gn_b'], params['gn_ms'], NSEG)
        if i > 0:
            xr = x0.reshape(NG, N1 + N2, D)
            xh = xr[:, :N1, :]
            xg = xr[:, N1:, :]
            hq = jax.nn.relu(xh @ params['hQ'])
            hk = jax.nn.relu(xh @ params['hK'])
            hv = xh @ params['hV']
            gq = jax.nn.relu(xg @ params['gQ'])
            gk = jax.nn.relu(xg @ params['gK'])
            gv = xg @ params['gV']
            att_host = jax.nn.softmax(hq @ jnp.swapaxes(gk, 1, 2), axis=2) @ gv
            att_guest = jax.nn.softmax(gq @ jnp.swapaxes(hk, 1, 2), axis=2) @ hv
            xcross = jnp.concatenate([att_host, att_guest], axis=1).reshape(N, D)
            xcross = _graph_norm(xcross, batch, params['gn_w'], params['gn_b'], params['gn_ms'], NSEG)
            xcat = jnp.concatenate([x, xcross], axis=1)
            x = jax.nn.relu(xcat @ params['lnm_w'] + params['lnm_b'])
            x = x0 * JW + x * (1.0 - JW)
    xout = _scatter_mean(x, batch, NSEG)
    xout = xout.reshape(-1).reshape(-1, 2 * D)
    xout1 = xout[:, :D]
    xout2 = xout[:, D:]
    xsub = xout1 - xout2
    scores = jax.nn.relu(xsub @ params['fl1_w'] + params['fl1_b']) @ params['fl2_w'] + params['fl2_b']
    scores = jax.nn.softmax(scores, axis=-1)
    return (scores.reshape(-1), x, xout1, xout2)


def reference(x, edge_index, edge_features, batch, params):
    return _forward(x, edge_features, edge_index, batch, params)

if __name__ == "__main__":
    import jax
    _d = setup_inputs()
    print(jax.jit(kernel)(*tuple(_d.values())))

</pallas_src>

<mosaic_0001>
#map = affine_map<(d0, d1) -> (0, 0, 0, 0)>
#map1 = affine_map<(d0, d1) -> (0, 0, 0)>
#map2 = affine_map<(d0, d1) -> (0, 0)>
module attributes {stable_mosaic.version = 14 : i64} {
  func.func @body(%arg0: i32, %arg1: i32, %arg2: memref<32x79x128x128xf32, #tpu.memory_space<hbm>>, %arg3: memref<32x79x128xi32, #tpu.memory_space<hbm>>, %arg4: memref<32x79x128xi32, #tpu.memory_space<hbm>>, %arg5: memref<10112x128xf32, #tpu.memory_space<hbm>>, %arg6: memref<2x10000x128xf32, #tpu.memory_space<hbm>>, %arg7: memref<79x128xi32, #tpu.memory_space<vmem>>, %arg8: memref<79x128xi32, #tpu.memory_space<vmem>>, %arg9: memref<128x128xf32, #tpu.memory_space<vmem>>, %arg10: memref<10112x128xf32, #tpu.memory_space<vmem_shared>>, %arg11: memref<!tpu.dma_semaphore, #tpu.memory_space<semaphore_mem>>) attributes {dimension_semantics = [#tpu.dimension_semantics<core_parallel>, #tpu.dimension_semantics<subcore_parallel>], iteration_bounds = array<i64: 2, 16>, scalar_prefetch = 0 : i64, scratch_operands = 5 : i64, tpu.core_type = #tpu.core_type<sc_vector_subcore>, window_params = [{transform_indices = #map}, {transform_indices = #map1}, {transform_indices = #map1}, {transform_indices = #map2}, {transform_indices = #map1}]} {
    %mul3A = arith.constant 16 : i32
    %mul3A_0 = arith.muli %arg0, %mul3A : i32
    %add3A = arith.addi %mul3A_0, %arg1 : i32
    %mul3A_1 = arith.constant 632 : i32
    %mul3A_2 = arith.muli %arg1, %mul3A_1 : i32
    %mul3A_3 = arith.constant 632 : i32
    %mul3A_4 = arith.muli %arg1, %mul3A_3 : i32
    "tpu.region"() ({
      %run_scoped3A = tpu.sem_alloc : memref<!tpu.dma_semaphore, #tpu.memory_space<semaphore_mem>>
      %dma_start3A = arith.constant 0 : i32
      %dma_start3A_17 = tpu.memref_slice %arg10[%mul3A_4, %dma_start3A] : memref<10112x128xf32, #tpu.memory_space<vmem_shared>> -> memref<632x128xf32, #tpu.memory_space<vmem_shared>>
      %dma_start3A_18 = arith.constant 0 : i32
      %dma_start3A_19 = tpu.memref_slice %arg5[%mul3A_2, %dma_start3A_18] : memref<10112x128xf32, #tpu.memory_space<hbm>> -> memref<632x128xf32, #tpu.memory_space<hbm>>
      tpu.enqueue_dma source(%dma_start3A_19 : memref<632x128xf32, #tpu.memory_space<hbm>>) target(%dma_start3A_17 : memref<632x128xf32, #tpu.memory_space<vmem_shared>>) target_semaphore(%run_scoped3A : memref<!tpu.dma_semaphore, #tpu.memory_space<semaphore_mem>>)
      %dma_wait3A = arith.constant 0 : i32
      %dma_wait3A_20 = tpu.memref_slice %arg10[%mul3A_4, %dma_wait3A] : memref<10112x128xf32, #tpu.memory_space<vmem_shared>> -> memref<632x128xf32, #tpu.memory_space<vmem_shared>>
      %dma_wait3A_21 = arith.constant 0 : i32
      %dma_wait3A_22 = tpu.memref_slice %arg5[%mul3A_2, %dma_wait3A_21] : memref<10112x128xf32, #tpu.memory_space<hbm>> -> memref<632x128xf32, #tpu.memory_space<hbm>>
      tpu.wait_dma2 semaphore(%run_scoped3A : memref<!tpu.dma_semaphore, #tpu.memory_space<semaphore_mem>>) src(%dma_wait3A_22 : memref<632x128xf32, #tpu.memory_space<hbm>>) dst(%dma_wait3A_20 : memref<632x128xf32, #tpu.memory_space<vmem_shared>>)
      tpu.yield
    }) : () -> ()
    "tpu.region"() ({
      %run_scoped3A = tpu.sem_alloc : memref<!tpu.dma_semaphore, #tpu.memory_space<semaphore_mem>>
      %dma_start3A = arith.constant 0 : i32
      %dma_start3A_17 = arith.constant 0 : i32
      %dma_start3A_18 = tpu.memref_slice %arg4[%add3A, %dma_start3A, %dma_start3A_17] : memref<32x79x128xi32, #tpu.memory_space<hbm>> -> memref<1x79x128xi32, #tpu.memory_space<hbm>>
      %dma_start3A_19 = tpu.memref_squeeze %dma_start3A_18 : memref<1x79x128xi32, #tpu.memory_space<hbm>> -> memref<79x128xi32, #tpu.memory_space<hbm>>
      %dma_start3A_20 = arith.constant 0 : i32
      %dma_start3A_21 = arith.constant 0 : i32
      %dma_start3A_22 = tpu.memref_slice %arg4[%add3A, %dma_start3A_20, %dma_start3A_21] : memref<32x79x128xi32, #tpu.memory_space<hbm>> -> memref<1x79x128xi32, #tpu.memory_space<hbm>>
      %dma_start3A_23 = tpu.memref_squeeze %dma_start3A_22 : memref<1x79x128xi32, #tpu.memory_space<hbm>> -> memref<79x128xi32, #tpu.memory_space<hbm>>
      tpu.enqueue_dma source(%dma_start3A_23 : memref<79x128xi32, #tpu.memory_space<hbm>>) target(%arg8 : memref<79x128xi32, #tpu.memory_space<vmem>>) target_semaphore(%run_scoped3A : memref<!tpu.dma_semaphore, #tpu.memory_space<semaphore_mem>>)
      %dma_wait3A = arith.constant 0 : i32
      %dma_wait3A_24 = arith.constant 0 : i32
      %dma_wait3A_25 = tpu.memref_slice %arg4[%add3A, %dma_wait3A, %dma_wait3A_24] : memref<32x79x128xi32, #tpu.memory_space<hbm>> -> memref<1x79x128xi32, #tpu.memory_space<hbm>>
      %dma_wait3A_26 = tpu.memref_squeeze %dma_wait3A_25 : memref<1x79x128xi32, #tpu.memory_space<hbm>> -> memref<79x128xi32, #tpu.memory_space<hbm>>
      %dma_wait3A_27 = arith.constant 0 : i32
      %dma_wait3A_28 = arith.constant 0 : i32
      %dma_wait3A_29 = tpu.memref_slice %arg4[%add3A, %dma_wait3A_27, %dma_wait3A_28] : memref<32x79x128xi32, #tpu.memory_space<hbm>> -> memref<1x79x128xi32, #tpu.memory_space<hbm>>
      %dma_wait3A_30 = tpu.memref_squeeze %dma_wait3A_29 : memref<1x79x128xi32, #tpu.memory_space<hbm>> -> memref<79x128xi32, #tpu.memory_space<hbm>>
      tpu.wait_dma2 semaphore(%run_scoped3A : memref<!tpu.dma_semaphore, #tpu.memory_space<semaphore_mem>>) src(%dma_wait3A_30 : memref<79x128xi32, #tpu.memory_space<hbm>>) dst(%arg8 : memref<79x128xi32, #tpu.memory_space<vmem>>)
      tpu.yield
    }) : () -> ()
    %barrier3A = arith.constant 0 : index
    tpu.barrier barrier_id(%barrier3A)
    %scan3A = arith.constant 0 : i32
    %scan3A_5 = arith.constant 0 : i32
    %scan3A_6 = arith.constant 79 : i32
    %scan3A_7 = arith.addi %scan3A_5, %scan3A_6 : i32
    %scan3A_8 = arith.constant 1 : i32
    scf.for %scan3A_17 = %scan3A_5 to %scan3A_7 step %scan3A_8  : i32 {
      %dma_start3A = arith.constant 0 : i32
      %dma_start3A_18 = arith.constant 0 : i32
      %dma_start3A_19 = tpu.memref_slice %arg2[%add3A, %scan3A_17, %dma_start3A, %dma_start3A_18] : memref<32x79x128x128xf32, #tpu.memory_space<hbm>> -> memref<1x1x128x128xf32, #tpu.memory_space<hbm>>
      %dma_start3A_20 = tpu.memref_squeeze %dma_start3A_19 : memref<1x1x128x128xf32, #tpu.memory_space<hbm>> -> memref<128x128xf32, #tpu.memory_space<hbm>>
      %dma_start3A_21 = arith.constant 0 : i32
      %dma_start3A_22 = arith.constant 0 : i32
      %dma_start3A_23 = tpu.memref_slice %arg2[%add3A, %scan3A_17, %dma_start3A_21, %dma_start3A_22] : memref<32x79x128x128xf32, #tpu.memory_space<hbm>> -> memref<1x1x128x128xf32, #tpu.memory_space<hbm>>
      %dma_start3A_24 = tpu.memref_squeeze %dma_start3A_23 : memref<1x1x128x128xf32, #tpu.memory_space<hbm>> -> memref<128x128xf32, #tpu.memory_space<hbm>>
      tpu.enqueue_dma source(%dma_start3A_24 : memref<128x128xf32, #tpu.memory_space<hbm>>) target(%arg9 : memref<128x128xf32, #tpu.memory_space<vmem>>) target_semaphore(%arg11 : memref<!tpu.dma_semaphore, #tpu.memory_space<semaphore_mem>>)
      %dma_wait3A = arith.constant 0 : i32
      %dma_wait3A_25 = arith.constant 0 : i32
      %dma_wait3A_26 = tpu.memref_slice %arg2[%add3A, %scan3A_17, %dma_wait3A, %dma_wait3A_25] : memref<32x79x128x128xf32, #tpu.memory_space<hbm>> -> memref<1x1x128x128xf32, #tpu.memory_space<hbm>>
      %dma_wait3A_27 = tpu.memref_squeeze %dma_wait3A_26 : memref<1x1x128x128xf32, #tpu.memory_space<hbm>> -> memref<128x128xf32, #tpu.memory_space<hbm>>
      %dma_wait3A_28 = arith.constant 0 : i32
      %dma_wait3A_29 = arith.constant 0 : i32
      %dma_wait3A_30 = tpu.memref_slice %arg2[%add3A, %scan3A_17, %dma_wait3A_28, %dma_wait3A_29] : memref<32x79x128x128xf32, #tpu.memory_space<hbm>> -> memref<1x1x128x128xf32, #tpu.memory_space<hbm>>
      %dma_wait3A_31 = tpu.memref_squeeze %dma_wait3A_30 : memref<1x1x128x128xf32, #tpu.memory_space<hbm>> -> memref<128x128xf32, #tpu.memory_space<hbm>>
      tpu.wait_dma2 semaphore(%arg11 : memref<!tpu.dma_semaphore, #tpu.memory_space<semaphore_mem>>) src(%dma_wait3A_31 : memref<128x128xf32, #tpu.memory_space<hbm>>) dst(%arg9 : memref<128x128xf32, #tpu.memory_space<vmem>>)
      "tpu.region"() ({
        %run_scoped3A = tpu.sem_alloc : memref<!tpu.dma_semaphore, #tpu.memory_space<semaphore_mem>>
        %dma_start3A_32 = arith.constant 0 : i32
        %dma_start3A_33 = tpu.memref_slice %arg8[%scan3A_17, %dma_start3A_32] : memref<79x128xi32, #tpu.memory_space<vmem>> -> memref<1x128xi32, #tpu.memory_space<vmem>>
        %dma_start3A_34 = tpu.memref_squeeze %dma_start3A_33 : memref<1x128xi32, #tpu.memory_space<vmem>> -> memref<128xi32, #tpu.memory_space<vmem>>
        %dma_start3A_35 = arith.constant 0 : i32
        %dma_start3A_36 = arith.constant 0 : i32
        %dma_start3A_37 = tpu.memref_slice %arg10[%dma_start3A_35, %dma_start3A_36] : memref<10112x128xf32, #tpu.memory_space<vmem_shared>> -> memref<10112x128xf32, #tpu.memory_space<vmem_shared>>
        tpu.enqueue_indirect_dma source(%arg9 : memref<128x128xf32, #tpu.memory_space<vmem>>) target(%dma_start3A_37 : memref<10112x128xf32, #tpu.memory_space<vmem_shared>>) offsets(%dma_start3A_34 : memref<128xi32, #tpu.memory_space<vmem>>) semaphore(%run_scoped3A : memref<!tpu.dma_semaphore, #tpu.memory_space<semaphore_mem>>) {add = true}
        %dma_wait3A_38 = arith.constant 0 : i32
        %dma_wait3A_39 = tpu.memref_slice %arg8[%scan3A_17, %dma_wait3A_38] : memref<79x128xi32, #tpu.memory_space<vmem>> -> memref<1x128xi32, #tpu.memory_space<vmem>>
        %dma_wait3A_40 = tpu.memref_squeeze %dma_wait3A_39 : memref<1x128xi32, #tpu.memory_space<vmem>> -> memref<128xi32, #tpu.memory_space<vmem>>
        %dma_wait3A_41 = arith.constant 0 : i32
        %dma_wait3A_42 = arith.constant 0 : i32
        %dma_wait3A_43 = tpu.memref_slice %arg10[%dma_wait3A_41, %dma_wait3A_42] : memref<10112x128xf32, #tpu.memory_space<vmem_shared>> -> memref<10112x128xf32, #tpu.memory_space<vmem_shared>>
        tpu.wait_indirect_dma semaphore(%run_scoped3A : memref<!tpu.dma_semaphore, #tpu.memory_space<semaphore_mem>>) src(%arg9 : memref<128x128xf32, #tpu.memory_space<vmem>>) dst(%dma_wait3A_43 : memref<10112x128xf32, #tpu.memory_space<vmem_shared>>)
        tpu.yield
      }) : () -> ()
    }
    %scan3A_9 = arith.constant 79 : i32
    %barrier3A_10 = arith.constant 0 : index
    tpu.barrier barrier_id(%barrier3A_10)
    %lt3A = arith.constant 15 : i32
    %lt3A_11 = arith.cmpi slt, %arg1, %lt3A : i32
    %convert_element_type3A = arith.extui %lt3A_11 : i1 to i32
    %cond3A = arith.constant 0 : i32
    %cond3A_12 = arith.cmpi ne, %convert_element_type3A, %cond3A : i32
    scf.if %cond3A_12 {
      %mul3A_17 = arith.constant 632 : i32
      %mul3A_18 = arith.muli %arg1, %mul3A_17 : i32
      %mul3A_19 = arith.constant 632 : i32
      %mul3A_20 = arith.muli %arg1, %mul3A_19 : i32
      "tpu.region"() ({
        %run_scoped3A = tpu.sem_alloc : memref<!tpu.dma_semaphore, #tpu.memory_space<semaphore_mem>>
        %dma_start3A = arith.constant 0 : i32
        %dma_start3A_21 = tpu.memref_slice %arg6[%arg0, %mul3A_20, %dma_start3A] : memref<2x10000x128xf32, #tpu.memory_space<hbm>> -> memref<1x632x128xf32, #tpu.memory_space<hbm>>
        %dma_start3A_22 = tpu.memref_squeeze %dma_start3A_21 : memref<1x632x128xf32, #tpu.memory_space<hbm>> -> memref<632x128xf32, #tpu.memory_space<hbm>>
        %dma_start3A_23 = arith.constant 0 : i32
        %dma_start3A_24 = tpu.memref_slice %arg10[%mul3A_18, %dma_start3A_23] : memref<10112x128xf32, #tpu.memory_space<vmem_shared>> -> memref<632x128xf32, #tpu.memory_space<vmem_shared>>
        tpu.enqueue_dma source(%dma_start3A_24 : memref<632x128xf32, #tpu.memory_space<vmem_shared>>) target(%dma_start3A_22 : memref<632x128xf32, #tpu.memory_space<hbm>>) target_semaphore(%run_scoped3A : memref<!tpu.dma_semaphore, #tpu.memory_space<semaphore_mem>>)
        %dma_wait3A = arith.constant 0 : i32
        %dma_wait3A_25 = tpu.memref_slice %arg6[%arg0, %mul3A_20, %dma_wait3A] : memref<2x10000x128xf32, #tpu.memory_space<hbm>> -> memref<1x632x128xf32, #tpu.memory_space<hbm>>
        %dma_wait3A_26 = tpu.memref_squeeze %dma_wait3A_25 : memref<1x632x128xf32, #tpu.memory_space<hbm>> -> memref<632x128xf32, #tpu.memory_space<hbm>>
        %dma_wait3A_27 = arith.constant 0 : i32
        %dma_wait3A_28 = tpu.memref_slice %arg10[%mul3A_18, %dma_wait3A_27] : memref<10112x128xf32, #tpu.memory_space<vmem_shared>> -> memref<632x128xf32, #tpu.memory_space<vmem_shared>>
        tpu.wait_dma2 semaphore(%run_scoped3A : memref<!tpu.dma_semaphore, #tpu.memory_space<semaphore_mem>>) src(%dma_wait3A_28 : memref<632x128xf32, #tpu.memory_space<vmem_shared>>) dst(%dma_wait3A_26 : memref<632x128xf32, #tpu.memory_space<hbm>>)
        tpu.yield
      }) : () -> ()
    } else {
    }
    %eq3A = arith.constant 15 : i32
    %eq3A_13 = arith.cmpi eq, %arg1, %eq3A : i32
    %convert_element_type3A_14 = arith.extui %eq3A_13 : i1 to i32
    %cond3A_15 = arith.constant 0 : i32
    %cond3A_16 = arith.cmpi ne, %convert_element_type3A_14, %cond3A_15 : i32
    scf.if %cond3A_16 {
      "tpu.region"() ({
        %run_scoped3A = tpu.sem_alloc : memref<!tpu.dma_semaphore, #tpu.memory_space<semaphore_mem>>
        %dma_start3A = arith.constant 9480 : i32
        %dma_start3A_17 = arith.constant 0 : i32
        %dma_start3A_18 = tpu.memref_slice %arg6[%arg0, %dma_start3A, %dma_start3A_17] : memref<2x10000x128xf32, #tpu.memory_space<hbm>> -> memref<1x520x128xf32, #tpu.memory_space<hbm>>
        %dma_start3A_19 = tpu.memref_squeeze %dma_start3A_18 : memref<1x520x128xf32, #tpu.memory_space<hbm>> -> memref<520x128xf32, #tpu.memory_space<hbm>>
        %dma_start3A_20 = arith.constant 9480 : i32
        %dma_start3A_21 = arith.constant 0 : i32
        %dma_start3A_22 = tpu.memref_slice %arg10[%dma_start3A_20, %dma_start3A_21] : memref<10112x128xf32, #tpu.memory_space<vmem_shared>> -> memref<520x128xf32, #tpu.memory_space<vmem_shared>>
        tpu.enqueue_dma source(%dma_start3A_22 : memref<520x128xf32, #tpu.memory_space<vmem_shared>>) target(%dma_start3A_19 : memref<520x128xf32, #tpu.memory_space<hbm>>) target_semaphore(%run_scoped3A : memref<!tpu.dma_semaphore, #tpu.memory_space<semaphore_mem>>)
        %dma_wait3A = arith.constant 9480 : i32
        %dma_wait3A_23 = arith.constant 0 : i32
        %dma_wait3A_24 = tpu.memref_slice %arg6[%arg0, %dma_wait3A, %dma_wait3A_23] : memref<2x10000x128xf32, #tpu.memory_space<hbm>> -> memref<1x520x128xf32, #tpu.memory_space<hbm>>
        %dma_wait3A_25 = tpu.memref_squeeze %dma_wait3A_24 : memref<1x520x128xf32, #tpu.memory_space<hbm>> -> memref<520x128xf32, #tpu.memory_space<hbm>>
        %dma_wait3A_26 = arith.constant 9480 : i32
        %dma_wait3A_27 = arith.constant 0 : i32
        %dma_wait3A_28 = tpu.memref_slice %arg10[%dma_wait3A_26, %dma_wait3A_27] : memref<10112x128xf32, #tpu.memory_space<vmem_shared>> -> memref<520x128xf32, #tpu.memory_space<vmem_shared>>
        tpu.wait_dma2 semaphore(%run_scoped3A : memref<!tpu.dma_semaphore, #tpu.memory_space<semaphore_mem>>) src(%dma_wait3A_28 : memref<520x128xf32, #tpu.memory_space<vmem_shared>>) dst(%dma_wait3A_25 : memref<520x128xf32, #tpu.memory_space<hbm>>)
        tpu.yield
      }) : () -> ()
    } else {
    }
    return
  }
}

#map = affine_map<(d0, d1) -> (0, 0)>
#map1 = affine_map<(d0, d1) -> (0, 0, 0)>
module attributes {stable_mosaic.version = 14 : i64} {
  func.func @body(%arg0: i32, %arg1: i32, %arg2: memref<10000x128xf32, #tpu.memory_space<hbm>>, %arg3: memref<32x79x128xi32, #tpu.memory_space<hbm>>, %arg4: memref<32x79x128xi32, #tpu.memory_space<hbm>>, %arg5: memref<10112x128xf32, #tpu.memory_space<hbm>>, %arg6: memref<2x10000x128xf32, #tpu.memory_space<hbm>>, %arg7: memref<79x128xi32, #tpu.memory_space<vmem>>, %arg8: memref<79x128xi32, #tpu.memory_space<vmem>>, %arg9: memref<128x128xf32, #tpu.memory_space<vmem>>, %arg10: memref<10112x128xf32, #tpu.memory_space<vmem_shared>>, %arg11: memref<!tpu.dma_semaphore, #tpu.memory_space<semaphore_mem>>) attributes {dimension_semantics = [#tpu.dimension_semantics<core_parallel>, #tpu.dimension_semantics<subcore_parallel>], iteration_bounds = array<i64: 2, 16>, scalar_prefetch = 0 : i64, scratch_operands = 5 : i64, tpu.core_type = #tpu.core_type<sc_vector_subcore>, window_params = [{transform_indices = #map}, {transform_indices = #map1}, {transform_indices = #map1}, {transform_indices = #map}, {transform_indices = #map1}]} {
    %mul3A = arith.constant 16 : i32
    %mul3A_0 = arith.muli %arg0, %mul3A : i32
    %add3A = arith.addi %mul3A_0, %arg1 : i32
    %mul3A_1 = arith.constant 632 : i32
    %mul3A_2 = arith.muli %arg1, %mul3A_1 : i32
    %mul3A_3 = arith.constant 632 : i32
    %mul3A_4 = arith.muli %arg1, %mul3A_3 : i32
    "tpu.region"() ({
      %run_scoped3A = tpu.sem_alloc : memref<!tpu.dma_semaphore, #tpu.memory_space<semaphore_mem>>
      %dma_start3A = arith.constant 0 : i32
      %dma_start3A_17 = tpu.memref_slice %arg10[%mul3A_4, %dma_start3A] : memref<10112x128xf32, #tpu.memory_space<vmem_shared>> -> memref<632x128xf32, #tpu.memory_space<vmem_shared>>
      %dma_start3A_18 = arith.constant 0 : i32
      %dma_start3A_19 = tpu.memref_slice %arg5[%mul3A_2, %dma_start3A_18] : memref<10112x128xf32, #tpu.memory_space<hbm>> -> memref<632x128xf32, #tpu.memory_space<hbm>>
      tpu.enqueue_dma source(%dma_start3A_19 : memref<632x128xf32, #tpu.memory_space<hbm>>) target(%dma_start3A_17 : memref<632x128xf32, #tpu.memory_space<vmem_shared>>) target_semaphore(%run_scoped3A : memref<!tpu.dma_semaphore, #tpu.memory_space<semaphore_mem>>)
      %dma_wait3A = arith.constant 0 : i32
      %dma_wait3A_20 = tpu.memref_slice %arg10[%mul3A_4, %dma_wait3A] : memref<10112x128xf32, #tpu.memory_space<vmem_shared>> -> memref<632x128xf32, #tpu.memory_space<vmem_shared>>
      %dma_wait3A_21 = arith.constant 0 : i32
      %dma_wait3A_22 = tpu.memref_slice %arg5[%mul3A_2, %dma_wait3A_21] : memref<10112x128xf32, #tpu.memory_space<hbm>> -> memref<632x128xf32, #tpu.memory_space<hbm>>
      tpu.wait_dma2 semaphore(%run_scoped3A : memref<!tpu.dma_semaphore, #tpu.memory_space<semaphore_mem>>) src(%dma_wait3A_22 : memref<632x128xf32, #tpu.memory_space<hbm>>) dst(%dma_wait3A_20 : memref<632x128xf32, #tpu.memory_space<vmem_shared>>)
      tpu.yield
    }) : () -> ()
    "tpu.region"() ({
      %run_scoped3A = tpu.sem_alloc : memref<!tpu.dma_semaphore, #tpu.memory_space<semaphore_mem>>
      %dma_start3A = arith.constant 0 : i32
      %dma_start3A_17 = arith.constant 0 : i32
      %dma_start3A_18 = tpu.memref_slice %arg3[%add3A, %dma_start3A, %dma_start3A_17] : memref<32x79x128xi32, #tpu.memory_space<hbm>> -> memref<1x79x128xi32, #tpu.memory_space<hbm>>
      %dma_start3A_19 = tpu.memref_squeeze %dma_start3A_18 : memref<1x79x128xi32, #tpu.memory_space<hbm>> -> memref<79x128xi32, #tpu.memory_space<hbm>>
      %dma_start3A_20 = arith.constant 0 : i32
      %dma_start3A_21 = arith.constant 0 : i32
      %dma_start3A_22 = tpu.memref_slice %arg3[%add3A, %dma_start3A_20, %dma_start3A_21] : memref<32x79x128xi32, #tpu.memory_space<hbm>> -> memref<1x79x128xi32, #tpu.memory_space<hbm>>
      %dma_start3A_23 = tpu.memref_squeeze %dma_start3A_22 : memref<1x79x128xi32, #tpu.memory_space<hbm>> -> memref<79x128xi32, #tpu.memory_space<hbm>>
      tpu.enqueue_dma source(%dma_start3A_23 : memref<79x128xi32, #tpu.memory_space<hbm>>) target(%arg7 : memref<79x128xi32, #tpu.memory_space<vmem>>) target_semaphore(%run_scoped3A : memref<!tpu.dma_semaphore, #tpu.memory_space<semaphore_mem>>)
      %dma_wait3A = arith.constant 0 : i32
      %dma_wait3A_24 = arith.constant 0 : i32
      %dma_wait3A_25 = tpu.memref_slice %arg3[%add3A, %dma_wait3A, %dma_wait3A_24] : memref<32x79x128xi32, #tpu.memory_space<hbm>> -> memref<1x79x128xi32, #tpu.memory_space<hbm>>
      %dma_wait3A_26 = tpu.memref_squeeze %dma_wait3A_25 : memref<1x79x128xi32, #tpu.memory_space<hbm>> -> memref<79x128xi32, #tpu.memory_space<hbm>>
      %dma_wait3A_27 = arith.constant 0 : i32
      %dma_wait3A_28 = arith.constant 0 : i32
      %dma_wait3A_29 = tpu.memref_slice %arg3[%add3A, %dma_wait3A_27, %dma_wait3A_28] : memref<32x79x128xi32, #tpu.memory_space<hbm>> -> memref<1x79x128xi32, #tpu.memory_space<hbm>>
      %dma_wait3A_30 = tpu.memref_squeeze %dma_wait3A_29 : memref<1x79x128xi32, #tpu.memory_space<hbm>> -> memref<79x128xi32, #tpu.memory_space<hbm>>
      tpu.wait_dma2 semaphore(%run_scoped3A : memref<!tpu.dma_semaphore, #tpu.memory_space<semaphore_mem>>) src(%dma_wait3A_30 : memref<79x128xi32, #tpu.memory_space<hbm>>) dst(%arg7 : memref<79x128xi32, #tpu.memory_space<vmem>>)
      tpu.yield
    }) : () -> ()
    "tpu.region"() ({
      %run_scoped3A = tpu.sem_alloc : memref<!tpu.dma_semaphore, #tpu.memory_space<semaphore_mem>>
      %dma_start3A = arith.constant 0 : i32
      %dma_start3A_17 = arith.constant 0 : i32
      %dma_start3A_18 = tpu.memref_slice %arg4[%add3A, %dma_start3A, %dma_start3A_17] : memref<32x79x128xi32, #tpu.memory_space<hbm>> -> memref<1x79x128xi32, #tpu.memory_space<hbm>>
      %dma_start3A_19 = tpu.memref_squeeze %dma_start3A_18 : memref<1x79x128xi32, #tpu.memory_space<hbm>> -> memref<79x128xi32, #tpu.memory_space<hbm>>
      %dma_start3A_20 = arith.constant 0 : i32
      %dma_start3A_21 = arith.constant 0 : i32
      %dma_start3A_22 = tpu.memref_slice %arg4[%add3A, %dma_start3A_20, %dma_start3A_21] : memref<32x79x128xi32, #tpu.memory_space<hbm>> -> memref<1x79x128xi32, #tpu.memory_space<hbm>>
      %dma_start3A_23 = tpu.memref_squeeze %dma_start3A_22 : memref<1x79x128xi32, #tpu.memory_space<hbm>> -> memref<79x128xi32, #tpu.memory_space<hbm>>
      tpu.enqueue_dma source(%dma_start3A_23 : memref<79x128xi32, #tpu.memory_space<hbm>>) target(%arg8 : memref<79x128xi32, #tpu.memory_space<vmem>>) target_semaphore(%run_scoped3A : memref<!tpu.dma_semaphore, #tpu.memory_space<semaphore_mem>>)
      %dma_wait3A = arith.constant 0 : i32
      %dma_wait3A_24 = arith.constant 0 : i32
      %dma_wait3A_25 = tpu.memref_slice %arg4[%add3A, %dma_wait3A, %dma_wait3A_24] : memref<32x79x128xi32, #tpu.memory_space<hbm>> -> memref<1x79x128xi32, #tpu.memory_space<hbm>>
      %dma_wait3A_26 = tpu.memref_squeeze %dma_wait3A_25 : memref<1x79x128xi32, #tpu.memory_space<hbm>> -> memref<79x128xi32, #tpu.memory_space<hbm>>
      %dma_wait3A_27 = arith.constant 0 : i32
      %dma_wait3A_28 = arith.constant 0 : i32
      %dma_wait3A_29 = tpu.memref_slice %arg4[%add3A, %dma_wait3A_27, %dma_wait3A_28] : memref<32x79x128xi32, #tpu.memory_space<hbm>> -> memref<1x79x128xi32, #tpu.memory_space<hbm>>
      %dma_wait3A_30 = tpu.memref_squeeze %dma_wait3A_29 : memref<1x79x128xi32, #tpu.memory_space<hbm>> -> memref<79x128xi32, #tpu.memory_space<hbm>>
      tpu.wait_dma2 semaphore(%run_scoped3A : memref<!tpu.dma_semaphore, #tpu.memory_space<semaphore_mem>>) src(%dma_wait3A_30 : memref<79x128xi32, #tpu.memory_space<hbm>>) dst(%arg8 : memref<79x128xi32, #tpu.memory_space<vmem>>)
      tpu.yield
    }) : () -> ()
    %barrier3A = arith.constant 0 : index
    tpu.barrier barrier_id(%barrier3A)
    %scan3A = arith.constant 0 : i32
    %scan3A_5 = arith.constant 0 : i32
    %scan3A_6 = arith.constant 79 : i32
    %scan3A_7 = arith.addi %scan3A_5, %scan3A_6 : i32
    %scan3A_8 = arith.constant 1 : i32
    scf.for %scan3A_17 = %scan3A_5 to %scan3A_7 step %scan3A_8  : i32 {
      %dma_start3A = arith.constant 0 : i32
      %dma_start3A_18 = tpu.memref_slice %arg7[%scan3A_17, %dma_start3A] : memref<79x128xi32, #tpu.memory_space<vmem>> -> memref<1x128xi32, #tpu.memory_space<vmem>>
      %dma_start3A_19 = tpu.memref_squeeze %dma_start3A_18 : memref<1x128xi32, #tpu.memory_space<vmem>> -> memref<128xi32, #tpu.memory_space<vmem>>
      %dma_start3A_20 = arith.constant 0 : i32
      %dma_start3A_21 = arith.constant 0 : i32
      %dma_start3A_22 = tpu.memref_slice %arg2[%dma_start3A_20, %dma_start3A_21] : memref<10000x128xf32, #tpu.memory_space<hbm>> -> memref<10000x128xf32, #tpu.memory_space<hbm>>
      tpu.enqueue_indirect_dma source(%dma_start3A_22 : memref<10000x128xf32, #tpu.memory_space<hbm>>) target(%arg9 : memref<128x128xf32, #tpu.memory_space<vmem>>) offsets(%dma_start3A_19 : memref<128xi32, #tpu.memory_space<vmem>>) semaphore(%arg11 : memref<!tpu.dma_semaphore, #tpu.memory_space<semaphore_mem>>)
      %dma_wait3A = arith.constant 0 : i32
      %dma_wait3A_23 = tpu.memref_slice %arg7[%scan3A_17, %dma_wait3A] : memref<79x128xi32, #tpu.memory_space<vmem>> -> memref<1x128xi32, #tpu.memory_space<vmem>>
      %dma_wait3A_24 = tpu.memref_squeeze %dma_wait3A_23 : memref<1x128xi32, #tpu.memory_space<vmem>> -> memref<128xi32, #tpu.memory_space<vmem>>
      %dma_wait3A_25 = arith.constant 0 : i32
      %dma_wait3A_26 = arith.constant 0 : i32
      %dma_wait3A_27 = tpu.memref_slice %arg2[%dma_wait3A_25, %dma_wait3A_26] : memref<10000x128xf32, #tpu.memory_space<hbm>> -> memref<10000x128xf32, #tpu.memory_space<hbm>>
      tpu.wait_indirect_dma semaphore(%arg11 : memref<!tpu.dma_semaphore, #tpu.memory_space<semaphore_mem>>) src(%dma_wait3A_27 : memref<10000x128xf32, #tpu.memory_space<hbm>>) dst(%arg9 : memref<128x128xf32, #tpu.memory_space<vmem>>)
      "tpu.region"() ({
        %run_scoped3A = tpu.sem_alloc : memref<!tpu.dma_semaphore, #tpu.memory_space<semaphore_mem>>
        %dma_start3A_28 = arith.constant 0 : i32
        %dma_start3A_29 = tpu.memref_slice %arg8[%scan3A_17, %dma_start3A_28] : memref<79x128xi32, #tpu.memory_space<vmem>> -> memref<1x128xi32, #tpu.memory_space<vmem>>
        %dma_start3A_30 = tpu.memref_squeeze %dma_start3A_29 : memref<1x128xi32, #tpu.memory_space<vmem>> -> memref<128xi32, #tpu.memory_space<vmem>>
        %dma_start3A_31 = arith.constant 0 : i32
        %dma_start3A_32 = arith.constant 0 : i32
        %dma_start3A_33 = tpu.memref_slice %arg10[%dma_start3A_31, %dma_start3A_32] : memref<10112x128xf32, #tpu.memory_space<vmem_shared>> -> memref<10112x128xf32, #tpu.memory_space<vmem_shared>>
        tpu.enqueue_indirect_dma source(%arg9 : memref<128x128xf32, #tpu.memory_space<vmem>>) target(%dma_start3A_33 : memref<10112x128xf32, #tpu.memory_space<vmem_shared>>) offsets(%dma_start3A_30 : memref<128xi32, #tpu.memory_space<vmem>>) semaphore(%run_scoped3A : memref<!tpu.dma_semaphore, #tpu.memory_space<semaphore_mem>>) {add = true}
        %dma_wait3A_34 = arith.constant 0 : i32
        %dma_wait3A_35 = tpu.memref_slice %arg8[%scan3A_17, %dma_wait3A_34] : memref<79x128xi32, #tpu.memory_space<vmem>> -> memref<1x128xi32, #tpu.memory_space<vmem>>
        %dma_wait3A_36 = tpu.memref_squeeze %dma_wait3A_35 : memref<1x128xi32, #tpu.memory_space<vmem>> -> memref<128xi32, #tpu.memory_space<vmem>>
        %dma_wait3A_37 = arith.constant 0 : i32
        %dma_wait3A_38 = arith.constant 0 : i32
        %dma_wait3A_39 = tpu.memref_slice %arg10[%dma_wait3A_37, %dma_wait3A_38] : memref<10112x128xf32, #tpu.memory_space<vmem_shared>> -> memref<10112x128xf32, #tpu.memory_space<vmem_shared>>
        tpu.wait_indirect_dma semaphore(%run_scoped3A : memref<!tpu.dma_semaphore, #tpu.memory_space<semaphore_mem>>) src(%arg9 : memref<128x128xf32, #tpu.memory_space<vmem>>) dst(%dma_wait3A_39 : memref<10112x128xf32, #tpu.memory_space<vmem_shared>>)
        tpu.yield
      }) : () -> ()
    }
    %scan3A_9 = arith.constant 79 : i32
    %barrier3A_10 = arith.constant 0 : index
    tpu.barrier barrier_id(%barrier3A_10)
    %lt3A = arith.constant 15 : i32
    %lt3A_11 = arith.cmpi slt, %arg1, %lt3A : i32
    %convert_element_type3A = arith.extui %lt3A_11 : i1 to i32
    %cond3A = arith.constant 0 : i32
    %cond3A_12 = arith.cmpi ne, %convert_element_type3A, %cond3A : i32
    scf.if %cond3A_12 {
      %mul3A_17 = arith.constant 632 : i32
      %mul3A_18 = arith.muli %arg1, %mul3A_17 : i32
      %mul3A_19 = arith.constant 632 : i32
      %mul3A_20 = arith.muli %arg1, %mul3A_19 : i32
      "tpu.region"() ({
        %run_scoped3A = tpu.sem_alloc : memref<!tpu.dma_semaphore, #tpu.memory_space<semaphore_mem>>
        %dma_start3A = arith.constant 0 : i32
        %dma_start3A_21 = tpu.memref_slice %arg6[%arg0, %mul3A_20, %dma_start3A] : memref<2x10000x128xf32, #tpu.memory_space<hbm>> -> memref<1x632x128xf32, #tpu.memory_space<hbm>>
        %dma_start3A_22 = tpu.memref_squeeze %dma_start3A_21 : memref<1x632x128xf32, #tpu.memory_space<hbm>> -> memref<632x128xf32, #tpu.memory_space<hbm>>
        %dma_start3A_23 = arith.constant 0 : i32
        %dma_start3A_24 = tpu.memref_slice %arg10[%mul3A_18, %dma_start3A_23] : memref<10112x128xf32, #tpu.memory_space<vmem_shared>> -> memref<632x128xf32, #tpu.memory_space<vmem_shared>>
        tpu.enqueue_dma source(%dma_start3A_24 : memref<632x128xf32, #tpu.memory_space<vmem_shared>>) target(%dma_start3A_22 : memref<632x128xf32, #tpu.memory_space<hbm>>) target_semaphore(%run_scoped3A : memref<!tpu.dma_semaphore, #tpu.memory_space<semaphore_mem>>)
        %dma_wait3A = arith.constant 0 : i32
        %dma_wait3A_25 = tpu.memref_slice %arg6[%arg0, %mul3A_20, %dma_wait3A] : memref<2x10000x128xf32, #tpu.memory_space<hbm>> -> memref<1x632x128xf32, #tpu.memory_space<hbm>>
        %dma_wait3A_26 = tpu.memref_squeeze %dma_wait3A_25 : memref<1x632x128xf32, #tpu.memory_space<hbm>> -> memref<632x128xf32, #tpu.memory_space<hbm>>
        %dma_wait3A_27 = arith.constant 0 : i32
        %dma_wait3A_28 = tpu.memref_slice %arg10[%mul3A_18, %dma_wait3A_27] : memref<10112x128xf32, #tpu.memory_space<vmem_shared>> -> memref<632x128xf32, #tpu.memory_space<vmem_shared>>
        tpu.wait_dma2 semaphore(%run_scoped3A : memref<!tpu.dma_semaphore, #tpu.memory_space<semaphore_mem>>) src(%dma_wait3A_28 : memref<632x128xf32, #tpu.memory_space<vmem_shared>>) dst(%dma_wait3A_26 : memref<632x128xf32, #tpu.memory_space<hbm>>)
        tpu.yield
      }) : () -> ()
    } else {
    }
    %eq3A = arith.constant 15 : i32
    %eq3A_13 = arith.cmpi eq, %arg1, %eq3A : i32
    %convert_element_type3A_14 = arith.extui %eq3A_13 : i1 to i32
    %cond3A_15 = arith.constant 0 : i32
    %cond3A_16 = arith.cmpi ne, %convert_element_type3A_14, %cond3A_15 : i32
    scf.if %cond3A_16 {
      "tpu.region"() ({
        %run_scoped3A = tpu.sem_alloc : memref<!tpu.dma_semaphore, #tpu.memory_space<semaphore_mem>>
        %dma_start3A = arith.constant 9480 : i32
        %dma_start3A_17 = arith.constant 0 : i32
        %dma_start3A_18 = tpu.memref_slice %arg6[%arg0, %dma_start3A, %dma_start3A_17] : memref<2x10000x128xf32, #tpu.memory_space<hbm>> -> memref<1x520x128xf32, #tpu.memory_space<hbm>>
        %dma_start3A_19 = tpu.memref_squeeze %dma_start3A_18 : memref<1x520x128xf32, #tpu.memory_space<hbm>> -> memref<520x128xf32, #tpu.memory_space<hbm>>
        %dma_start3A_20 = arith.constant 9480 : i32
        %dma_start3A_21 = arith.constant 0 : i32
        %dma_start3A_22 = tpu.memref_slice %arg10[%dma_start3A_20, %dma_start3A_21] : memref<10112x128xf32, #tpu.memory_space<vmem_shared>> -> memref<520x128xf32, #tpu.memory_space<vmem_shared>>
        tpu.enqueue_dma source(%dma_start3A_22 : memref<520x128xf32, #tpu.memory_space<vmem_shared>>) target(%dma_start3A_19 : memref<520x128xf32, #tpu.memory_space<hbm>>) target_semaphore(%run_scoped3A : memref<!tpu.dma_semaphore, #tpu.memory_space<semaphore_mem>>)
        %dma_wait3A = arith.constant 9480 : i32
        %dma_wait3A_23 = arith.constant 0 : i32
        %dma_wait3A_24 = tpu.memref_slice %arg6[%arg0, %dma_wait3A, %dma_wait3A_23] : memref<2x10000x128xf32, #tpu.memory_space<hbm>> -> memref<1x520x128xf32, #tpu.memory_space<hbm>>
        %dma_wait3A_25 = tpu.memref_squeeze %dma_wait3A_24 : memref<1x520x128xf32, #tpu.memory_space<hbm>> -> memref<520x128xf32, #tpu.memory_space<hbm>>
        %dma_wait3A_26 = arith.constant 9480 : i32
        %dma_wait3A_27 = arith.constant 0 : i32
        %dma_wait3A_28 = tpu.memref_slice %arg10[%dma_wait3A_26, %dma_wait3A_27] : memref<10112x128xf32, #tpu.memory_space<vmem_shared>> -> memref<520x128xf32, #tpu.memory_space<vmem_shared>>
        tpu.wait_dma2 semaphore(%run_scoped3A : memref<!tpu.dma_semaphore, #tpu.memory_space<semaphore_mem>>) src(%dma_wait3A_28 : memref<520x128xf32, #tpu.memory_space<vmem_shared>>) dst(%dma_wait3A_25 : memref<520x128xf32, #tpu.memory_space<hbm>>)
        tpu.yield
      }) : () -> ()
    } else {
    }
    return
  }
}

#map = affine_map<(d0, d1) -> (0, 0)>
#map1 = affine_map<(d0, d1) -> (0, 0, 0)>
module attributes {stable_mosaic.version = 14 : i64} {
  func.func @body(%arg0: i32, %arg1: i32, %arg2: memref<10000x128xf32, #tpu.memory_space<hbm>>, %arg3: memref<32x79x128xi32, #tpu.memory_space<hbm>>, %arg4: memref<32x79x128xi32, #tpu.memory_space<hbm>>, %arg5: memref<10112x128xf32, #tpu.memory_space<hbm>>, %arg6: memref<2x10000x128xf32, #tpu.memory_space<hbm>>, %arg7: memref<79x128xi32, #tpu.memory_space<vmem>>, %arg8: memref<79x128xi32, #tpu.memory_space<vmem>>, %arg9: memref<128x128xf32, #tpu.memory_space<vmem>>, %arg10: memref<10112x128xf32, #tpu.memory_space<vmem_shared>>, %arg11: memref<!tpu.dma_semaphore, #tpu.memory_space<semaphore_mem>>) attributes {dimension_semantics = [#tpu.dimension_semantics<core_parallel>, #tpu.dimension_semantics<subcore_parallel>], iteration_bounds = array<i64: 2, 16>, scalar_prefetch = 0 : i64, scratch_operands = 5 : i64, tpu.core_type = #tpu.core_type<sc_vector_subcore>, window_params = [{transform_indices = #map}, {transform_indices = #map1}, {transform_indices = #map1}, {transform_indices = #map}, {transform_indices = #map1}]} {
    %mul3A = arith.constant 16 : i32
    %mul3A_0 = arith.muli %arg0, %mul3A : i32
    %add3A = arith.addi %mul3A_0, %arg1 : i32
    %mul3A_1 = arith.constant 632 : i32
    %mul3A_2 = arith.muli %arg1, %mul3A_1 : i32
    %mul3A_3 = arith.constant 632 : i32
    %mul3A_4 = arith.muli %arg1, %mul3A_3 : i32
    "tpu.region"() ({
      %run_scoped3A = tpu.sem_alloc : memref<!tpu.dma_semaphore, #tpu.memory_space<semaphore_mem>>
      %dma_start3A = arith.constant 0 : i32
      %dma_start3A_17 = tpu.memref_slice %arg10[%mul3A_4, %dma_start3A] : memref<10112x128xf32, #tpu.memory_space<vmem_shared>> -> memref<632x128xf32, #tpu.memory_space<vmem_shared>>
      %dma_start3A_18 = arith.constant 0 : i32
      %dma_start3A_19 = tpu.memref_slice %arg5[%mul3A_2, %dma_start3A_18] : memref<10112x128xf32, #tpu.memory_space<hbm>> -> memref<632x128xf32, #tpu.memory_space<hbm>>
      tpu.enqueue_dma source(%dma_start3A_19 : memref<632x128xf32, #tpu.memory_space<hbm>>) target(%dma_start3A_17 : memref<632x128xf32, #tpu.memory_space<vmem_shared>>) target_semaphore(%run_scoped3A : memref<!tpu.dma_semaphore, #tpu.memory_space<semaphore_mem>>)
      %dma_wait3A = arith.constant 0 : i32
      %dma_wait3A_20 = tpu.memref_slice %arg10[%mul3A_4, %dma_wait3A] : memref<10112x128xf32, #tpu.memory_space<vmem_shared>> -> memref<632x128xf32, #tpu.memory_space<vmem_shared>>
      %dma_wait3A_21 = arith.constant 0 : i32
      %dma_wait3A_22 = tpu.memref_slice %arg5[%mul3A_2, %dma_wait3A_21] : memref<10112x128xf32, #tpu.memory_space<hbm>> -> memref<632x128xf32, #tpu.memory_space<hbm>>
      tpu.wait_dma2 semaphore(%run_scoped3A : memref<!tpu.dma_semaphore, #tpu.memory_space<semaphore_mem>>) src(%dma_wait3A_22 : memref<632x128xf32, #tpu.memory_space<hbm>>) dst(%dma_wait3A_20 : memref<632x128xf32, #tpu.memory_space<vmem_shared>>)
      tpu.yield
    }) : () -> ()
    "tpu.region"() ({
      %run_scoped3A = tpu.sem_alloc : memref<!tpu.dma_semaphore, #tpu.memory_space<semaphore_mem>>
      %dma_start3A = arith.constant 0 : i32
      %dma_start3A_17 = arith.constant 0 : i32
      %dma_start3A_18 = tpu.memref_slice %arg3[%add3A, %dma_start3A, %dma_start3A_17] : memref<32x79x128xi32, #tpu.memory_space<hbm>> -> memref<1x79x128xi32, #tpu.memory_space<hbm>>
      %dma_start3A_19 = tpu.memref_squeeze %dma_start3A_18 : memref<1x79x128xi32, #tpu.memory_space<hbm>> -> memref<79x128xi32, #tpu.memory_space<hbm>>
      %dma_start3A_20 = arith.constant 0 : i32
      %dma_start3A_21 = arith.constant 0 : i32
      %dma_start3A_22 = tpu.memref_slice %arg3[%add3A, %dma_start3A_20, %dma_start3A_21] : memref<32x79x128xi32, #tpu.memory_space<hbm>> -> memref<1x79x128xi32, #tpu.memory_space<hbm>>
      %dma_start3A_23 = tpu.memref_squeeze %dma_start3A_22 : memref<1x79x128xi32, #tpu.memory_space<hbm>> -> memref<79x128xi32, #tpu.memory_space<hbm>>
      tpu.enqueue_dma source(%dma_start3A_23 : memref<79x128xi32, #tpu.memory_space<hbm>>) target(%arg7 : memref<79x128xi32, #tpu.memory_space<vmem>>) target_semaphore(%run_scoped3A : memref<!tpu.dma_semaphore, #tpu.memory_space<semaphore_mem>>)
      %dma_wait3A = arith.constant 0 : i32
      %dma_wait3A_24 = arith.constant 0 : i32
      %dma_wait3A_25 = tpu.memref_slice %arg3[%add3A, %dma_wait3A, %dma_wait3A_24] : memref<32x79x128xi32, #tpu.memory_space<hbm>> -> memref<1x79x128xi32, #tpu.memory_space<hbm>>
      %dma_wait3A_26 = tpu.memref_squeeze %dma_wait3A_25 : memref<1x79x128xi32, #tpu.memory_space<hbm>> -> memref<79x128xi32, #tpu.memory_space<hbm>>
      %dma_wait3A_27 = arith.constant 0 : i32
      %dma_wait3A_28 = arith.constant 0 : i32
      %dma_wait3A_29 = tpu.memref_slice %arg3[%add3A, %dma_wait3A_27, %dma_wait3A_28] : memref<32x79x128xi32, #tpu.memory_space<hbm>> -> memref<1x79x128xi32, #tpu.memory_space<hbm>>
      %dma_wait3A_30 = tpu.memref_squeeze %dma_wait3A_29 : memref<1x79x128xi32, #tpu.memory_space<hbm>> -> memref<79x128xi32, #tpu.memory_space<hbm>>
      tpu.wait_dma2 semaphore(%run_scoped3A : memref<!tpu.dma_semaphore, #tpu.memory_space<semaphore_mem>>) src(%dma_wait3A_30 : memref<79x128xi32, #tpu.memory_space<hbm>>) dst(%arg7 : memref<79x128xi32, #tpu.memory_space<vmem>>)
      tpu.yield
    }) : () -> ()
    "tpu.region"() ({
      %run_scoped3A = tpu.sem_alloc : memref<!tpu.dma_semaphore, #tpu.memory_space<semaphore_mem>>
      %dma_start3A = arith.constant 0 : i32
      %dma_start3A_17 = arith.constant 0 : i32
      %dma_start3A_18 = tpu.memref_slice %arg4[%add3A, %dma_start3A, %dma_start3A_17] : memref<32x79x128xi32, #tpu.memory_space<hbm>> -> memref<1x79x128xi32, #tpu.memory_space<hbm>>
      %dma_start3A_19 = tpu.memref_squeeze %dma_start3A_18 : memref<1x79x128xi32, #tpu.memory_space<hbm>> -> memref<79x128xi32, #tpu.memory_space<hbm>>
      %dma_start3A_20 = arith.constant 0 : i32
      %dma_start3A_21 = arith.constant 0 : i32
      %dma_start3A_22 = tpu.memref_slice %arg4[%add3A, %dma_start3A_20, %dma_start3A_21] : memref<32x79x128xi32, #tpu.memory_space<hbm>> -> memref<1x79x128xi32, #tpu.memory_space<hbm>>
      %dma_start3A_23 = tpu.memref_squeeze %dma_start3A_22 : memref<1x79x128xi32, #tpu.memory_space<hbm>> -> memref<79x128xi32, #tpu.memory_space<hbm>>
      tpu.enqueue_dma source(%dma_start3A_23 : memref<79x128xi32, #tpu.memory_space<hbm>>) target(%arg8 : memref<79x128xi32, #tpu.memory_space<vmem>>) target_semaphore(%run_scoped3A : memref<!tpu.dma_semaphore, #tpu.memory_space<semaphore_mem>>)
      %dma_wait3A = arith.constant 0 : i32
      %dma_wait3A_24 = arith.constant 0 : i32
      %dma_wait3A_25 = tpu.memref_slice %arg4[%add3A, %dma_wait3A, %dma_wait3A_24] : memref<32x79x128xi32, #tpu.memory_space<hbm>> -> memref<1x79x128xi32, #tpu.memory_space<hbm>>
      %dma_wait3A_26 = tpu.memref_squeeze %dma_wait3A_25 : memref<1x79x128xi32, #tpu.memory_space<hbm>> -> memref<79x128xi32, #tpu.memory_space<hbm>>
      %dma_wait3A_27 = arith.constant 0 : i32
      %dma_wait3A_28 = arith.constant 0 : i32
      %dma_wait3A_29 = tpu.memref_slice %arg4[%add3A, %dma_wait3A_27, %dma_wait3A_28] : memref<32x79x128xi32, #tpu.memory_space<hbm>> -> memref<1x79x128xi32, #tpu.memory_space<hbm>>
      %dma_wait3A_30 = tpu.memref_squeeze %dma_wait3A_29 : memref<1x79x128xi32, #tpu.memory_space<hbm>> -> memref<79x128xi32, #tpu.memory_space<hbm>>
      tpu.wait_dma2 semaphore(%run_scoped3A : memref<!tpu.dma_semaphore, #tpu.memory_space<semaphore_mem>>) src(%dma_wait3A_30 : memref<79x128xi32, #tpu.memory_space<hbm>>) dst(%arg8 : memref<79x128xi32, #tpu.memory_space<vmem>>)
      tpu.yield
    }) : () -> ()
    %barrier3A = arith.constant 0 : index
    tpu.barrier barrier_id(%barrier3A)
    %scan3A = arith.constant 0 : i32
    %scan3A_5 = arith.constant 0 : i32
    %scan3A_6 = arith.constant 79 : i32
    %scan3A_7 = arith.addi %scan3A_5, %scan3A_6 : i32
    %scan3A_8 = arith.constant 1 : i32
    scf.for %scan3A_17 = %scan3A_5 to %scan3A_7 step %scan3A_8  : i32 {
      %dma_start3A = arith.constant 0 : i32
      %dma_start3A_18 = tpu.memref_slice %arg7[%scan3A_17, %dma_start3A] : memref<79x128xi32, #tpu.memory_space<vmem>> -> memref<1x128xi32, #tpu.memory_space<vmem>>
      %dma_start3A_19 = tpu.memref_squeeze %dma_start3A_18 : memref<1x128xi32, #tpu.memory_space<vmem>> -> memref<128xi32, #tpu.memory_space<vmem>>
      %dma_start3A_20 = arith.constant 0 : i32
      %dma_start3A_21 = arith.constant 0 : i32
      %dma_start3A_22 = tpu.memref_slice %arg2[%dma_start3A_20, %dma_start3A_21] : memref<10000x128xf32, #tpu.memory_space<hbm>> -> memref<10000x128xf32, #tpu.memory_space<hbm>>
      tpu.enqueue_indirect_dma source(%dma_start3A_22 : memref<10000x128xf32, #tpu.memory_space<hbm>>) target(%arg9 : memref<128x128xf32, #tpu.memory_space<vmem>>) offsets(%dma_start3A_19 : memref<128xi32, #tpu.memory_space<vmem>>) semaphore(%arg11 : memref<!tpu.dma_semaphore, #tpu.memory_space<semaphore_mem>>)
      %dma_wait3A = arith.constant 0 : i32
      %dma_wait3A_23 = tpu.memref_slice %arg7[%scan3A_17, %dma_wait3A] : memref<79x128xi32, #tpu.memory_space<vmem>> -> memref<1x128xi32, #tpu.memory_space<vmem>>
      %dma_wait3A_24 = tpu.memref_squeeze %dma_wait3A_23 : memref<1x128xi32, #tpu.memory_space<vmem>> -> memref<128xi32, #tpu.memory_space<vmem>>
      %dma_wait3A_25 = arith.constant 0 : i32
      %dma_wait3A_26 = arith.constant 0 : i32
      %dma_wait3A_27 = tpu.memref_slice %arg2[%dma_wait3A_25, %dma_wait3A_26] : memref<10000x128xf32, #tpu.memory_space<hbm>> -> memref<10000x128xf32, #tpu.memory_space<hbm>>
      tpu.wait_indirect_dma semaphore(%arg11 : memref<!tpu.dma_semaphore, #tpu.memory_space<semaphore_mem>>) src(%dma_wait3A_27 : memref<10000x128xf32, #tpu.memory_space<hbm>>) dst(%arg9 : memref<128x128xf32, #tpu.memory_space<vmem>>)
      "tpu.region"() ({
        %run_scoped3A = tpu.sem_alloc : memref<!tpu.dma_semaphore, #tpu.memory_space<semaphore_mem>>
        %dma_start3A_28 = arith.constant 0 : i32
        %dma_start3A_29 = tpu.memref_slice %arg8[%scan3A_17, %dma_start3A_28] : memref<79x128xi32, #tpu.memory_space<vmem>> -> memref<1x128xi32, #tpu.memory_space<vmem>>
        %dma_start3A_30 = tpu.memref_squeeze %dma_start3A_29 : memref<1x128xi32, #tpu.memory_space<vmem>> -> memref<128xi32, #tpu.memory_space<vmem>>
        %dma_start3A_31 = arith.constant 0 : i32
        %dma_start3A_32 = arith.constant 0 : i32
        %dma_start3A_33 = tpu.memref_slice %arg10[%dma_start3A_31, %dma_start3A_32] : memref<10112x128xf32, #tpu.memory_space<vmem_shared>> -> memref<10112x128xf32, #tpu.memory_space<vmem_shared>>
        tpu.enqueue_indirect_dma source(%arg9 : memref<128x128xf32, #tpu.memory_space<vmem>>) target(%dma_start3A_33 : memref<10112x128xf32, #tpu.memory_space<vmem_shared>>) offsets(%dma_start3A_30 : memref<128xi32, #tpu.memory_space<vmem>>) semaphore(%run_scoped3A : memref<!tpu.dma_semaphore, #tpu.memory_space<semaphore_mem>>) {add = true}
        %dma_wait3A_34 = arith.constant 0 : i32
        %dma_wait3A_35 = tpu.memref_slice %arg8[%scan3A_17, %dma_wait3A_34] : memref<79x128xi32, #tpu.memory_space<vmem>> -> memref<1x128xi32, #tpu.memory_space<vmem>>
        %dma_wait3A_36 = tpu.memref_squeeze %dma_wait3A_35 : memref<1x128xi32, #tpu.memory_space<vmem>> -> memref<128xi32, #tpu.memory_space<vmem>>
        %dma_wait3A_37 = arith.constant 0 : i32
        %dma_wait3A_38 = arith.constant 0 : i32
        %dma_wait3A_39 = tpu.memref_slice %arg10[%dma_wait3A_37, %dma_wait3A_38] : memref<10112x128xf32, #tpu.memory_space<vmem_shared>> -> memref<10112x128xf32, #tpu.memory_space<vmem_shared>>
        tpu.wait_indirect_dma semaphore(%run_scoped3A : memref<!tpu.dma_semaphore, #tpu.memory_space<semaphore_mem>>) src(%arg9 : memref<128x128xf32, #tpu.memory_space<vmem>>) dst(%dma_wait3A_39 : memref<10112x128xf32, #tpu.memory_space<vmem_shared>>)
        tpu.yield
      }) : () -> ()
    }
    %scan3A_9 = arith.constant 79 : i32
    %barrier3A_10 = arith.constant 0 : index
    tpu.barrier barrier_id(%barrier3A_10)
    %lt3A = arith.constant 15 : i32
    %lt3A_11 = arith.cmpi slt, %arg1, %lt3A : i32
    %convert_element_type3A = arith.extui %lt3A_11 : i1 to i32
    %cond3A = arith.constant 0 : i32
    %cond3A_12 = arith.cmpi ne, %convert_element_type3A, %cond3A : i32
    scf.if %cond3A_12 {
      %mul3A_17 = arith.constant 632 : i32
      %mul3A_18 = arith.muli %arg1, %mul3A_17 : i32
      %mul3A_19 = arith.constant 632 : i32
      %mul3A_20 = arith.muli %arg1, %mul3A_19 : i32
      "tpu.region"() ({
        %run_scoped3A = tpu.sem_alloc : memref<!tpu.dma_semaphore, #tpu.memory_space<semaphore_mem>>
        %dma_start3A = arith.constant 0 : i32
        %dma_start3A_21 = tpu.memref_slice %arg6[%arg0, %mul3A_20, %dma_start3A] : memref<2x10000x128xf32, #tpu.memory_space<hbm>> -> memref<1x632x128xf32, #tpu.memory_space<hbm>>
        %dma_start3A_22 = tpu.memref_squeeze %dma_start3A_21 : memref<1x632x128xf32, #tpu.memory_space<hbm>> -> memref<632x128xf32, #tpu.memory_space<hbm>>
        %dma_start3A_23 = arith.constant 0 : i32
        %dma_start3A_24 = tpu.memref_slice %arg10[%mul3A_18, %dma_start3A_23] : memref<10112x128xf32, #tpu.memory_space<vmem_shared>> -> memref<632x128xf32, #tpu.memory_space<vmem_shared>>
        tpu.enqueue_dma source(%dma_start3A_24 : memref<632x128xf32, #tpu.memory_space<vmem_shared>>) target(%dma_start3A_22 : memref<632x128xf32, #tpu.memory_space<hbm>>) target_semaphore(%run_scoped3A : memref<!tpu.dma_semaphore, #tpu.memory_space<semaphore_mem>>)
        %dma_wait3A = arith.constant 0 : i32
        %dma_wait3A_25 = tpu.memref_slice %arg6[%arg0, %mul3A_20, %dma_wait3A] : memref<2x10000x128xf32, #tpu.memory_space<hbm>> -> memref<1x632x128xf32, #tpu.memory_space<hbm>>
        %dma_wait3A_26 = tpu.memref_squeeze %dma_wait3A_25 : memref<1x632x128xf32, #tpu.memory_space<hbm>> -> memref<632x128xf32, #tpu.memory_space<hbm>>
        %dma_wait3A_27 = arith.constant 0 : i32
        %dma_wait3A_28 = tpu.memref_slice %arg10[%mul3A_18, %dma_wait3A_27] : memref<10112x128xf32, #tpu.memory_space<vmem_shared>> -> memref<632x128xf32, #tpu.memory_space<vmem_shared>>
        tpu.wait_dma2 semaphore(%run_scoped3A : memref<!tpu.dma_semaphore, #tpu.memory_space<semaphore_mem>>) src(%dma_wait3A_28 : memref<632x128xf32, #tpu.memory_space<vmem_shared>>) dst(%dma_wait3A_26 : memref<632x128xf32, #tpu.memory_space<hbm>>)
        tpu.yield
      }) : () -> ()
    } else {
    }
    %eq3A = arith.constant 15 : i32
    %eq3A_13 = arith.cmpi eq, %arg1, %eq3A : i32
    %convert_element_type3A_14 = arith.extui %eq3A_13 : i1 to i32
    %cond3A_15 = arith.constant 0 : i32
    %cond3A_16 = arith.cmpi ne, %convert_element_type3A_14, %cond3A_15 : i32
    scf.if %cond3A_16 {
      "tpu.region"() ({
        %run_scoped3A = tpu.sem_alloc : memref<!tpu.dma_semaphore, #tpu.memory_space<semaphore_mem>>
        %dma_start3A = arith.constant 9480 : i32
        %dma_start3A_17 = arith.constant 0 : i32
        %dma_start3A_18 = tpu.memref_slice %arg6[%arg0, %dma_start3A, %dma_start3A_17] : memref<2x10000x128xf32, #tpu.memory_space<hbm>> -> memref<1x520x128xf32, #tpu.memory_space<hbm>>
        %dma_start3A_19 = tpu.memref_squeeze %dma_start3A_18 : memref<1x520x128xf32, #tpu.memory_space<hbm>> -> memref<520x128xf32, #tpu.memory_space<hbm>>
        %dma_start3A_20 = arith.constant 9480 : i32
        %dma_start3A_21 = arith.constant 0 : i32
        %dma_start3A_22 = tpu.memref_slice %arg10[%dma_start3A_20, %dma_start3A_21] : memref<10112x128xf32, #tpu.memory_space<vmem_shared>> -> memref<520x128xf32, #tpu.memory_space<vmem_shared>>
        tpu.enqueue_dma source(%dma_start3A_22 : memref<520x128xf32, #tpu.memory_space<vmem_shared>>) target(%dma_start3A_19 : memref<520x128xf32, #tpu.memory_space<hbm>>) target_semaphore(%run_scoped3A : memref<!tpu.dma_semaphore, #tpu.memory_space<semaphore_mem>>)
        %dma_wait3A = arith.constant 9480 : i32
        %dma_wait3A_23 = arith.constant 0 : i32
        %dma_wait3A_24 = tpu.memref_slice %arg6[%arg0, %dma_wait3A, %dma_wait3A_23] : memref<2x10000x128xf32, #tpu.memory_space<hbm>> -> memref<1x520x128xf32, #tpu.memory_space<hbm>>
        %dma_wait3A_25 = tpu.memref_squeeze %dma_wait3A_24 : memref<1x520x128xf32, #tpu.memory_space<hbm>> -> memref<520x128xf32, #tpu.memory_space<hbm>>
        %dma_wait3A_26 = arith.constant 9480 : i32
        %dma_wait3A_27 = arith.constant 0 : i32
        %dma_wait3A_28 = tpu.memref_slice %arg10[%dma_wait3A_26, %dma_wait3A_27] : memref<10112x128xf32, #tpu.memory_space<vmem_shared>> -> memref<520x128xf32, #tpu.memory_space<vmem_shared>>
        tpu.wait_dma2 semaphore(%run_scoped3A : memref<!tpu.dma_semaphore, #tpu.memory_space<semaphore_mem>>) src(%dma_wait3A_28 : memref<520x128xf32, #tpu.memory_space<vmem_shared>>) dst(%dma_wait3A_25 : memref<520x128xf32, #tpu.memory_space<hbm>>)
        tpu.yield
      }) : () -> ()
    } else {
    }
    return
  }
}

#map = affine_map<(d0, d1) -> (0, 0)>
#map1 = affine_map<(d0, d1) -> (0, 0, 0)>
module attributes {stable_mosaic.version = 14 : i64} {
  func.func @body(%arg0: i32, %arg1: i32, %arg2: memref<10000x128xf32, #tpu.memory_space<hbm>>, %arg3: memref<32x79x128xi32, #tpu.memory_space<hbm>>, %arg4: memref<32x79x128xi32, #tpu.memory_space<hbm>>, %arg5: memref<10112x128xf32, #tpu.memory_space<hbm>>, %arg6: memref<2x10000x128xf32, #tpu.memory_space<hbm>>, %arg7: memref<79x128xi32, #tpu.memory_space<vmem>>, %arg8: memref<79x128xi32, #tpu.memory_space<vmem>>, %arg9: memref<128x128xf32, #tpu.memory_space<vmem>>, %arg10: memref<10112x128xf32, #tpu.memory_space<vmem_shared>>, %arg11: memref<!tpu.dma_semaphore, #tpu.memory_space<semaphore_mem>>) attributes {dimension_semantics = [#tpu.dimension_semantics<core_parallel>, #tpu.dimension_semantics<subcore_parallel>], iteration_bounds = array<i64: 2, 16>, scalar_prefetch = 0 : i64, scratch_operands = 5 : i64, tpu.core_type = #tpu.core_type<sc_vector_subcore>, window_params = [{transform_indices = #map}, {transform_indices = #map1}, {transform_indices = #map1}, {transform_indices = #map}, {transform_indices = #map1}]} {
    %mul3A = arith.constant 16 : i32
    %mul3A_0 = arith.muli %arg0, %mul3A : i32
    %add3A = arith.addi %mul3A_0, %arg1 : i32
    %mul3A_1 = arith.constant 632 : i32
    %mul3A_2 = arith.muli %arg1, %mul3A_1 : i32
    %mul3A_3 = arith.constant 632 : i32
    %mul3A_4 = arith.muli %arg1, %mul3A_3 : i32
    "tpu.region"() ({
      %run_scoped3A = tpu.sem_alloc : memref<!tpu.dma_semaphore, #tpu.memory_space<semaphore_mem>>
      %dma_start3A = arith.constant 0 : i32
      %dma_start3A_17 = tpu.memref_slice %arg10[%mul3A_4, %dma_start3A] : memref<10112x128xf32, #tpu.memory_space<vmem_shared>> -> memref<632x128xf32, #tpu.memory_space<vmem_shared>>
      %dma_start3A_18 = arith.constant 0 : i32
      %dma_start3A_19 = tpu.memref_slice %arg5[%mul3A_2, %dma_start3A_18] : memref<10112x128xf32, #tpu.memory_space<hbm>> -> memref<632x128xf32, #tpu.memory_space<hbm>>
      tpu.enqueue_dma source(%dma_start3A_19 : memref<632x128xf32, #tpu.memory_space<hbm>>) target(%dma_start3A_17 : memref<632x128xf32, #tpu.memory_space<vmem_shared>>) target_semaphore(%run_scoped3A : memref<!tpu.dma_semaphore, #tpu.memory_space<semaphore_mem>>)
      %dma_wait3A = arith.constant 0 : i32
      %dma_wait3A_20 = tpu.memref_slice %arg10[%mul3A_4, %dma_wait3A] : memref<10112x128xf32, #tpu.memory_space<vmem_shared>> -> memref<632x128xf32, #tpu.memory_space<vmem_shared>>
      %dma_wait3A_21 = arith.constant 0 : i32
      %dma_wait3A_22 = tpu.memref_slice %arg5[%mul3A_2, %dma_wait3A_21] : memref<10112x128xf32, #tpu.memory_space<hbm>> -> memref<632x128xf32, #tpu.memory_space<hbm>>
      tpu.wait_dma2 semaphore(%run_scoped3A : memref<!tpu.dma_semaphore, #tpu.memory_space<semaphore_mem>>) src(%dma_wait3A_22 : memref<632x128xf32, #tpu.memory_space<hbm>>) dst(%dma_wait3A_20 : memref<632x128xf32, #tpu.memory_space<vmem_shared>>)
      tpu.yield
    }) : () -> ()
    "tpu.region"() ({
      %run_scoped3A = tpu.sem_alloc : memref<!tpu.dma_semaphore, #tpu.memory_space<semaphore_mem>>
      %dma_start3A = arith.constant 0 : i32
      %dma_start3A_17 = arith.constant 0 : i32
      %dma_start3A_18 = tpu.memref_slice %arg3[%add3A, %dma_start3A, %dma_start3A_17] : memref<32x79x128xi32, #tpu.memory_space<hbm>> -> memref<1x79x128xi32, #tpu.memory_space<hbm>>
      %dma_start3A_19 = tpu.memref_squeeze %dma_start3A_18 : memref<1x79x128xi32, #tpu.memory_space<hbm>> -> memref<79x128xi32, #tpu.memory_space<hbm>>
      %dma_start3A_20 = arith.constant 0 : i32
      %dma_start3A_21 = arith.constant 0 : i32
      %dma_start3A_22 = tpu.memref_slice %arg3[%add3A, %dma_start3A_20, %dma_start3A_21] : memref<32x79x128xi32, #tpu.memory_space<hbm>> -> memref<1x79x128xi32, #tpu.memory_space<hbm>>
      %dma_start3A_23 = tpu.memref_squeeze %dma_start3A_22 : memref<1x79x128xi32, #tpu.memory_space<hbm>> -> memref<79x128xi32, #tpu.memory_space<hbm>>
      tpu.enqueue_dma source(%dma_start3A_23 : memref<79x128xi32, #tpu.memory_space<hbm>>) target(%arg7 : memref<79x128xi32, #tpu.memory_space<vmem>>) target_semaphore(%run_scoped3A : memref<!tpu.dma_semaphore, #tpu.memory_space<semaphore_mem>>)
      %dma_wait3A = arith.constant 0 : i32
      %dma_wait3A_24 = arith.constant 0 : i32
      %dma_wait3A_25 = tpu.memref_slice %arg3[%add3A, %dma_wait3A, %dma_wait3A_24] : memref<32x79x128xi32, #tpu.memory_space<hbm>> -> memref<1x79x128xi32, #tpu.memory_space<hbm>>
      %dma_wait3A_26 = tpu.memref_squeeze %dma_wait3A_25 : memref<1x79x128xi32, #tpu.memory_space<hbm>> -> memref<79x128xi32, #tpu.memory_space<hbm>>
      %dma_wait3A_27 = arith.constant 0 : i32
      %dma_wait3A_28 = arith.constant 0 : i32
      %dma_wait3A_29 = tpu.memref_slice %arg3[%add3A, %dma_wait3A_27, %dma_wait3A_28] : memref<32x79x128xi32, #tpu.memory_space<hbm>> -> memref<1x79x128xi32, #tpu.memory_space<hbm>>
      %dma_wait3A_30 = tpu.memref_squeeze %dma_wait3A_29 : memref<1x79x128xi32, #tpu.memory_space<hbm>> -> memref<79x128xi32, #tpu.memory_space<hbm>>
      tpu.wait_dma2 semaphore(%run_scoped3A : memref<!tpu.dma_semaphore, #tpu.memory_space<semaphore_mem>>) src(%dma_wait3A_30 : memref<79x128xi32, #tpu.memory_space<hbm>>) dst(%arg7 : memref<79x128xi32, #tpu.memory_space<vmem>>)
      tpu.yield
    }) : () -> ()
    "tpu.region"() ({
      %run_scoped3A = tpu.sem_alloc : memref<!tpu.dma_semaphore, #tpu.memory_space<semaphore_mem>>
      %dma_start3A = arith.constant 0 : i32
      %dma_start3A_17 = arith.constant 0 : i32
      %dma_start3A_18 = tpu.memref_slice %arg4[%add3A, %dma_start3A, %dma_start3A_17] : memref<32x79x128xi32, #tpu.memory_space<hbm>> -> memref<1x79x128xi32, #tpu.memory_space<hbm>>
      %dma_start3A_19 = tpu.memref_squeeze %dma_start3A_18 : memref<1x79x128xi32, #tpu.memory_space<hbm>> -> memref<79x128xi32, #tpu.memory_space<hbm>>
      %dma_start3A_20 = arith.constant 0 : i32
      %dma_start3A_21 = arith.constant 0 : i32
      %dma_start3A_22 = tpu.memref_slice %arg4[%add3A, %dma_start3A_20, %dma_start3A_21] : memref<32x79x128xi32, #tpu.memory_space<hbm>> -> memref<1x79x128xi32, #tpu.memory_space<hbm>>
      %dma_start3A_23 = tpu.memref_squeeze %dma_start3A_22 : memref<1x79x128xi32, #tpu.memory_space<hbm>> -> memref<79x128xi32, #tpu.memory_space<hbm>>
      tpu.enqueue_dma source(%dma_start3A_23 : memref<79x128xi32, #tpu.memory_space<hbm>>) target(%arg8 : memref<79x128xi32, #tpu.memory_space<vmem>>) target_semaphore(%run_scoped3A : memref<!tpu.dma_semaphore, #tpu.memory_space<semaphore_mem>>)
      %dma_wait3A = arith.constant 0 : i32
      %dma_wait3A_24 = arith.constant 0 : i32
      %dma_wait3A_25 = tpu.memref_slice %arg4[%add3A, %dma_wait3A, %dma_wait3A_24] : memref<32x79x128xi32, #tpu.memory_space<hbm>> -> memref<1x79x128xi32, #tpu.memory_space<hbm>>
      %dma_wait3A_26 = tpu.memref_squeeze %dma_wait3A_25 : memref<1x79x128xi32, #tpu.memory_space<hbm>> -> memref<79x128xi32, #tpu.memory_space<hbm>>
      %dma_wait3A_27 = arith.constant 0 : i32
      %dma_wait3A_28 = arith.constant 0 : i32
      %dma_wait3A_29 = tpu.memref_slice %arg4[%add3A, %dma_wait3A_27, %dma_wait3A_28] : memref<32x79x128xi32, #tpu.memory_space<hbm>> -> memref<1x79x128xi32, #tpu.memory_space<hbm>>
      %dma_wait3A_30 = tpu.memref_squeeze %dma_wait3A_29 : memref<1x79x128xi32, #tpu.memory_space<hbm>> -> memref<79x128xi32, #tpu.memory_space<hbm>>
      tpu.wait_dma2 semaphore(%run_scoped3A : memref<!tpu.dma_semaphore, #tpu.memory_space<semaphore_mem>>) src(%dma_wait3A_30 : memref<79x128xi32, #tpu.memory_space<hbm>>) dst(%arg8 : memref<79x128xi32, #tpu.memory_space<vmem>>)
      tpu.yield
    }) : () -> ()
    %barrier3A = arith.constant 0 : index
    tpu.barrier barrier_id(%barrier3A)
    %scan3A = arith.constant 0 : i32
    %scan3A_5 = arith.constant 0 : i32
    %scan3A_6 = arith.constant 79 : i32
    %scan3A_7 = arith.addi %scan3A_5, %scan3A_6 : i32
    %scan3A_8 = arith.constant 1 : i32
    scf.for %scan3A_17 = %scan3A_5 to %scan3A_7 step %scan3A_8  : i32 {
      %dma_start3A = arith.constant 0 : i32
      %dma_start3A_18 = tpu.memref_slice %arg7[%scan3A_17, %dma_start3A] : memref<79x128xi32, #tpu.memory_space<vmem>> -> memref<1x128xi32, #tpu.memory_space<vmem>>
      %dma_start3A_19 = tpu.memref_squeeze %dma_start3A_18 : memref<1x128xi32, #tpu.memory_space<vmem>> -> memref<128xi32, #tpu.memory_space<vmem>>
      %dma_start3A_20 = arith.constant 0 : i32
      %dma_start3A_21 = arith.constant 0 : i32
      %dma_start3A_22 = tpu.memref_slice %arg2[%dma_start3A_20, %dma_start3A_21] : memref<10000x128xf32, #tpu.memory_space<hbm>> -> memref<10000x128xf32, #tpu.memory_space<hbm>>
      tpu.enqueue_indirect_dma source(%dma_start3A_22 : memref<10000x128xf32, #tpu.memory_space<hbm>>) target(%arg9 : memref<128x128xf32, #tpu.memory_space<vmem>>) offsets(%dma_start3A_19 : memref<128xi32, #tpu.memory_space<vmem>>) semaphore(%arg11 : memref<!tpu.dma_semaphore, #tpu.memory_space<semaphore_mem>>)
      %dma_wait3A = arith.constant 0 : i32
      %dma_wait3A_23 = tpu.memref_slice %arg7[%scan3A_17, %dma_wait3A] : memref<79x128xi32, #tpu.memory_space<vmem>> -> memref<1x128xi32, #tpu.memory_space<vmem>>
      %dma_wait3A_24 = tpu.memref_squeeze %dma_wait3A_23 : memref<1x128xi32, #tpu.memory_space<vmem>> -> memref<128xi32, #tpu.memory_space<vmem>>
      %dma_wait3A_25 = arith.constant 0 : i32
      %dma_wait3A_26 = arith.constant 0 : i32
      %dma_wait3A_27 = tpu.memref_slice %arg2[%dma_wait3A_25, %dma_wait3A_26] : memref<10000x128xf32, #tpu.memory_space<hbm>> -> memref<10000x128xf32, #tpu.memory_space<hbm>>
      tpu.wait_indirect_dma semaphore(%arg11 : memref<!tpu.dma_semaphore, #tpu.memory_space<semaphore_mem>>) src(%dma_wait3A_27 : memref<10000x128xf32, #tpu.memory_space<hbm>>) dst(%arg9 : memref<128x128xf32, #tpu.memory_space<vmem>>)
      "tpu.region"() ({
        %run_scoped3A = tpu.sem_alloc : memref<!tpu.dma_semaphore, #tpu.memory_space<semaphore_mem>>
        %dma_start3A_28 = arith.constant 0 : i32
        %dma_start3A_29 = tpu.memref_slice %arg8[%scan3A_17, %dma_start3A_28] : memref<79x128xi32, #tpu.memory_space<vmem>> -> memref<1x128xi32, #tpu.memory_space<vmem>>
        %dma_start3A_30 = tpu.memref_squeeze %dma_start3A_29 : memref<1x128xi32, #tpu.memory_space<vmem>> -> memref<128xi32, #tpu.memory_space<vmem>>
        %dma_start3A_31 = arith.constant 0 : i32
        %dma_start3A_32 = arith.constant 0 : i32
        %dma_start3A_33 = tpu.memref_slice %arg10[%dma_start3A_31, %dma_start3A_32] : memref<10112x128xf32, #tpu.memory_space<vmem_shared>> -> memref<10112x128xf32, #tpu.memory_space<vmem_shared>>
        tpu.enqueue_indirect_dma source(%arg9 : memref<128x128xf32, #tpu.memory_space<vmem>>) target(%dma_start3A_33 : memref<10112x128xf32, #tpu.memory_space<vmem_shared>>) offsets(%dma_start3A_30 : memref<128xi32, #tpu.memory_space<vmem>>) semaphore(%run_scoped3A : memref<!tpu.dma_semaphore, #tpu.memory_space<semaphore_mem>>) {add = true}
        %dma_wait3A_34 = arith.constant 0 : i32
        %dma_wait3A_35 = tpu.memref_slice %arg8[%scan3A_17, %dma_wait3A_34] : memref<79x128xi32, #tpu.memory_space<vmem>> -> memref<1x128xi32, #tpu.memory_space<vmem>>
        %dma_wait3A_36 = tpu.memref_squeeze %dma_wait3A_35 : memref<1x128xi32, #tpu.memory_space<vmem>> -> memref<128xi32, #tpu.memory_space<vmem>>
        %dma_wait3A_37 = arith.constant 0 : i32
        %dma_wait3A_38 = arith.constant 0 : i32
        %dma_wait3A_39 = tpu.memref_slice %arg10[%dma_wait3A_37, %dma_wait3A_38] : memref<10112x128xf32, #tpu.memory_space<vmem_shared>> -> memref<10112x128xf32, #tpu.memory_space<vmem_shared>>
        tpu.wait_indirect_dma semaphore(%run_scoped3A : memref<!tpu.dma_semaphore, #tpu.memory_space<semaphore_mem>>) src(%arg9 : memref<128x128xf32, #tpu.memory_space<vmem>>) dst(%dma_wait3A_39 : memref<10112x128xf32, #tpu.memory_space<vmem_shared>>)
        tpu.yield
      }) : () -> ()
    }
    %scan3A_9 = arith.constant 79 : i32
    %barrier3A_10 = arith.constant 0 : index
    tpu.barrier barrier_id(%barrier3A_10)
    %lt3A = arith.constant 15 : i32
    %lt3A_11 = arith.cmpi slt, %arg1, %lt3A : i32
    %convert_element_type3A = arith.extui %lt3A_11 : i1 to i32
    %cond3A = arith.constant 0 : i32
    %cond3A_12 = arith.cmpi ne, %convert_element_type3A, %cond3A : i32
    scf.if %cond3A_12 {
      %mul3A_17 = arith.constant 632 : i32
      %mul3A_18 = arith.muli %arg1, %mul3A_17 : i32
      %mul3A_19 = arith.constant 632 : i32
      %mul3A_20 = arith.muli %arg1, %mul3A_19 : i32
      "tpu.region"() ({
        %run_scoped3A = tpu.sem_alloc : memref<!tpu.dma_semaphore, #tpu.memory_space<semaphore_mem>>
        %dma_start3A = arith.constant 0 : i32
        %dma_start3A_21 = tpu.memref_slice %arg6[%arg0, %mul3A_20, %dma_start3A] : memref<2x10000x128xf32, #tpu.memory_space<hbm>> -> memref<1x632x128xf32, #tpu.memory_space<hbm>>
        %dma_start3A_22 = tpu.memref_squeeze %dma_start3A_21 : memref<1x632x128xf32, #tpu.memory_space<hbm>> -> memref<632x128xf32, #tpu.memory_space<hbm>>
        %dma_start3A_23 = arith.constant 0 : i32
        %dma_start3A_24 = tpu.memref_slice %arg10[%mul3A_18, %dma_start3A_23] : memref<10112x128xf32, #tpu.memory_space<vmem_shared>> -> memref<632x128xf32, #tpu.memory_space<vmem_shared>>
        tpu.enqueue_dma source(%dma_start3A_24 : memref<632x128xf32, #tpu.memory_space<vmem_shared>>) target(%dma_start3A_22 : memref<632x128xf32, #tpu.memory_space<hbm>>) target_semaphore(%run_scoped3A : memref<!tpu.dma_semaphore, #tpu.memory_space<semaphore_mem>>)
        %dma_wait3A = arith.constant 0 : i32
        %dma_wait3A_25 = tpu.memref_slice %arg6[%arg0, %mul3A_20, %dma_wait3A] : memref<2x10000x128xf32, #tpu.memory_space<hbm>> -> memref<1x632x128xf32, #tpu.memory_space<hbm>>
        %dma_wait3A_26 = tpu.memref_squeeze %dma_wait3A_25 : memref<1x632x128xf32, #tpu.memory_space<hbm>> -> memref<632x128xf32, #tpu.memory_space<hbm>>
        %dma_wait3A_27 = arith.constant 0 : i32
        %dma_wait3A_28 = tpu.memref_slice %arg10[%mul3A_18, %dma_wait3A_27] : memref<10112x128xf32, #tpu.memory_space<vmem_shared>> -> memref<632x128xf32, #tpu.memory_space<vmem_shared>>
        tpu.wait_dma2 semaphore(%run_scoped3A : memref<!tpu.dma_semaphore, #tpu.memory_space<semaphore_mem>>) src(%dma_wait3A_28 : memref<632x128xf32, #tpu.memory_space<vmem_shared>>) dst(%dma_wait3A_26 : memref<632x128xf32, #tpu.memory_space<hbm>>)
        tpu.yield
      }) : () -> ()
    } else {
    }
    %eq3A = arith.constant 15 : i32
    %eq3A_13 = arith.cmpi eq, %arg1, %eq3A : i32
    %convert_element_type3A_14 = arith.extui %eq3A_13 : i1 to i32
    %cond3A_15 = arith.constant 0 : i32
    %cond3A_16 = arith.cmpi ne, %convert_element_type3A_14, %cond3A_15 : i32
    scf.if %cond3A_16 {
      "tpu.region"() ({
        %run_scoped3A = tpu.sem_alloc : memref<!tpu.dma_semaphore, #tpu.memory_space<semaphore_mem>>
        %dma_start3A = arith.constant 9480 : i32
        %dma_start3A_17 = arith.constant 0 : i32
        %dma_start3A_18 = tpu.memref_slice %arg6[%arg0, %dma_start3A, %dma_start3A_17] : memref<2x10000x128xf32, #tpu.memory_space<hbm>> -> memref<1x520x128xf32, #tpu.memory_space<hbm>>
        %dma_start3A_19 = tpu.memref_squeeze %dma_start3A_18 : memref<1x520x128xf32, #tpu.memory_space<hbm>> -> memref<520x128xf32, #tpu.memory_space<hbm>>
        %dma_start3A_20 = arith.constant 9480 : i32
        %dma_start3A_21 = arith.constant 0 : i32
        %dma_start3A_22 = tpu.memref_slice %arg10[%dma_start3A_20, %dma_start3A_21] : memref<10112x128xf32, #tpu.memory_space<vmem_shared>> -> memref<520x128xf32, #tpu.memory_space<vmem_shared>>
        tpu.enqueue_dma source(%dma_start3A_22 : memref<520x128xf32, #tpu.memory_space<vmem_shared>>) target(%dma_start3A_19 : memref<520x128xf32, #tpu.memory_space<hbm>>) target_semaphore(%run_scoped3A : memref<!tpu.dma_semaphore, #tpu.memory_space<semaphore_mem>>)
        %dma_wait3A = arith.constant 9480 : i32
        %dma_wait3A_23 = arith.constant 0 : i32
        %dma_wait3A_24 = tpu.memref_slice %arg6[%arg0, %dma_wait3A, %dma_wait3A_23] : memref<2x10000x128xf32, #tpu.memory_space<hbm>> -> memref<1x520x128xf32, #tpu.memory_space<hbm>>
        %dma_wait3A_25 = tpu.memref_squeeze %dma_wait3A_24 : memref<1x520x128xf32, #tpu.memory_space<hbm>> -> memref<520x128xf32, #tpu.memory_space<hbm>>
        %dma_wait3A_26 = arith.constant 9480 : i32
        %dma_wait3A_27 = arith.constant 0 : i32
        %dma_wait3A_28 = tpu.memref_slice %arg10[%dma_wait3A_26, %dma_wait3A_27] : memref<10112x128xf32, #tpu.memory_space<vmem_shared>> -> memref<520x128xf32, #tpu.memory_space<vmem_shared>>
        tpu.wait_dma2 semaphore(%run_scoped3A : memref<!tpu.dma_semaphore, #tpu.memory_space<semaphore_mem>>) src(%dma_wait3A_28 : memref<520x128xf32, #tpu.memory_space<vmem_shared>>) dst(%dma_wait3A_25 : memref<520x128xf32, #tpu.memory_space<hbm>>)
        tpu.yield
      }) : () -> ()
    } else {
    }
    return
  }
}

#map = affine_map<(d0, d1) -> (0, 0)>
#map1 = affine_map<(d0, d1) -> (0, 0, 0)>
module attributes {stable_mosaic.version = 14 : i64} {
  func.func @body(%arg0: i32, %arg1: i32, %arg2: memref<10000x128xf32, #tpu.memory_space<hbm>>, %arg3: memref<32x79x128xi32, #tpu.memory_space<hbm>>, %arg4: memref<32x79x128xi32, #tpu.memory_space<hbm>>, %arg5: memref<10112x128xf32, #tpu.memory_space<hbm>>, %arg6: memref<2x10000x128xf32, #tpu.memory_space<hbm>>, %arg7: memref<79x128xi32, #tpu.memory_space<vmem>>, %arg8: memref<79x128xi32, #tpu.memory_space<vmem>>, %arg9: memref<128x128xf32, #tpu.memory_space<vmem>>, %arg10: memref<10112x128xf32, #tpu.memory_space<vmem_shared>>, %arg11: memref<!tpu.dma_semaphore, #tpu.memory_space<semaphore_mem>>) attributes {dimension_semantics = [#tpu.dimension_semantics<core_parallel>, #tpu.dimension_semantics<subcore_parallel>], iteration_bounds = array<i64: 2, 16>, scalar_prefetch = 0 : i64, scratch_operands = 5 : i64, tpu.core_type = #tpu.core_type<sc_vector_subcore>, window_params = [{transform_indices = #map}, {transform_indices = #map1}, {transform_indices = #map1}, {transform_indices = #map}, {transform_indices = #map1}]} {
    %mul3A = arith.constant 16 : i32
    %mul3A_0 = arith.muli %arg0, %mul3A : i32
    %add3A = arith.addi %mul3A_0, %arg1 : i32
    %mul3A_1 = arith.constant 632 : i32
    %mul3A_2 = arith.muli %arg1, %mul3A_1 : i32
    %mul3A_3 = arith.constant 632 : i32
    %mul3A_4 = arith.muli %arg1, %mul3A_3 : i32
    "tpu.region"() ({
      %run_scoped3A = tpu.sem_alloc : memref<!tpu.dma_semaphore, #tpu.memory_space<semaphore_mem>>
      %dma_start3A = arith.constant 0 : i32
      %dma_start3A_17 = tpu.memref_slice %arg10[%mul3A_4, %dma_start3A] : memref<10112x128xf32, #tpu.memory_space<vmem_shared>> -> memref<632x128xf32, #tpu.memory_space<vmem_shared>>
      %dma_start3A_18 = arith.constant 0 : i32
      %dma_start3A_19 = tpu.memref_slice %arg5[%mul3A_2, %dma_start3A_18] : memref<10112x128xf32, #tpu.memory_space<hbm>> -> memref<632x128xf32, #tpu.memory_space<hbm>>
      tpu.enqueue_dma source(%dma_start3A_19 : memref<632x128xf32, #tpu.memory_space<hbm>>) target(%dma_start3A_17 : memref<632x128xf32, #tpu.memory_space<vmem_shared>>) target_semaphore(%run_scoped3A : memref<!tpu.dma_semaphore, #tpu.memory_space<semaphore_mem>>)
      %dma_wait3A = arith.constant 0 : i32
      %dma_wait3A_20 = tpu.memref_slice %arg10[%mul3A_4, %dma_wait3A] : memref<10112x128xf32, #tpu.memory_space<vmem_shared>> -> memref<632x128xf32, #tpu.memory_space<vmem_shared>>
      %dma_wait3A_21 = arith.constant 0 : i32
      %dma_wait3A_22 = tpu.memref_slice %arg5[%mul3A_2, %dma_wait3A_21] : memref<10112x128xf32, #tpu.memory_space<hbm>> -> memref<632x128xf32, #tpu.memory_space<hbm>>
      tpu.wait_dma2 semaphore(%run_scoped3A : memref<!tpu.dma_semaphore, #tpu.memory_space<semaphore_mem>>) src(%dma_wait3A_22 : memref<632x128xf32, #tpu.memory_space<hbm>>) dst(%dma_wait3A_20 : memref<632x128xf32, #tpu.memory_space<vmem_shared>>)
      tpu.yield
    }) : () -> ()
    "tpu.region"() ({
      %run_scoped3A = tpu.sem_alloc : memref<!tpu.dma_semaphore, #tpu.memory_space<semaphore_mem>>
      %dma_start3A = arith.constant 0 : i32
      %dma_start3A_17 = arith.constant 0 : i32
      %dma_start3A_18 = tpu.memref_slice %arg3[%add3A, %dma_start3A, %dma_start3A_17] : memref<32x79x128xi32, #tpu.memory_space<hbm>> -> memref<1x79x128xi32, #tpu.memory_space<hbm>>
      %dma_start3A_19 = tpu.memref_squeeze %dma_start3A_18 : memref<1x79x128xi32, #tpu.memory_space<hbm>> -> memref<79x128xi32, #tpu.memory_space<hbm>>
      %dma_start3A_20 = arith.constant 0 : i32
      %dma_start3A_21 = arith.constant 0 : i32
      %dma_start3A_22 = tpu.memref_slice %arg3[%add3A, %dma_start3A_20, %dma_start3A_21] : memref<32x79x128xi32, #tpu.memory_space<hbm>> -> memref<1x79x128xi32, #tpu.memory_space<hbm>>
      %dma_start3A_23 = tpu.memref_squeeze %dma_start3A_22 : memref<1x79x128xi32, #tpu.memory_space<hbm>> -> memref<79x128xi32, #tpu.memory_space<hbm>>
      tpu.enqueue_dma source(%dma_start3A_23 : memref<79x128xi32, #tpu.memory_space<hbm>>) target(%arg7 : memref<79x128xi32, #tpu.memory_space<vmem>>) target_semaphore(%run_scoped3A : memref<!tpu.dma_semaphore, #tpu.memory_space<semaphore_mem>>)
      %dma_wait3A = arith.constant 0 : i32
      %dma_wait3A_24 = arith.constant 0 : i32
      %dma_wait3A_25 = tpu.memref_slice %arg3[%add3A, %dma_wait3A, %dma_wait3A_24] : memref<32x79x128xi32, #tpu.memory_space<hbm>> -> memref<1x79x128xi32, #tpu.memory_space<hbm>>
      %dma_wait3A_26 = tpu.memref_squeeze %dma_wait3A_25 : memref<1x79x128xi32, #tpu.memory_space<hbm>> -> memref<79x128xi32, #tpu.memory_space<hbm>>
      %dma_wait3A_27 = arith.constant 0 : i32
      %dma_wait3A_28 = arith.constant 0 : i32
      %dma_wait3A_29 = tpu.memref_slice %arg3[%add3A, %dma_wait3A_27, %dma_wait3A_28] : memref<32x79x128xi32, #tpu.memory_space<hbm>> -> memref<1x79x128xi32, #tpu.memory_space<hbm>>
      %dma_wait3A_30 = tpu.memref_squeeze %dma_wait3A_29 : memref<1x79x128xi32, #tpu.memory_space<hbm>> -> memref<79x128xi32, #tpu.memory_space<hbm>>
      tpu.wait_dma2 semaphore(%run_scoped3A : memref<!tpu.dma_semaphore, #tpu.memory_space<semaphore_mem>>) src(%dma_wait3A_30 : memref<79x128xi32, #tpu.memory_space<hbm>>) dst(%arg7 : memref<79x128xi32, #tpu.memory_space<vmem>>)
      tpu.yield
    }) : () -> ()
    "tpu.region"() ({
      %run_scoped3A = tpu.sem_alloc : memref<!tpu.dma_semaphore, #tpu.memory_space<semaphore_mem>>
      %dma_start3A = arith.constant 0 : i32
      %dma_start3A_17 = arith.constant 0 : i32
      %dma_start3A_18 = tpu.memref_slice %arg4[%add3A, %dma_start3A, %dma_start3A_17] : memref<32x79x128xi32, #tpu.memory_space<hbm>> -> memref<1x79x128xi32, #tpu.memory_space<hbm>>
      %dma_start3A_19 = tpu.memref_squeeze %dma_start3A_18 : memref<1x79x128xi32, #tpu.memory_space<hbm>> -> memref<79x128xi32, #tpu.memory_space<hbm>>
      %dma_start3A_20 = arith.constant 0 : i32
      %dma_start3A_21 = arith.constant 0 : i32
      %dma_start3A_22 = tpu.memref_slice %arg4[%add3A, %dma_start3A_20, %dma_start3A_21] : memref<32x79x128xi32, #tpu.memory_space<hbm>> -> memref<1x79x128xi32, #tpu.memory_space<hbm>>
      %dma_start3A_23 = tpu.memref_squeeze %dma_start3A_22 : memref<1x79x128xi32, #tpu.memory_space<hbm>> -> memref<79x128xi32, #tpu.memory_space<hbm>>
      tpu.enqueue_dma source(%dma_start3A_23 : memref<79x128xi32, #tpu.memory_space<hbm>>) target(%arg8 : memref<79x128xi32, #tpu.memory_space<vmem>>) target_semaphore(%run_scoped3A : memref<!tpu.dma_semaphore, #tpu.memory_space<semaphore_mem>>)
      %dma_wait3A = arith.constant 0 : i32
      %dma_wait3A_24 = arith.constant 0 : i32
      %dma_wait3A_25 = tpu.memref_slice %arg4[%add3A, %dma_wait3A, %dma_wait3A_24] : memref<32x79x128xi32, #tpu.memory_space<hbm>> -> memref<1x79x128xi32, #tpu.memory_space<hbm>>
      %dma_wait3A_26 = tpu.memref_squeeze %dma_wait3A_25 : memref<1x79x128xi32, #tpu.memory_space<hbm>> -> memref<79x128xi32, #tpu.memory_space<hbm>>
      %dma_wait3A_27 = arith.constant 0 : i32
      %dma_wait3A_28 = arith.constant 0 : i32
      %dma_wait3A_29 = tpu.memref_slice %arg4[%add3A, %dma_wait3A_27, %dma_wait3A_28] : memref<32x79x128xi32, #tpu.memory_space<hbm>> -> memref<1x79x128xi32, #tpu.memory_space<hbm>>
      %dma_wait3A_30 = tpu.memref_squeeze %dma_wait3A_29 : memref<1x79x128xi32, #tpu.memory_space<hbm>> -> memref<79x128xi32, #tpu.memory_space<hbm>>
      tpu.wait_dma2 semaphore(%run_scoped3A : memref<!tpu.dma_semaphore, #tpu.memory_space<semaphore_mem>>) src(%dma_wait3A_30 : memref<79x128xi32, #tpu.memory_space<hbm>>) dst(%arg8 : memref<79x128xi32, #tpu.memory_space<vmem>>)
      tpu.yield
    }) : () -> ()
    %barrier3A = arith.constant 0 : index
    tpu.barrier barrier_id(%barrier3A)
    %scan3A = arith.constant 0 : i32
    %scan3A_5 = arith.constant 0 : i32
    %scan3A_6 = arith.constant 79 : i32
    %scan3A_7 = arith.addi %scan3A_5, %scan3A_6 : i32
    %scan3A_8 = arith.constant 1 : i32
    scf.for %scan3A_17 = %scan3A_5 to %scan3A_7 step %scan3A_8  : i32 {
      %dma_start3A = arith.constant 0 : i32
      %dma_start3A_18 = tpu.memref_slice %arg7[%scan3A_17, %dma_start3A] : memref<79x128xi32, #tpu.memory_space<vmem>> -> memref<1x128xi32, #tpu.memory_space<vmem>>
      %dma_start3A_19 = tpu.memref_squeeze %dma_start3A_18 : memref<1x128xi32, #tpu.memory_space<vmem>> -> memref<128xi32, #tpu.memory_space<vmem>>
      %dma_start3A_20 = arith.constant 0 : i32
      %dma_start3A_21 = arith.constant 0 : i32
      %dma_start3A_22 = tpu.memref_slice %arg2[%dma_start3A_20, %dma_start3A_21] : memref<10000x128xf32, #tpu.memory_space<hbm>> -> memref<10000x128xf32, #tpu.memory_space<hbm>>
      tpu.enqueue_indirect_dma source(%dma_start3A_22 : memref<10000x128xf32, #tpu.memory_space<hbm>>) target(%arg9 : memref<128x128xf32, #tpu.memory_space<vmem>>) offsets(%dma_start3A_19 : memref<128xi32, #tpu.memory_space<vmem>>) semaphore(%arg11 : memref<!tpu.dma_semaphore, #tpu.memory_space<semaphore_mem>>)
      %dma_wait3A = arith.constant 0 : i32
      %dma_wait3A_23 = tpu.memref_slice %arg7[%scan3A_17, %dma_wait3A] : memref<79x128xi32, #tpu.memory_space<vmem>> -> memref<1x128xi32, #tpu.memory_space<vmem>>
      %dma_wait3A_24 = tpu.memref_squeeze %dma_wait3A_23 : memref<1x128xi32, #tpu.memory_space<vmem>> -> memref<128xi32, #tpu.memory_space<vmem>>
      %dma_wait3A_25 = arith.constant 0 : i32
      %dma_wait3A_26 = arith.constant 0 : i32
      %dma_wait3A_27 = tpu.memref_slice %arg2[%dma_wait3A_25, %dma_wait3A_26] : memref<10000x128xf32, #tpu.memory_space<hbm>> -> memref<10000x128xf32, #tpu.memory_space<hbm>>
      tpu.wait_indirect_dma semaphore(%arg11 : memref<!tpu.dma_semaphore, #tpu.memory_space<semaphore_mem>>) src(%dma_wait3A_27 : memref<10000x128xf32, #tpu.memory_space<hbm>>) dst(%arg9 : memref<128x128xf32, #tpu.memory_space<vmem>>)
      "tpu.region"() ({
        %run_scoped3A = tpu.sem_alloc : memref<!tpu.dma_semaphore, #tpu.memory_space<semaphore_mem>>
        %dma_start3A_28 = arith.constant 0 : i32
        %dma_start3A_29 = tpu.memref_slice %arg8[%scan3A_17, %dma_start3A_28] : memref<79x128xi32, #tpu.memory_space<vmem>> -> memref<1x128xi32, #tpu.memory_space<vmem>>
        %dma_start3A_30 = tpu.memref_squeeze %dma_start3A_29 : memref<1x128xi32, #tpu.memory_space<vmem>> -> memref<128xi32, #tpu.memory_space<vmem>>
        %dma_start3A_31 = arith.constant 0 : i32
        %dma_start3A_32 = arith.constant 0 : i32
        %dma_start3A_33 = tpu.memref_slice %arg10[%dma_start3A_31, %dma_start3A_32] : memref<10112x128xf32, #tpu.memory_space<vmem_shared>> -> memref<10112x128xf32, #tpu.memory_space<vmem_shared>>
        tpu.enqueue_indirect_dma source(%arg9 : memref<128x128xf32, #tpu.memory_space<vmem>>) target(%dma_start3A_33 : memref<10112x128xf32, #tpu.memory_space<vmem_shared>>) offsets(%dma_start3A_30 : memref<128xi32, #tpu.memory_space<vmem>>) semaphore(%run_scoped3A : memref<!tpu.dma_semaphore, #tpu.memory_space<semaphore_mem>>) {add = true}
        %dma_wait3A_34 = arith.constant 0 : i32
        %dma_wait3A_35 = tpu.memref_slice %arg8[%scan3A_17, %dma_wait3A_34] : memref<79x128xi32, #tpu.memory_space<vmem>> -> memref<1x128xi32, #tpu.memory_space<vmem>>
        %dma_wait3A_36 = tpu.memref_squeeze %dma_wait3A_35 : memref<1x128xi32, #tpu.memory_space<vmem>> -> memref<128xi32, #tpu.memory_space<vmem>>
        %dma_wait3A_37 = arith.constant 0 : i32
        %dma_wait3A_38 = arith.constant 0 : i32
        %dma_wait3A_39 = tpu.memref_slice %arg10[%dma_wait3A_37, %dma_wait3A_38] : memref<10112x128xf32, #tpu.memory_space<vmem_shared>> -> memref<10112x128xf32, #tpu.memory_space<vmem_shared>>
        tpu.wait_indirect_dma semaphore(%run_scoped3A : memref<!tpu.dma_semaphore, #tpu.memory_space<semaphore_mem>>) src(%arg9 : memref<128x128xf32, #tpu.memory_space<vmem>>) dst(%dma_wait3A_39 : memref<10112x128xf32, #tpu.memory_space<vmem_shared>>)
        tpu.yield
      }) : () -> ()
    }
    %scan3A_9 = arith.constant 79 : i32
    %barrier3A_10 = arith.constant 0 : index
    tpu.barrier barrier_id(%barrier3A_10)
    %lt3A = arith.constant 15 : i32
    %lt3A_11 = arith.cmpi slt, %arg1, %lt3A : i32
    %convert_element_type3A = arith.extui %lt3A_11 : i1 to i32
    %cond3A = arith.constant 0 : i32
    %cond3A_12 = arith.cmpi ne, %convert_element_type3A, %cond3A : i32
    scf.if %cond3A_12 {
      %mul3A_17 = arith.constant 632 : i32
      %mul3A_18 = arith.muli %arg1, %mul3A_17 : i32
      %mul3A_19 = arith.constant 632 : i32
      %mul3A_20 = arith.muli %arg1, %mul3A_19 : i32
      "tpu.region"() ({
        %run_scoped3A = tpu.sem_alloc : memref<!tpu.dma_semaphore, #tpu.memory_space<semaphore_mem>>
        %dma_start3A = arith.constant 0 : i32
        %dma_start3A_21 = tpu.memref_slice %arg6[%arg0, %mul3A_20, %dma_start3A] : memref<2x10000x128xf32, #tpu.memory_space<hbm>> -> memref<1x632x128xf32, #tpu.memory_space<hbm>>
        %dma_start3A_22 = tpu.memref_squeeze %dma_start3A_21 : memref<1x632x128xf32, #tpu.memory_space<hbm>> -> memref<632x128xf32, #tpu.memory_space<hbm>>
        %dma_start3A_23 = arith.constant 0 : i32
        %dma_start3A_24 = tpu.memref_slice %arg10[%mul3A_18, %dma_start3A_23] : memref<10112x128xf32, #tpu.memory_space<vmem_shared>> -> memref<632x128xf32, #tpu.memory_space<vmem_shared>>
        tpu.enqueue_dma source(%dma_start3A_24 : memref<632x128xf32, #tpu.memory_space<vmem_shared>>) target(%dma_start3A_22 : memref<632x128xf32, #tpu.memory_space<hbm>>) target_semaphore(%run_scoped3A : memref<!tpu.dma_semaphore, #tpu.memory_space<semaphore_mem>>)
        %dma_wait3A = arith.constant 0 : i32
        %dma_wait3A_25 = tpu.memref_slice %arg6[%arg0, %mul3A_20, %dma_wait3A] : memref<2x10000x128xf32, #tpu.memory_space<hbm>> -> memref<1x632x128xf32, #tpu.memory_space<hbm>>
        %dma_wait3A_26 = tpu.memref_squeeze %dma_wait3A_25 : memref<1x632x128xf32, #tpu.memory_space<hbm>> -> memref<632x128xf32, #tpu.memory_space<hbm>>
        %dma_wait3A_27 = arith.constant 0 : i32
        %dma_wait3A_28 = tpu.memref_slice %arg10[%mul3A_18, %dma_wait3A_27] : memref<10112x128xf32, #tpu.memory_space<vmem_shared>> -> memref<632x128xf32, #tpu.memory_space<vmem_shared>>
        tpu.wait_dma2 semaphore(%run_scoped3A : memref<!tpu.dma_semaphore, #tpu.memory_space<semaphore_mem>>) src(%dma_wait3A_28 : memref<632x128xf32, #tpu.memory_space<vmem_shared>>) dst(%dma_wait3A_26 : memref<632x128xf32, #tpu.memory_space<hbm>>)
        tpu.yield
      }) : () -> ()
    } else {
    }
    %eq3A = arith.constant 15 : i32
    %eq3A_13 = arith.cmpi eq, %arg1, %eq3A : i32
    %convert_element_type3A_14 = arith.extui %eq3A_13 : i1 to i32
    %cond3A_15 = arith.constant 0 : i32
    %cond3A_16 = arith.cmpi ne, %convert_element_type3A_14, %cond3A_15 : i32
    scf.if %cond3A_16 {
      "tpu.region"() ({
        %run_scoped3A = tpu.sem_alloc : memref<!tpu.dma_semaphore, #tpu.memory_space<semaphore_mem>>
        %dma_start3A = arith.constant 9480 : i32
        %dma_start3A_17 = arith.constant 0 : i32
        %dma_start3A_18 = tpu.memref_slice %arg6[%arg0, %dma_start3A, %dma_start3A_17] : memref<2x10000x128xf32, #tpu.memory_space<hbm>> -> memref<1x520x128xf32, #tpu.memory_space<hbm>>
        %dma_start3A_19 = tpu.memref_squeeze %dma_start3A_18 : memref<1x520x128xf32, #tpu.memory_space<hbm>> -> memref<520x128xf32, #tpu.memory_space<hbm>>
        %dma_start3A_20 = arith.constant 9480 : i32
        %dma_start3A_21 = arith.constant 0 : i32
        %dma_start3A_22 = tpu.memref_slice %arg10[%dma_start3A_20, %dma_start3A_21] : memref<10112x128xf32, #tpu.memory_space<vmem_shared>> -> memref<520x128xf32, #tpu.memory_space<vmem_shared>>
        tpu.enqueue_dma source(%dma_start3A_22 : memref<520x128xf32, #tpu.memory_space<vmem_shared>>) target(%dma_start3A_19 : memref<520x128xf32, #tpu.memory_space<hbm>>) target_semaphore(%run_scoped3A : memref<!tpu.dma_semaphore, #tpu.memory_space<semaphore_mem>>)
        %dma_wait3A = arith.constant 9480 : i32
        %dma_wait3A_23 = arith.constant 0 : i32
        %dma_wait3A_24 = tpu.memref_slice %arg6[%arg0, %dma_wait3A, %dma_wait3A_23] : memref<2x10000x128xf32, #tpu.memory_space<hbm>> -> memref<1x520x128xf32, #tpu.memory_space<hbm>>
        %dma_wait3A_25 = tpu.memref_squeeze %dma_wait3A_24 : memref<1x520x128xf32, #tpu.memory_space<hbm>> -> memref<520x128xf32, #tpu.memory_space<hbm>>
        %dma_wait3A_26 = arith.constant 9480 : i32
        %dma_wait3A_27 = arith.constant 0 : i32
        %dma_wait3A_28 = tpu.memref_slice %arg10[%dma_wait3A_26, %dma_wait3A_27] : memref<10112x128xf32, #tpu.memory_space<vmem_shared>> -> memref<520x128xf32, #tpu.memory_space<vmem_shared>>
        tpu.wait_dma2 semaphore(%run_scoped3A : memref<!tpu.dma_semaphore, #tpu.memory_space<semaphore_mem>>) src(%dma_wait3A_28 : memref<520x128xf32, #tpu.memory_space<vmem_shared>>) dst(%dma_wait3A_25 : memref<520x128xf32, #tpu.memory_space<hbm>>)
        tpu.yield
      }) : () -> ()
    } else {
    }
    return
  }
}

module attributes {stable_mosaic.version = 14 : i64} {
  func.func @_edge_mlp_body(%arg0: i32, %arg1: memref<4096x16xf32, #tpu.memory_space<vmem>>, %arg2: memref<16x128xf32, #tpu.memory_space<vmem>>, %arg3: memref<1x128xf32, #tpu.memory_space<vmem>>, %arg4: memref<4096x128xf32, #tpu.memory_space<vmem>>) attributes {dimension_semantics = [#tpu.dimension_semantics<arbitrary>], iteration_bounds = array<i64: 79>, scalar_prefetch = 0 : i64, scratch_operands = 0 : i64, tpu.core_type = #tpu.core_type<tc>, window_params = [{transform_indices = @transform_0, window_bounds = array<i64: 4096, 16>}, {pipeline_mode = #tpu.pipeline_mode<synchronous>, transform_indices = @transform_1, window_bounds = array<i64: 16, 128>}, {pipeline_mode = #tpu.pipeline_mode<synchronous>, transform_indices = @transform_2, window_bounds = array<i64: 1, 128>}, {transform_indices = @transform_3, window_bounds = array<i64: 4096, 128>}]} {
    %get3A = arith.constant 0 : index
    %get3A_0 = arith.constant 0 : index
    %get3A_1 = vector.load %arg1[%get3A, %get3A_0] : memref<4096x16xf32, #tpu.memory_space<vmem>>, vector<4096x16xf32>
    %convert_element_type3A = arith.truncf %get3A_1 : vector<4096x16xf32> to vector<4096x16xbf16>
    %convert_element_type3A_2 = arith.extf %convert_element_type3A : vector<4096x16xbf16> to vector<4096x16xf32>
    %get3A_3 = arith.constant 0 : index
    %get3A_4 = arith.constant 0 : index
    %get3A_5 = vector.load %arg2[%get3A_3, %get3A_4] : memref<16x128xf32, #tpu.memory_space<vmem>>, vector<16x128xf32>
    %convert_element_type3A_6 = arith.truncf %get3A_5 : vector<16x128xf32> to vector<16x128xbf16>
    %convert_element_type3A_7 = arith.extf %convert_element_type3A_6 : vector<16x128xbf16> to vector<16x128xf32>
    %dot_general3A = arith.constant dense<0.000000e+00> : vector<4096x128xf32>
    %dot_general3A_8 = tpu.matmul %convert_element_type3A_2, %convert_element_type3A_7, %dot_general3A {dimension_numbers = #tpu.dot_dimension_numbers<[1], [0], [0], [1], [0, 0, 1, 1], [], []>, precision = #tpu.contract_precision<fp32>, transpose_lhs_hint = false} : vector<4096x16xf32>, vector<16x128xf32>, vector<4096x128xf32> -> vector<4096x128xf32>
    %get3A_9 = arith.constant 0 : index
    %get3A_10 = arith.constant 0 : index
    %get3A_11 = vector.load %arg3[%get3A_9, %get3A_10] : memref<1x128xf32, #tpu.memory_space<vmem>>, vector<1x128xf32>
    %add3A = vector.broadcast %get3A_11 : vector<1x128xf32> to vector<4096x128xf32>
    %add3A_12 = arith.addf %dot_general3A_8, %add3A : vector<4096x128xf32>
    %max3A = arith.constant 0.000000e+00 : f32
    %max3A_13 = vector.broadcast %max3A : f32 to vector<4096x128xf32>
    %max3A_14 = arith.maximumf %add3A_12, %max3A_13 : vector<4096x128xf32>
    %convert_element_type3A_15 = arith.truncf %max3A_14 : vector<4096x128xf32> to vector<4096x128xbf16>
    %convert_element_type3A_16 = arith.extf %convert_element_type3A_15 : vector<4096x128xbf16> to vector<4096x128xf32>
    %swap3A = arith.constant 0 : index
    %swap3A_17 = arith.constant 0 : index
    %swap3A_18 = vector.load %arg4[%swap3A, %swap3A_17] : memref<4096x128xf32, #tpu.memory_space<vmem>>, vector<4096x128xf32>
    tpu.vector_store %arg4[%swap3A, %swap3A_17], %convert_element_type3A_16 {strides = array<i32>} : memref<4096x128xf32, #tpu.memory_space<vmem>>, vector<4096x128xf32>,
    return
  }
  func.func @transform_0(%arg0: i32) -> (i32, i32) {
    %c0_i32 = arith.constant 0 : i32
    %c0_i32_0 = arith.constant 0 : i32
    return %arg0, %c0_i32 : i32, i32
  }
  func.func @transform_1(%arg0: i32) -> (i32, i32) {
    %c0_i32 = arith.constant 0 : i32
    %c0_i32_0 = arith.constant 0 : i32
    %c0_i32_1 = arith.constant 0 : i32
    return %c0_i32, %c0_i32_0 : i32, i32
  }
  func.func @transform_2(%arg0: i32) -> (i32, i32) {
    %c0_i32 = arith.constant 0 : i32
    %c0_i32_0 = arith.constant 0 : i32
    %c0_i32_1 = arith.constant 0 : i32
    return %c0_i32, %c0_i32_0 : i32, i32
  }
  func.func @transform_3(%arg0: i32) -> (i32, i32) {
    %c0_i32 = arith.constant 0 : i32
    %c0_i32_0 = arith.constant 0 : i32
    return %arg0, %c0_i32 : i32, i32
  }
}

module attributes {stable_mosaic.version = 14 : i64} {
  func.func @_round_body(%arg0: i32, %arg1: memref<1000x128xf32, #tpu.memory_space<vmem>>, %arg2: memref<1000x128xf32, #tpu.memory_space<vmem>>) attributes {dimension_semantics = [#tpu.dimension_semantics<arbitrary>], iteration_bounds = array<i64: 10>, scalar_prefetch = 0 : i64, scratch_operands = 0 : i64, tpu.core_type = #tpu.core_type<tc>, window_params = [{transform_indices = @transform_0, window_bounds = array<i64: 1000, 128>}, {transform_indices = @transform_1, window_bounds = array<i64: 1000, 128>}]} {
    %get3A = arith.constant 0 : index
    %get3A_0 = arith.constant 0 : index
    %get3A_1 = vector.load %arg1[%get3A, %get3A_0] : memref<1000x128xf32, #tpu.memory_space<vmem>>, vector<1000x128xf32>
    %convert_element_type3A = arith.truncf %get3A_1 : vector<1000x128xf32> to vector<1000x128xbf16>
    %convert_element_type3A_2 = arith.extf %convert_element_type3A : vector<1000x128xbf16> to vector<1000x128xf32>
    %swap3A = arith.constant 0 : index
    %swap3A_3 = arith.constant 0 : index
    %swap3A_4 = vector.load %arg2[%swap3A, %swap3A_3] : memref<1000x128xf32, #tpu.memory_space<vmem>>, vector<1000x128xf32>
    tpu.vector_store %arg2[%swap3A, %swap3A_3], %convert_element_type3A_2 {strides = array<i32>} : memref<1000x128xf32, #tpu.memory_space<vmem>>, vector<1000x128xf32>,
    return
  }
  func.func @transform_0(%arg0: i32) -> (i32, i32) {
    %c0_i32 = arith.constant 0 : i32
    %c0_i32_0 = arith.constant 0 : i32
    return %arg0, %c0_i32 : i32, i32
  }
  func.func @transform_1(%arg0: i32) -> (i32, i32) {
    %c0_i32 = arith.constant 0 : i32
    %c0_i32_0 = arith.constant 0 : i32
    return %arg0, %c0_i32 : i32, i32
  }
}

module attributes {stable_mosaic.version = 14 : i64} {
  func.func @_layer0_body(%arg0: i32, %arg1: memref<2x2x100x128xf32, #tpu.memory_space<vmem>>, %arg2: memref<2x2x100x128xf32, #tpu.memory_space<vmem>>, %arg3: memref<128x128xf32, #tpu.memory_space<vmem>>, %arg4: memref<32x128xf32, #tpu.memory_space<vmem>>, %arg5: memref<1x128xf32, #tpu.memory_space<vmem>>, %arg6: memref<1x128xf32, #tpu.memory_space<vmem>>, %arg7: memref<1x128xf32, #tpu.memory_space<vmem>>, %arg8: memref<1x128xf32, #tpu.memory_space<vmem>>, %arg9: memref<2x100x128xf32, #tpu.memory_space<vmem>>, %arg10: memref<2x100x128xf32, #tpu.memory_space<vmem>>) attributes {dimension_semantics = [#tpu.dimension_semantics<arbitrary>], iteration_bounds = array<i64: 50>, scalar_prefetch = 0 : i64, scratch_operands = 0 : i64, tpu.core_type = #tpu.core_type<tc>, window_params = [{transform_indices = @transform_0, window_bounds = array<i64: 2, 2, 100, 128>}, {transform_indices = @transform_1, window_bounds = array<i64: 2, 2, 100, 128>}, {pipeline_mode = #tpu.pipeline_mode<synchronous>, transform_indices = @transform_2, window_bounds = array<i64: 128, 128>}, {pipeline_mode = #tpu.pipeline_mode<synchronous>, transform_indices = @transform_3, window_bounds = array<i64: 32, 128>}, {pipeline_mode = #tpu.pipeline_mode<synchronous>, transform_indices = @transform_4, window_bounds = array<i64: 1, 128>}, {pipeline_mode = #tpu.pipeline_mode<synchronous>, transform_indices = @transform_5, window_bounds = array<i64: 1, 128>}, {pipeline_mode = #tpu.pipeline_mode<synchronous>, transform_indices = @transform_6, window_bounds = array<i64: 1, 128>}, {pipeline_mode = #tpu.pipeline_mode<synchronous>, transform_indices = @transform_7, window_bounds = array<i64: 1, 128>}, {transform_indices = @transform_8, window_bounds = array<i64: 2, 100, 128>}, {transform_indices = @transform_9, window_bounds = array<i64: 2, 100, 128>}]} {
    %get3A = arith.constant 0 : index
    %get3A_0 = arith.constant 0 : index
    %get3A_1 = vector.load %arg3[%get3A, %get3A_0] : memref<128x128xf32, #tpu.memory_space<vmem>>, vector<128x128xf32>
    %convert_element_type3A = arith.truncf %get3A_1 : vector<128x128xf32> to vector<128x128xbf16>
    %convert_element_type3A_2 = arith.extf %convert_element_type3A : vector<128x128xbf16> to vector<128x128xf32>
    %get3A_3 = arith.constant 0 : index
    %get3A_4 = arith.constant 0 : index
    %get3A_5 = vector.load %arg4[%get3A_3, %get3A_4] : memref<32x128xf32, #tpu.memory_space<vmem>>, vector<32x128xf32>
    %convert_element_type3A_6 = arith.truncf %get3A_5 : vector<32x128xf32> to vector<32x128xbf16>
    %convert_element_type3A_7 = arith.extf %convert_element_type3A_6 : vector<32x128xbf16> to vector<32x128xf32>
    %get3A_8 = arith.constant 0 : index
    %get3A_9 = arith.constant 0 : index
    %get3A_10 = vector.load %arg5[%get3A_8, %get3A_9] : memref<1x128xf32, #tpu.memory_space<vmem>>, vector<1x128xf32>
    %get3A_11 = arith.constant 0 : index
    %get3A_12 = arith.constant 0 : index
    %get3A_13 = vector.load %arg6[%get3A_11, %get3A_12] : memref<1x128xf32, #tpu.memory_space<vmem>>, vector<1x128xf32>
    %get3A_14 = arith.constant 0 : index
    %get3A_15 = arith.constant 0 : index
    %get3A_16 = vector.load %arg7[%get3A_14, %get3A_15] : memref<1x128xf32, #tpu.memory_space<vmem>>, vector<1x128xf32>
    %get3A_17 = arith.constant 0 : index
    %get3A_18 = arith.constant 0 : index
    %get3A_19 = vector.load %arg8[%get3A_17, %get3A_18] : memref<1x128xf32, #tpu.memory_space<vmem>>, vector<1x128xf32>
    %get3A_20 = arith.constant 0 : index
    %get3A_21 = arith.constant 0 : index
    %get3A_22 = arith.constant 0 : index
    %get3A_23 = arith.constant 0 : index
    %get3A_24 = vector.load %arg1[%get3A_20, %get3A_21, %get3A_22, %get3A_23] : memref<2x2x100x128xf32, #tpu.memory_space<vmem>>, vector<1x1x100x128xf32>
    %get3A_25 = vector.shape_cast %get3A_24 : vector<1x1x100x128xf32> to vector<100x128xf32>
    %get3A_26 = arith.constant 1 : index
    %get3A_27 = arith.constant 0 : index
    %get3A_28 = arith.constant 0 : index
    %get3A_29 = arith.constant 0 : index
    %get3A_30 = vector.load %arg1[%get3A_26, %get3A_27, %get3A_28, %get3A_29] : memref<2x2x100x128xf32, #tpu.memory_space<vmem>>, vector<1x1x100x128xf32>
    %get3A_31 = vector.shape_cast %get3A_30 : vector<1x1x100x128xf32> to vector<100x128xf32>
    %add3A = arith.addf %get3A_25, %get3A_31 : vector<100x128xf32>
    %get3A_32 = arith.constant 0 : index
    %get3A_33 = arith.constant 0 : index
    %get3A_34 = arith.constant 0 : index
    %get3A_35 = arith.constant 0 : index
    %get3A_36 = vector.load %arg2[%get3A_32, %get3A_33, %get3A_34, %get3A_35] : memref<2x2x100x128xf32, #tpu.memory_space<vmem>>, vector<1x1x100x128xf32>
    %get3A_37 = vector.shape_cast %get3A_36 : vector<1x1x100x128xf32> to vector<100x128xf32>
    %get3A_38 = arith.constant 1 : index
    %get3A_39 = arith.constant 0 : index
    %get3A_40 = arith.constant 0 : index
    %get3A_41 = arith.constant 0 : index
    %get3A_42 = vector.load %arg2[%get3A_38, %get3A_39, %get3A_40, %get3A_41] : memref<2x2x100x128xf32, #tpu.memory_space<vmem>>, vector<1x1x100x128xf32>
    %get3A_43 = vector.shape_cast %get3A_42 : vector<1x1x100x128xf32> to vector<100x128xf32>
    %add3A_44 = arith.addf %get3A_37, %get3A_43 : vector<100x128xf32>
    %slice3A = vector.extract_strided_slice %add3A_44 {offsets = [0, 32], sizes = [100, 1], strides = [1, 1]} : vector<100x128xf32> to vector<100x1xf32>
    %dot_general3A = arith.constant dense<0.000000e+00> : vector<100x128xf32>
    %dot_general3A_45 = tpu.matmul %add3A, %convert_element_type3A_2, %dot_general3A {dimension_numbers = #tpu.dot_dimension_numbers<[1], [0], [0], [1], [0, 0, 1, 1], [], []>, precision = #tpu.contract_precision<fp32>, transpose_lhs_hint = false} : vector<100x128xf32>, vector<128x128xf32>, vector<100x128xf32> -> vector<100x128xf32>
    %slice3A_46 = vector.extract_strided_slice %add3A_44 {offsets = [0, 0], sizes = [100, 32], strides = [1, 1]} : vector<100x128xf32> to vector<100x32xf32>
    %dot_general3A_47 = arith.constant dense<0.000000e+00> : vector<100x128xf32>
    %dot_general3A_48 = tpu.matmul %slice3A_46, %convert_element_type3A_7, %dot_general3A_47 {dimension_numbers = #tpu.dot_dimension_numbers<[1], [0], [0], [1], [0, 0, 1, 1], [], []>, precision = #tpu.contract_precision<fp32>, transpose_lhs_hint = false} : vector<100x32xf32>, vector<32x128xf32>, vector<100x128xf32> -> vector<100x128xf32>
    %add3A_49 = arith.addf %dot_general3A_45, %dot_general3A_48 : vector<100x128xf32>
    %mul3A = vector.broadcast %slice3A : vector<100x1xf32> to vector<100x128xf32>
    %mul3A_50 = vector.broadcast %get3A_10 : vector<1x128xf32> to vector<100x128xf32>
    %mul3A_51 = arith.mulf %mul3A, %mul3A_50 : vector<100x128xf32>
    %add3A_52 = arith.addf %add3A_49, %mul3A_51 : vector<100x128xf32>
    %max3A = arith.constant 1.000000e+00 : f32
    %max3A_53 = vector.broadcast %max3A : f32 to vector<100x1xf32>
    %max3A_54 = arith.maximumf %slice3A, %max3A_53 : vector<100x1xf32>
    %div3A = vector.broadcast %max3A_54 : vector<100x1xf32> to vector<100x128xf32>
    %div3A_55 = arith.divf %add3A_52, %div3A : vector<100x128xf32>
    %max3A_56 = arith.constant 0.000000e+00 : f32
    %max3A_57 = vector.broadcast %max3A_56 : f32 to vector<100x128xf32>
    %max3A_58 = arith.maximumf %div3A_55, %max3A_57 : vector<100x128xf32>
    %reduce_sum3A = arith.constant dense<0.000000e+00> : vector<128xf32>
    %reduce_sum3A_59 = vector.multi_reduction <add>, %max3A_58, %reduce_sum3A [0] : vector<100x128xf32> to vector<128xf32>
    %broadcast_in_dim3A = vector.shape_cast %reduce_sum3A_59 : vector<128xf32> to vector<1x128xf32>
    %div3A_60 = arith.constant 1.000000e+02 : f32
    %div3A_61 = vector.broadcast %div3A_60 : f32 to vector<1x128xf32>
    %div3A_62 = arith.divf %broadcast_in_dim3A, %div3A_61 : vector<1x128xf32>
    %mul3A_63 = arith.mulf %div3A_62, %get3A_19 : vector<1x128xf32>
    %sub3A = vector.broadcast %mul3A_63 : vector<1x128xf32> to vector<100x128xf32>
    %sub3A_64 = arith.subf %max3A_58, %sub3A : vector<100x128xf32>
    %mul3A_65 = arith.mulf %sub3A_64, %sub3A_64 : vector<100x128xf32>
    %reduce_sum3A_66 = arith.constant dense<0.000000e+00> : vector<128xf32>
    %reduce_sum3A_67 = vector.multi_reduction <add>, %mul3A_65, %reduce_sum3A_66 [0] : vector<100x128xf32> to vector<128xf32>
    %broadcast_in_dim3A_68 = vector.shape_cast %reduce_sum3A_67 : vector<128xf32> to vector<1x128xf32>
    %div3A_69 = arith.constant 1.000000e+02 : f32
    %div3A_70 = vector.broadcast %div3A_69 : f32 to vector<1x128xf32>
    %div3A_71 = arith.divf %broadcast_in_dim3A_68, %div3A_70 : vector<1x128xf32>
    %mul3A_72 = vector.broadcast %get3A_13 : vector<1x128xf32> to vector<100x128xf32>
    %mul3A_73 = arith.mulf %mul3A_72, %sub3A_64 : vector<100x128xf32>
    %add3A_74 = arith.constant 9.99999974E-6 : f32
    %add3A_75 = vector.broadcast %add3A_74 : f32 to vector<1x128xf32>
    %add3A_76 = arith.addf %div3A_71, %add3A_75 : vector<1x128xf32>
    %sqrt3A = math.sqrt %add3A_76 : vector<1x128xf32>
    %div3A_77 = vector.broadcast %sqrt3A : vector<1x128xf32> to vector<100x128xf32>
    %div3A_78 = arith.divf %mul3A_73, %div3A_77 : vector<100x128xf32>
    %add3A_79 = vector.broadcast %get3A_16 : vector<1x128xf32> to vector<100x128xf32>
    %add3A_80 = arith.addf %div3A_78, %add3A_79 : vector<100x128xf32>
    %swap3A = arith.constant 0 : index
    %swap3A_81 = arith.constant 0 : index
    %swap3A_82 = arith.constant 0 : index
    %swap3A_83 = vector.load %arg9[%swap3A, %swap3A_81, %swap3A_82] : memref<2x100x128xf32, #tpu.memory_space<vmem>>, vector<1x100x128xf32>
    %swap3A_84 = vector.shape_cast %swap3A_83 : vector<1x100x128xf32> to vector<100x128xf32>
    %swap3A_85 = vector.shape_cast %add3A_80 : vector<100x128xf32> to vector<1x100x128xf32>
    tpu.vector_store %arg9[%swap3A, %swap3A_81, %swap3A_82], %swap3A_85 {strides = array<i32>} : memref<2x100x128xf32, #tpu.memory_space<vmem>>, vector<1x100x128xf32>,
    %convert_element_type3A_86 = arith.truncf %add3A_80 : vector<100x128xf32> to vector<100x128xbf16>
    %convert_element_type3A_87 = arith.extf %convert_element_type3A_86 : vector<100x128xbf16> to vector<100x128xf32>
    %swap3A_88 = arith.constant 0 : index
    %swap3A_89 = arith.constant 0 : index
    %swap3A_90 = arith.constant 0 : index
    %swap3A_91 = vector.load %arg10[%swap3A_88, %swap3A_89, %swap3A_90] : memref<2x100x128xf32, #tpu.memory_space<vmem>>, vector<1x100x128xf32>
    %swap3A_92 = vector.shape_cast %swap3A_91 : vector<1x100x128xf32> to vector<100x128xf32>
    %swap3A_93 = vector.shape_cast %convert_element_type3A_87 : vector<100x128xf32> to vector<1x100x128xf32>
    tpu.vector_store %arg10[%swap3A_88, %swap3A_89, %swap3A_90], %swap3A_93 {strides = array<i32>} : memref<2x100x128xf32, #tpu.memory_space<vmem>>, vector<1x100x128xf32>,
    %get3A_94 = arith.constant 0 : index
    %get3A_95 = arith.constant 1 : index
    %get3A_96 = arith.constant 0 : index
    %get3A_97 = arith.constant 0 : index
    %get3A_98 = vector.load %arg1[%get3A_94, %get3A_95, %get3A_96, %get3A_97] : memref<2x2x100x128xf32, #tpu.memory_space<vmem>>, vector<1x1x100x128xf32>
    %get3A_99 = vector.shape_cast %get3A_98 : vector<1x1x100x128xf32> to vector<100x128xf32>
    %get3A_100 = arith.constant 1 : index
    %get3A_101 = arith.constant 1 : index
    %get3A_102 = arith.constant 0 : index
    %get3A_103 = arith.constant 0 : index
    %get3A_104 = vector.load %arg1[%get3A_100, %get3A_101, %get3A_102, %get3A_103] : memref<2x2x100x128xf32, #tpu.memory_space<vmem>>, vector<1x1x100x128xf32>
    %get3A_105 = vector.shape_cast %get3A_104 : vector<1x1x100x128xf32> to vector<100x128xf32>
    %add3A_106 = arith.addf %get3A_99, %get3A_105 : vector<100x128xf32>
    %get3A_107 = arith.constant 0 : index
    %get3A_108 = arith.constant 1 : index
    %get3A_109 = arith.constant 0 : index
    %get3A_110 = arith.constant 0 : index
    %get3A_111 = vector.load %arg2[%get3A_107, %get3A_108, %get3A_109, %get3A_110] : memref<2x2x100x128xf32, #tpu.memory_space<vmem>>, vector<1x1x100x128xf32>
    %get3A_112 = vector.shape_cast %get3A_111 : vector<1x1x100x128xf32> to vector<100x128xf32>
    %get3A_113 = arith.constant 1 : index
    %get3A_114 = arith.constant 1 : index
    %get3A_115 = arith.constant 0 : index
    %get3A_116 = arith.constant 0 : index
    %get3A_117 = vector.load %arg2[%get3A_113, %get3A_114, %get3A_115, %get3A_116] : memref<2x2x100x128xf32, #tpu.memory_space<vmem>>, vector<1x1x100x128xf32>
    %get3A_118 = vector.shape_cast %get3A_117 : vector<1x1x100x128xf32> to vector<100x128xf32>
    %add3A_119 = arith.addf %get3A_112, %get3A_118 : vector<100x128xf32>
    %slice3A_120 = vector.extract_strided_slice %add3A_119 {offsets = [0, 32], sizes = [100, 1], strides = [1, 1]} : vector<100x128xf32> to vector<100x1xf32>
    %dot_general3A_121 = arith.constant dense<0.000000e+00> : vector<100x128xf32>
    %dot_general3A_122 = tpu.matmul %add3A_106, %convert_element_type3A_2, %dot_general3A_121 {dimension_numbers = #tpu.dot_dimension_numbers<[1], [0], [0], [1], [0, 0, 1, 1], [], []>, precision = #tpu.contract_precision<fp32>, transpose_lhs_hint = false} : vector<100x128xf32>, vector<128x128xf32>, vector<100x128xf32> -> vector<100x128xf32>
    %slice3A_123 = vector.extract_strided_slice %add3A_119 {offsets = [0, 0], sizes = [100, 32], strides = [1, 1]} : vector<100x128xf32> to vector<100x32xf32>
    %dot_general3A_124 = arith.constant dense<0.000000e+00> : vector<100x128xf32>
    %dot_general3A_125 = tpu.matmul %slice3A_123, %convert_element_type3A_7, %dot_general3A_124 {dimension_numbers = #tpu.dot_dimension_numbers<[1], [0], [0], [1], [0, 0, 1, 1], [], []>, precision = #tpu.contract_precision<fp32>, transpose_lhs_hint = false} : vector<100x32xf32>, vector<32x128xf32>, vector<100x128xf32> -> vector<100x128xf32>
    %add3A_126 = arith.addf %dot_general3A_122, %dot_general3A_125 : vector<100x128xf32>
    %mul3A_127 = vector.broadcast %slice3A_120 : vector<100x1xf32> to vector<100x128xf32>
    %mul3A_128 = vector.broadcast %get3A_10 : vector<1x128xf32> to vector<100x128xf32>
    %mul3A_129 = arith.mulf %mul3A_127, %mul3A_128 : vector<100x128xf32>
    %add3A_130 = arith.addf %add3A_126, %mul3A_129 : vector<100x128xf32>
    %max3A_131 = arith.constant 1.000000e+00 : f32
    %max3A_132 = vector.broadcast %max3A_131 : f32 to vector<100x1xf32>
    %max3A_133 = arith.maximumf %slice3A_120, %max3A_132 : vector<100x1xf32>
    %div3A_134 = vector.broadcast %max3A_133 : vector<100x1xf32> to vector<100x128xf32>
    %div3A_135 = arith.divf %add3A_130, %div3A_134 : vector<100x128xf32>
    %max3A_136 = arith.constant 0.000000e+00 : f32
    %max3A_137 = vector.broadcast %max3A_136 : f32 to vector<100x128xf32>
    %max3A_138 = arith.maximumf %div3A_135, %max3A_137 : vector<100x128xf32>
    %reduce_sum3A_139 = arith.constant dense<0.000000e+00> : vector<128xf32>
    %reduce_sum3A_140 = vector.multi_reduction <add>, %max3A_138, %reduce_sum3A_139 [0] : vector<100x128xf32> to vector<128xf32>
    %broadcast_in_dim3A_141 = vector.shape_cast %reduce_sum3A_140 : vector<128xf32> to vector<1x128xf32>
    %div3A_142 = arith.constant 1.000000e+02 : f32
    %div3A_143 = vector.broadcast %div3A_142 : f32 to vector<1x128xf32>
    %div3A_144 = arith.divf %broadcast_in_dim3A_141, %div3A_143 : vector<1x128xf32>
    %mul3A_145 = arith.mulf %div3A_144, %get3A_19 : vector<1x128xf32>
    %sub3A_146 = vector.broadcast %mul3A_145 : vector<1x128xf32> to vector<100x128xf32>
    %sub3A_147 = arith.subf %max3A_138, %sub3A_146 : vector<100x128xf32>
    %mul3A_148 = arith.mulf %sub3A_147, %sub3A_147 : vector<100x128xf32>
    %reduce_sum3A_149 = arith.constant dense<0.000000e+00> : vector<128xf32>
    %reduce_sum3A_150 = vector.multi_reduction <add>, %mul3A_148, %reduce_sum3A_149 [0] : vector<100x128xf32> to vector<128xf32>
    %broadcast_in_dim3A_151 = vector.shape_cast %reduce_sum3A_150 : vector<128xf32> to vector<1x128xf32>
    %div3A_152 = arith.constant 1.000000e+02 : f32
    %div3A_153 = vector.broadcast %div3A_152 : f32 to vector<1x128xf32>
    %div3A_154 = arith.divf %broadcast_in_dim3A_151, %div3A_153 : vector<1x128xf32>
    %mul3A_155 = vector.broadcast %get3A_13 : vector<1x128xf32> to vector<100x128xf32>
    %mul3A_156 = arith.mulf %mul3A_155, %sub3A_147 : vector<100x128xf32>
    %add3A_157 = arith.constant 9.99999974E-6 : f32
    %add3A_158 = vector.broadcast %add3A_157 : f32 to vector<1x128xf32>
    %add3A_159 = arith.addf %div3A_154, %add3A_158 : vector<1x128xf32>
    %sqrt3A_160 = math.sqrt %add3A_159 : vector<1x128xf32>
    %div3A_161 = vector.broadcast %sqrt3A_160 : vector<1x128xf32> to vector<100x128xf32>
    %div3A_162 = arith.divf %mul3A_156, %div3A_161 : vector<100x128xf32>
    %add3A_163 = vector.broadcast %get3A_16 : vector<1x128xf32> to vector<100x128xf32>
    %add3A_164 = arith.addf %div3A_162, %add3A_163 : vector<100x128xf32>
    %swap3A_165 = arith.constant 1 : index
    %swap3A_166 = arith.constant 0 : index
    %swap3A_167 = arith.constant 0 : index
    %swap3A_168 = vector.load %arg9[%swap3A_165, %swap3A_166, %swap3A_167] : memref<2x100x128xf32, #tpu.memory_space<vmem>>, vector<1x100x128xf32>
    %swap3A_169 = vector.shape_cast %swap3A_168 : vector<1x100x128xf32> to vector<100x128xf32>
    %swap3A_170 = vector.shape_cast %add3A_164 : vector<100x128xf32> to vector<1x100x128xf32>
    tpu.vector_store %arg9[%swap3A_165, %swap3A_166, %swap3A_167], %swap3A_170 {strides = array<i32>} : memref<2x100x128xf32, #tpu.memory_space<vmem>>, vector<1x100x128xf32>,
    %convert_element_type3A_171 = arith.truncf %add3A_164 : vector<100x128xf32> to vector<100x128xbf16>
    %convert_element_type3A_172 = arith.extf %convert_element_type3A_171 : vector<100x128xbf16> to vector<100x128xf32>
    %swap3A_173 = arith.constant 1 : index
    %swap3A_174 = arith.constant 0 : index
    %swap3A_175 = arith.constant 0 : index
    %swap3A_176 = vector.load %arg10[%swap3A_173, %swap3A_174, %swap3A_175] : memref<2x100x128xf32, #tpu.memory_space<vmem>>, vector<1x100x128xf32>
    %swap3A_177 = vector.shape_cast %swap3A_176 : vector<1x100x128xf32> to vector<100x128xf32>
    %swap3A_178 = vector.shape_cast %convert_element_type3A_172 : vector<100x128xf32> to vector<1x100x128xf32>
    tpu.vector_store %arg10[%swap3A_173, %swap3A_174, %swap3A_175], %swap3A_178 {strides = array<i32>} : memref<2x100x128xf32, #tpu.memory_space<vmem>>, vector<1x100x128xf32>,
    return
  }
  func.func @transform_0(%arg0: i32) -> (i32, i32, i32, i32) {
    %c0_i32 = arith.constant 0 : i32
    %c0_i32_0 = arith.constant 0 : i32
    %c0_i32_1 = arith.constant 0 : i32
    %c0_i32_2 = arith.constant 0 : i32
    return %c0_i32, %arg0, %c0_i32_0, %c0_i32_1 : i32, i32, i32, i32
  }
  func.func @transform_1(%arg0: i32) -> (i32, i32, i32, i32) {
    %c0_i32 = arith.constant 0 : i32
    %c0_i32_0 = arith.constant 0 : i32
    %c0_i32_1 = arith.constant 0 : i32
    %c0_i32_2 = arith.constant 0 : i32
    return %c0_i32, %arg0, %c0_i32_0, %c0_i32_1 : i32, i32, i32, i32
  }
  func.func @transform_2(%arg0: i32) -> (i32, i32) {
    %c0_i32 = arith.constant 0 : i32
    %c0_i32_0 = arith.constant 0 : i32
    %c0_i32_1 = arith.constant 0 : i32
    return %c0_i32, %c0_i32_0 : i32, i32
  }
  func.func @transform_3(%arg0: i32) -> (i32, i32) {
    %c0_i32 = arith.constant 0 : i32
    %c0_i32_0 = arith.constant 0 : i32
    %c0_i32_1 = arith.constant 0 : i32
    return %c0_i32, %c0_i32_0 : i32, i32
  }
  func.func @transform_4(%arg0: i32) -> (i32, i32) {
    %c0_i32 = arith.constant 0 : i32
    %c0_i32_0 = arith.constant 0 : i32
    %c0_i32_1 = arith.constant 0 : i32
    return %c0_i32, %c0_i32_0 : i32, i32
  }
  func.func @transform_5(%arg0: i32) -> (i32, i32) {
    %c0_i32 = arith.constant 0 : i32
    %c0_i32_0 = arith.constant 0 : i32
    %c0_i32_1 = arith.constant 0 : i32
    return %c0_i32, %c0_i32_0 : i32, i32
  }
  func.func @transform_6(%arg0: i32) -> (i32, i32) {
    %c0_i32 = arith.constant 0 : i32
    %c0_i32_0 = arith.constant 0 : i32
    %c0_i32_1 = arith.constant 0 : i32
    return %c0_i32, %c0_i32_0 : i32, i32
  }
  func.func @transform_7(%arg0: i32) -> (i32, i32) {
    %c0_i32 = arith.constant 0 : i32
    %c0_i32_0 = arith.constant 0 : i32
    %c0_i32_1 = arith.constant 0 : i32
    return %c0_i32, %c0_i32_0 : i32, i32
  }
  func.func @transform_8(%arg0: i32) -> (i32, i32, i32) {
    %c0_i32 = arith.constant 0 : i32
    %c0_i32_0 = arith.constant 0 : i32
    %c0_i32_1 = arith.constant 0 : i32
    return %arg0, %c0_i32, %c0_i32_0 : i32, i32, i32
  }
  func.func @transform_9(%arg0: i32) -> (i32, i32, i32) {
    %c0_i32 = arith.constant 0 : i32
    %c0_i32_0 = arith.constant 0 : i32
    %c0_i32_1 = arith.constant 0 : i32
    return %arg0, %c0_i32, %c0_i32_0 : i32, i32, i32
  }
}

module attributes {stable_mosaic.version = 14 : i64} {
  func.func @_layer_body(%arg0: i32, %arg1: memref<2x100x128xf32, #tpu.memory_space<vmem>>, %arg2: memref<2x2x100x128xf32, #tpu.memory_space<vmem>>, %arg3: memref<2x2x100x128xf32, #tpu.memory_space<vmem>>, %arg4: memref<128x128xf32, #tpu.memory_space<vmem>>, %arg5: memref<32x128xf32, #tpu.memory_space<vmem>>, %arg6: memref<1x128xf32, #tpu.memory_space<vmem>>, %arg7: memref<1x128xf32, #tpu.memory_space<vmem>>, %arg8: memref<1x128xf32, #tpu.memory_space<vmem>>, %arg9: memref<1x128xf32, #tpu.memory_space<vmem>>, %arg10: memref<128x128xf32, #tpu.memory_space<vmem>>, %arg11: memref<128x128xf32, #tpu.memory_space<vmem>>, %arg12: memref<128x128xf32, #tpu.memory_space<vmem>>, %arg13: memref<128x128xf32, #tpu.memory_space<vmem>>, %arg14: memref<128x128xf32, #tpu.memory_space<vmem>>, %arg15: memref<128x128xf32, #tpu.memory_space<vmem>>, %arg16: memref<128x128xf32, #tpu.memory_space<vmem>>, %arg17: memref<128x128xf32, #tpu.memory_space<vmem>>, %arg18: memref<1x128xf32, #tpu.memory_space<vmem>>, %arg19: memref<2x100x128xf32, #tpu.memory_space<vmem>>, %arg20: memref<2x100x128xf32, #tpu.memory_space<vmem>>) attributes {dimension_semantics = [#tpu.dimension_semantics<arbitrary>], iteration_bounds = array<i64: 50>, scalar_prefetch = 0 : i64, scratch_operands = 0 : i64, tpu.core_type = #tpu.core_type<tc>, window_params = [{transform_indices = @transform_0, window_bounds = array<i64: 2, 100, 128>}, {transform_indices = @transform_1, window_bounds = array<i64: 2, 2, 100, 128>}, {transform_indices = @transform_2, window_bounds = array<i64: 2, 2, 100, 128>}, {pipeline_mode = #tpu.pipeline_mode<synchronous>, transform_indices = @transform_3, window_bounds = array<i64: 128, 128>}, {pipeline_mode = #tpu.pipeline_mode<synchronous>, transform_indices = @transform_4, window_bounds = array<i64: 32, 128>}, {pipeline_mode = #tpu.pipeline_mode<synchronous>, transform_indices = @transform_5, window_bounds = array<i64: 1, 128>}, {pipeline_mode = #tpu.pipeline_mode<synchronous>, transform_indices = @transform_6, window_bounds = array<i64: 1, 128>}, {pipeline_mode = #tpu.pipeline_mode<synchronous>, transform_indices = @transform_7, window_bounds = array<i64: 1, 128>}, {pipeline_mode = #tpu.pipeline_mode<synchronous>, transform_indices = @transform_8, window_bounds = array<i64: 1, 128>}, {pipeline_mode = #tpu.pipeline_mode<synchronous>, transform_indices = @transform_9, window_bounds = array<i64: 128, 128>}, {pipeline_mode = #tpu.pipeline_mode<synchronous>, transform_indices = @transform_10, window_bounds = array<i64: 128, 128>}, {pipeline_mode = #tpu.pipeline_mode<synchronous>, transform_indices = @transform_11, window_bounds = array<i64: 128, 128>}, {pipeline_mode = #tpu.pipeline_mode<synchronous>, transform_indices = @transform_12, window_bounds = array<i64: 128, 128>}, {pipeline_mode = #tpu.pipeline_mode<synchronous>, transform_indices = @transform_13, window_bounds = array<i64: 128, 128>}, {pipeline_mode = #tpu.pipeline_mode<synchronous>, transform_indices = @transform_14, window_bounds = array<i64: 128, 128>}, {pipeline_mode = #tpu.pipeline_mode<synchronous>, transform_indices = @transform_15, window_bounds = array<i64: 128, 128>}, {pipeline_mode = #tpu.pipeline_mode<synchronous>, transform_indices = @transform_16, window_bounds = array<i64: 128, 128>}, {pipeline_mode = #tpu.pipeline_mode<synchronous>, transform_indices = @transform_17, window_bounds = array<i64: 1, 128>}, {transform_indices = @transform_18, window_bounds = array<i64: 2, 100, 128>}, {transform_indices = @transform_19, window_bounds = array<i64: 2, 100, 128>}]} {
    %get3A = arith.constant 0 : index
    %get3A_0 = arith.constant 0 : index
    %get3A_1 = vector.load %arg4[%get3A, %get3A_0] : memref<128x128xf32, #tpu.memory_space<vmem>>, vector<128x128xf32>
    %convert_element_type3A = arith.truncf %get3A_1 : vector<128x128xf32> to vector<128x128xbf16>
    %convert_element_type3A_2 = arith.extf %convert_element_type3A : vector<128x128xbf16> to vector<128x128xf32>
    %get3A_3 = arith.constant 0 : index
    %get3A_4 = arith.constant 0 : index
    %get3A_5 = vector.load %arg5[%get3A_3, %get3A_4] : memref<32x128xf32, #tpu.memory_space<vmem>>, vector<32x128xf32>
    %convert_element_type3A_6 = arith.truncf %get3A_5 : vector<32x128xf32> to vector<32x128xbf16>
    %convert_element_type3A_7 = arith.extf %convert_element_type3A_6 : vector<32x128xbf16> to vector<32x128xf32>
    %get3A_8 = arith.constant 0 : index
    %get3A_9 = arith.constant 0 : index
    %get3A_10 = vector.load %arg6[%get3A_8, %get3A_9] : memref<1x128xf32, #tpu.memory_space<vmem>>, vector<1x128xf32>
    %get3A_11 = arith.constant 0 : index
    %get3A_12 = arith.constant 0 : index
    %get3A_13 = vector.load %arg7[%get3A_11, %get3A_12] : memref<1x128xf32, #tpu.memory_space<vmem>>, vector<1x128xf32>
    %get3A_14 = arith.constant 0 : index
    %get3A_15 = arith.constant 0 : index
    %get3A_16 = vector.load %arg8[%get3A_14, %get3A_15] : memref<1x128xf32, #tpu.memory_space<vmem>>, vector<1x128xf32>
    %get3A_17 = arith.constant 0 : index
    %get3A_18 = arith.constant 0 : index
    %get3A_19 = vector.load %arg9[%get3A_17, %get3A_18] : memref<1x128xf32, #tpu.memory_space<vmem>>, vector<1x128xf32>
    %get3A_20 = arith.constant 0 : index
    %get3A_21 = arith.constant 0 : index
    %get3A_22 = arith.constant 0 : index
    %get3A_23 = arith.constant 0 : index
    %get3A_24 = vector.load %arg2[%get3A_20, %get3A_21, %get3A_22, %get3A_23] : memref<2x2x100x128xf32, #tpu.memory_space<vmem>>, vector<1x1x100x128xf32>
    %get3A_25 = vector.shape_cast %get3A_24 : vector<1x1x100x128xf32> to vector<100x128xf32>
    %get3A_26 = arith.constant 1 : index
    %get3A_27 = arith.constant 0 : index
    %get3A_28 = arith.constant 0 : index
    %get3A_29 = arith.constant 0 : index
    %get3A_30 = vector.load %arg2[%get3A_26, %get3A_27, %get3A_28, %get3A_29] : memref<2x2x100x128xf32, #tpu.memory_space<vmem>>, vector<1x1x100x128xf32>
    %get3A_31 = vector.shape_cast %get3A_30 : vector<1x1x100x128xf32> to vector<100x128xf32>
    %add3A = arith.addf %get3A_25, %get3A_31 : vector<100x128xf32>
    %get3A_32 = arith.constant 0 : index
    %get3A_33 = arith.constant 0 : index
    %get3A_34 = arith.constant 0 : index
    %get3A_35 = arith.constant 0 : index
    %get3A_36 = vector.load %arg3[%get3A_32, %get3A_33, %get3A_34, %get3A_35] : memref<2x2x100x128xf32, #tpu.memory_space<vmem>>, vector<1x1x100x128xf32>
    %get3A_37 = vector.shape_cast %get3A_36 : vector<1x1x100x128xf32> to vector<100x128xf32>
    %get3A_38 = arith.constant 1 : index
    %get3A_39 = arith.constant 0 : index
    %get3A_40 = arith.constant 0 : index
    %get3A_41 = arith.constant 0 : index
    %get3A_42 = vector.load %arg3[%get3A_38, %get3A_39, %get3A_40, %get3A_41] : memref<2x2x100x128xf32, #tpu.memory_space<vmem>>, vector<1x1x100x128xf32>
    %get3A_43 = vector.shape_cast %get3A_42 : vector<1x1x100x128xf32> to vector<100x128xf32>
    %add3A_44 = arith.addf %get3A_37, %get3A_43 : vector<100x128xf32>
    %slice3A = vector.extract_strided_slice %add3A_44 {offsets = [0, 32], sizes = [100, 1], strides = [1, 1]} : vector<100x128xf32> to vector<100x1xf32>
    %dot_general3A = arith.constant dense<0.000000e+00> : vector<100x128xf32>
    %dot_general3A_45 = tpu.matmul %add3A, %convert_element_type3A_2, %dot_general3A {dimension_numbers = #tpu.dot_dimension_numbers<[1], [0], [0], [1], [0, 0, 1, 1], [], []>, precision = #tpu.contract_precision<fp32>, transpose_lhs_hint = false} : vector<100x128xf32>, vector<128x128xf32>, vector<100x128xf32> -> vector<100x128xf32>
    %slice3A_46 = vector.extract_strided_slice %add3A_44 {offsets = [0, 0], sizes = [100, 32], strides = [1, 1]} : vector<100x128xf32> to vector<100x32xf32>
    %dot_general3A_47 = arith.constant dense<0.000000e+00> : vector<100x128xf32>
    %dot_general3A_48 = tpu.matmul %slice3A_46, %convert_element_type3A_7, %dot_general3A_47 {dimension_numbers = #tpu.dot_dimension_numbers<[1], [0], [0], [1], [0, 0, 1, 1], [], []>, precision = #tpu.contract_precision<fp32>, transpose_lhs_hint = false} : vector<100x32xf32>, vector<32x128xf32>, vector<100x128xf32> -> vector<100x128xf32>
    %add3A_49 = arith.addf %dot_general3A_45, %dot_general3A_48 : vector<100x128xf32>
    %mul3A = vector.broadcast %slice3A : vector<100x1xf32> to vector<100x128xf32>
    %mul3A_50 = vector.broadcast %get3A_10 : vector<1x128xf32> to vector<100x128xf32>
    %mul3A_51 = arith.mulf %mul3A, %mul3A_50 : vector<100x128xf32>
    %add3A_52 = arith.addf %add3A_49, %mul3A_51 : vector<100x128xf32>
    %max3A = arith.constant 1.000000e+00 : f32
    %max3A_53 = vector.broadcast %max3A : f32 to vector<100x1xf32>
    %max3A_54 = arith.maximumf %slice3A, %max3A_53 : vector<100x1xf32>
    %div3A = vector.broadcast %max3A_54 : vector<100x1xf32> to vector<100x128xf32>
    %div3A_55 = arith.divf %add3A_52, %div3A : vector<100x128xf32>
    %max3A_56 = arith.constant 0.000000e+00 : f32
    %max3A_57 = vector.broadcast %max3A_56 : f32 to vector<100x128xf32>
    %max3A_58 = arith.maximumf %div3A_55, %max3A_57 : vector<100x128xf32>
    %reduce_sum3A = arith.constant dense<0.000000e+00> : vector<128xf32>
    %reduce_sum3A_59 = vector.multi_reduction <add>, %max3A_58, %reduce_sum3A [0] : vector<100x128xf32> to vector<128xf32>
    %broadcast_in_dim3A = vector.shape_cast %reduce_sum3A_59 : vector<128xf32> to vector<1x128xf32>
    %div3A_60 = arith.constant 1.000000e+02 : f32
    %div3A_61 = vector.broadcast %div3A_60 : f32 to vector<1x128xf32>
    %div3A_62 = arith.divf %broadcast_in_dim3A, %div3A_61 : vector<1x128xf32>
    %mul3A_63 = arith.mulf %div3A_62, %get3A_19 : vector<1x128xf32>
    %sub3A = vector.broadcast %mul3A_63 : vector<1x128xf32> to vector<100x128xf32>
    %sub3A_64 = arith.subf %max3A_58, %sub3A : vector<100x128xf32>
    %mul3A_65 = arith.mulf %sub3A_64, %sub3A_64 : vector<100x128xf32>
    %reduce_sum3A_66 = arith.constant dense<0.000000e+00> : vector<128xf32>
    %reduce_sum3A_67 = vector.multi_reduction <add>, %mul3A_65, %reduce_sum3A_66 [0] : vector<100x128xf32> to vector<128xf32>
    %broadcast_in_dim3A_68 = vector.shape_cast %reduce_sum3A_67 : vector<128xf32> to vector<1x128xf32>
    %div3A_69 = arith.constant 1.000000e+02 : f32
    %div3A_70 = vector.broadcast %div3A_69 : f32 to vector<1x128xf32>
    %div3A_71 = arith.divf %broadcast_in_dim3A_68, %div3A_70 : vector<1x128xf32>
    %mul3A_72 = vector.broadcast %get3A_13 : vector<1x128xf32> to vector<100x128xf32>
    %mul3A_73 = arith.mulf %mul3A_72, %sub3A_64 : vector<100x128xf32>
    %add3A_74 = arith.constant 9.99999974E-6 : f32
    %add3A_75 = vector.broadcast %add3A_74 : f32 to vector<1x128xf32>
    %add3A_76 = arith.addf %div3A_71, %add3A_75 : vector<1x128xf32>
    %sqrt3A = math.sqrt %add3A_76 : vector<1x128xf32>
    %div3A_77 = vector.broadcast %sqrt3A : vector<1x128xf32> to vector<100x128xf32>
    %div3A_78 = arith.divf %mul3A_73, %div3A_77 : vector<100x128xf32>
    %add3A_79 = vector.broadcast %get3A_16 : vector<1x128xf32> to vector<100x128xf32>
    %add3A_80 = arith.addf %div3A_78, %add3A_79 : vector<100x128xf32>
    %get3A_81 = arith.constant 0 : index
    %get3A_82 = arith.constant 1 : index
    %get3A_83 = arith.constant 0 : index
    %get3A_84 = arith.constant 0 : index
    %get3A_85 = vector.load %arg2[%get3A_81, %get3A_82, %get3A_83, %get3A_84] : memref<2x2x100x128xf32, #tpu.memory_space<vmem>>, vector<1x1x100x128xf32>
    %get3A_86 = vector.shape_cast %get3A_85 : vector<1x1x100x128xf32> to vector<100x128xf32>
    %get3A_87 = arith.constant 1 : index
    %get3A_88 = arith.constant 1 : index
    %get3A_89 = arith.constant 0 : index
    %get3A_90 = arith.constant 0 : index
    %get3A_91 = vector.load %arg2[%get3A_87, %get3A_88, %get3A_89, %get3A_90] : memref<2x2x100x128xf32, #tpu.memory_space<vmem>>, vector<1x1x100x128xf32>
    %get3A_92 = vector.shape_cast %get3A_91 : vector<1x1x100x128xf32> to vector<100x128xf32>
    %add3A_93 = arith.addf %get3A_86, %get3A_92 : vector<100x128xf32>
    %get3A_94 = arith.constant 0 : index
    %get3A_95 = arith.constant 1 : index
    %get3A_96 = arith.constant 0 : index
    %get3A_97 = arith.constant 0 : index
    %get3A_98 = vector.load %arg3[%get3A_94, %get3A_95, %get3A_96, %get3A_97] : memref<2x2x100x128xf32, #tpu.memory_space<vmem>>, vector<1x1x100x128xf32>
    %get3A_99 = vector.shape_cast %get3A_98 : vector<1x1x100x128xf32> to vector<100x128xf32>
    %get3A_100 = arith.constant 1 : index
    %get3A_101 = arith.constant 1 : index
    %get3A_102 = arith.constant 0 : index
    %get3A_103 = arith.constant 0 : index
    %get3A_104 = vector.load %arg3[%get3A_100, %get3A_101, %get3A_102, %get3A_103] : memref<2x2x100x128xf32, #tpu.memory_space<vmem>>, vector<1x1x100x128xf32>
    %get3A_105 = vector.shape_cast %get3A_104 : vector<1x1x100x128xf32> to vector<100x128xf32>
    %add3A_106 = arith.addf %get3A_99, %get3A_105 : vector<100x128xf32>
    %slice3A_107 = vector.extract_strided_slice %add3A_106 {offsets = [0, 32], sizes = [100, 1], strides = [1, 1]} : vector<100x128xf32> to vector<100x1xf32>
    %dot_general3A_108 = arith.constant dense<0.000000e+00> : vector<100x128xf32>
    %dot_general3A_109 = tpu.matmul %add3A_93, %convert_element_type3A_2, %dot_general3A_108 {dimension_numbers = #tpu.dot_dimension_numbers<[1], [0], [0], [1], [0, 0, 1, 1], [], []>, precision = #tpu.contract_precision<fp32>, transpose_lhs_hint = false} : vector<100x128xf32>, vector<128x128xf32>, vector<100x128xf32> -> vector<100x128xf32>
    %slice3A_110 = vector.extract_strided_slice %add3A_106 {offsets = [0, 0], sizes = [100, 32], strides = [1, 1]} : vector<100x128xf32> to vector<100x32xf32>
    %dot_general3A_111 = arith.constant dense<0.000000e+00> : vector<100x128xf32>
    %dot_general3A_112 = tpu.matmul %slice3A_110, %convert_element_type3A_7, %dot_general3A_111 {dimension_numbers = #tpu.dot_dimension_numbers<[1], [0], [0], [1], [0, 0, 1, 1], [], []>, precision = #tpu.contract_precision<fp32>, transpose_lhs_hint = false} : vector<100x32xf32>, vector<32x128xf32>, vector<100x128xf32> -> vector<100x128xf32>
    %add3A_113 = arith.addf %dot_general3A_109, %dot_general3A_112 : vector<100x128xf32>
    %mul3A_114 = vector.broadcast %slice3A_107 : vector<100x1xf32> to vector<100x128xf32>
    %mul3A_115 = vector.broadcast %get3A_10 : vector<1x128xf32> to vector<100x128xf32>
    %mul3A_116 = arith.mulf %mul3A_114, %mul3A_115 : vector<100x128xf32>
    %add3A_117 = arith.addf %add3A_113, %mul3A_116 : vector<100x128xf32>
    %max3A_118 = arith.constant 1.000000e+00 : f32
    %max3A_119 = vector.broadcast %max3A_118 : f32 to vector<100x1xf32>
    %max3A_120 = arith.maximumf %slice3A_107, %max3A_119 : vector<100x1xf32>
    %div3A_121 = vector.broadcast %max3A_120 : vector<100x1xf32> to vector<100x128xf32>
    %div3A_122 = arith.divf %add3A_117, %div3A_121 : vector<100x128xf32>
    %max3A_123 = arith.constant 0.000000e+00 : f32
    %max3A_124 = vector.broadcast %max3A_123 : f32 to vector<100x128xf32>
    %max3A_125 = arith.maximumf %div3A_122, %max3A_124 : vector<100x128xf32>
    %reduce_sum3A_126 = arith.constant dense<0.000000e+00> : vector<128xf32>
    %reduce_sum3A_127 = vector.multi_reduction <add>, %max3A_125, %reduce_sum3A_126 [0] : vector<100x128xf32> to vector<128xf32>
    %broadcast_in_dim3A_128 = vector.shape_cast %reduce_sum3A_127 : vector<128xf32> to vector<1x128xf32>
    %div3A_129 = arith.constant 1.000000e+02 : f32
    %div3A_130 = vector.broadcast %div3A_129 : f32 to vector<1x128xf32>
    %div3A_131 = arith.divf %broadcast_in_dim3A_128, %div3A_130 : vector<1x128xf32>
    %mul3A_132 = arith.mulf %div3A_131, %get3A_19 : vector<1x128xf32>
    %sub3A_133 = vector.broadcast %mul3A_132 : vector<1x128xf32> to vector<100x128xf32>
    %sub3A_134 = arith.subf %max3A_125, %sub3A_133 : vector<100x128xf32>
    %mul3A_135 = arith.mulf %sub3A_134, %sub3A_134 : vector<100x128xf32>
    %reduce_sum3A_136 = arith.constant dense<0.000000e+00> : vector<128xf32>
    %reduce_sum3A_137 = vector.multi_reduction <add>, %mul3A_135, %reduce_sum3A_136 [0] : vector<100x128xf32> to vector<128xf32>
    %broadcast_in_dim3A_138 = vector.shape_cast %reduce_sum3A_137 : vector<128xf32> to vector<1x128xf32>
    %div3A_139 = arith.constant 1.000000e+02 : f32
    %div3A_140 = vector.broadcast %div3A_139 : f32 to vector<1x128xf32>
    %div3A_141 = arith.divf %broadcast_in_dim3A_138, %div3A_140 : vector<1x128xf32>
    %mul3A_142 = vector.broadcast %get3A_13 : vector<1x128xf32> to vector<100x128xf32>
    %mul3A_143 = arith.mulf %mul3A_142, %sub3A_134 : vector<100x128xf32>
    %add3A_144 = arith.constant 9.99999974E-6 : f32
    %add3A_145 = vector.broadcast %add3A_144 : f32 to vector<1x128xf32>
    %add3A_146 = arith.addf %div3A_141, %add3A_145 : vector<1x128xf32>
    %sqrt3A_147 = math.sqrt %add3A_146 : vector<1x128xf32>
    %div3A_148 = vector.broadcast %sqrt3A_147 : vector<1x128xf32> to vector<100x128xf32>
    %div3A_149 = arith.divf %mul3A_143, %div3A_148 : vector<100x128xf32>
    %add3A_150 = vector.broadcast %get3A_16 : vector<1x128xf32> to vector<100x128xf32>
    %add3A_151 = arith.addf %div3A_149, %add3A_150 : vector<100x128xf32>
    %get3A_152 = arith.constant 0 : index
    %get3A_153 = arith.constant 0 : index
    %get3A_154 = arith.constant 0 : index
    %get3A_155 = vector.load %arg1[%get3A_152, %get3A_153, %get3A_154] : memref<2x100x128xf32, #tpu.memory_space<vmem>>, vector<1x100x128xf32>
    %get3A_156 = vector.shape_cast %get3A_155 : vector<1x100x128xf32> to vector<100x128xf32>
    %get3A_157 = arith.constant 1 : index
    %get3A_158 = arith.constant 0 : index
    %get3A_159 = arith.constant 0 : index
    %get3A_160 = vector.load %arg1[%get3A_157, %get3A_158, %get3A_159] : memref<2x100x128xf32, #tpu.memory_space<vmem>>, vector<1x100x128xf32>
    %get3A_161 = vector.shape_cast %get3A_160 : vector<1x100x128xf32> to vector<100x128xf32>
    %convert_element_type3A_162 = arith.truncf %get3A_156 : vector<100x128xf32> to vector<100x128xbf16>
    %convert_element_type3A_163 = arith.extf %convert_element_type3A_162 : vector<100x128xbf16> to vector<100x128xf32>
    %convert_element_type3A_164 = arith.truncf %get3A_161 : vector<100x128xf32> to vector<100x128xbf16>
    %convert_element_type3A_165 = arith.extf %convert_element_type3A_164 : vector<100x128xbf16> to vector<100x128xf32>
    %get3A_166 = arith.constant 0 : index
    %get3A_167 = arith.constant 0 : index
    %get3A_168 = vector.load %arg10[%get3A_166, %get3A_167] : memref<128x128xf32, #tpu.memory_space<vmem>>, vector<128x128xf32>
    %convert_element_type3A_169 = arith.truncf %get3A_168 : vector<128x128xf32> to vector<128x128xbf16>
    %convert_element_type3A_170 = arith.extf %convert_element_type3A_169 : vector<128x128xbf16> to vector<128x128xf32>
    %dot_general3A_171 = arith.constant dense<0.000000e+00> : vector<100x128xf32>
    %dot_general3A_172 = tpu.matmul %convert_element_type3A_163, %convert_element_type3A_170, %dot_general3A_171 {dimension_numbers = #tpu.dot_dimension_numbers<[1], [0], [0], [1], [0, 0, 1, 1], [], []>, precision = #tpu.contract_precision<fp32>, transpose_lhs_hint = false} : vector<100x128xf32>, vector<128x128xf32>, vector<100x128xf32> -> vector<100x128xf32>
    %max3A_173 = arith.constant 0.000000e+00 : f32
    %max3A_174 = vector.broadcast %max3A_173 : f32 to vector<100x128xf32>
    %max3A_175 = arith.maximumf %dot_general3A_172, %max3A_174 : vector<100x128xf32>
    %get3A_176 = arith.constant 0 : index
    %get3A_177 = arith.constant 0 : index
    %get3A_178 = vector.load %arg11[%get3A_176, %get3A_177] : memref<128x128xf32, #tpu.memory_space<vmem>>, vector<128x128xf32>
    %convert_element_type3A_179 = arith.truncf %get3A_178 : vector<128x128xf32> to vector<128x128xbf16>
    %convert_element_type3A_180 = arith.extf %convert_element_type3A_179 : vector<128x128xbf16> to vector<128x128xf32>
    %dot_general3A_181 = arith.constant dense<0.000000e+00> : vector<100x128xf32>
    %dot_general3A_182 = tpu.matmul %convert_element_type3A_163, %convert_element_type3A_180, %dot_general3A_181 {dimension_numbers = #tpu.dot_dimension_numbers<[1], [0], [0], [1], [0, 0, 1, 1], [], []>, precision = #tpu.contract_precision<fp32>, transpose_lhs_hint = false} : vector<100x128xf32>, vector<128x128xf32>, vector<100x128xf32> -> vector<100x128xf32>
    %max3A_183 = arith.constant 0.000000e+00 : f32
    %max3A_184 = vector.broadcast %max3A_183 : f32 to vector<100x128xf32>
    %max3A_185 = arith.maximumf %dot_general3A_182, %max3A_184 : vector<100x128xf32>
    %get3A_186 = arith.constant 0 : index
    %get3A_187 = arith.constant 0 : index
    %get3A_188 = vector.load %arg12[%get3A_186, %get3A_187] : memref<128x128xf32, #tpu.memory_space<vmem>>, vector<128x128xf32>
    %convert_element_type3A_189 = arith.truncf %get3A_188 : vector<128x128xf32> to vector<128x128xbf16>
    %convert_element_type3A_190 = arith.extf %convert_element_type3A_189 : vector<128x128xbf16> to vector<128x128xf32>
    %dot_general3A_191 = arith.constant dense<0.000000e+00> : vector<100x128xf32>
    %dot_general3A_192 = tpu.matmul %convert_element_type3A_163, %convert_element_type3A_190, %dot_general3A_191 {dimension_numbers = #tpu.dot_dimension_numbers<[1], [0], [0], [1], [0, 0, 1, 1], [], []>, precision = #tpu.contract_precision<fp32>, transpose_lhs_hint = false} : vector<100x128xf32>, vector<128x128xf32>, vector<100x128xf32> -> vector<100x128xf32>
    %get3A_193 = arith.constant 0 : index
    %get3A_194 = arith.constant 0 : index
    %get3A_195 = vector.load %arg13[%get3A_193, %get3A_194] : memref<128x128xf32, #tpu.memory_space<vmem>>, vector<128x128xf32>
    %convert_element_type3A_196 = arith.truncf %get3A_195 : vector<128x128xf32> to vector<128x128xbf16>
    %convert_element_type3A_197 = arith.extf %convert_element_type3A_196 : vector<128x128xbf16> to vector<128x128xf32>
    %dot_general3A_198 = arith.constant dense<0.000000e+00> : vector<100x128xf32>
    %dot_general3A_199 = tpu.matmul %convert_element_type3A_165, %convert_element_type3A_197, %dot_general3A_198 {dimension_numbers = #tpu.dot_dimension_numbers<[1], [0], [0], [1], [0, 0, 1, 1], [], []>, precision = #tpu.contract_precision<fp32>, transpose_lhs_hint = false} : vector<100x128xf32>, vector<128x128xf32>, vector<100x128xf32> -> vector<100x128xf32>
    %max3A_200 = arith.constant 0.000000e+00 : f32
    %max3A_201 = vector.broadcast %max3A_200 : f32 to vector<100x128xf32>
    %max3A_202 = arith.maximumf %dot_general3A_199, %max3A_201 : vector<100x128xf32>
    %get3A_203 = arith.constant 0 : index
    %get3A_204 = arith.constant 0 : index
    %get3A_205 = vector.load %arg14[%get3A_203, %get3A_204] : memref<128x128xf32, #tpu.memory_space<vmem>>, vector<128x128xf32>
    %convert_element_type3A_206 = arith.truncf %get3A_205 : vector<128x128xf32> to vector<128x128xbf16>
    %convert_element_type3A_207 = arith.extf %convert_element_type3A_206 : vector<128x128xbf16> to vector<128x128xf32>
    %dot_general3A_208 = arith.constant dense<0.000000e+00> : vector<100x128xf32>
    %dot_general3A_209 = tpu.matmul %convert_element_type3A_165, %convert_element_type3A_207, %dot_general3A_208 {dimension_numbers = #tpu.dot_dimension_numbers<[1], [0], [0], [1], [0, 0, 1, 1], [], []>, precision = #tpu.contract_precision<fp32>, transpose_lhs_hint = false} : vector<100x128xf32>, vector<128x128xf32>, vector<100x128xf32> -> vector<100x128xf32>
    %max3A_210 = arith.constant 0.000000e+00 : f32
    %max3A_211 = vector.broadcast %max3A_210 : f32 to vector<100x128xf32>
    %max3A_212 = arith.maximumf %dot_general3A_209, %max3A_211 : vector<100x128xf32>
    %get3A_213 = arith.constant 0 : index
    %get3A_214 = arith.constant 0 : index
    %get3A_215 = vector.load %arg15[%get3A_213, %get3A_214] : memref<128x128xf32, #tpu.memory_space<vmem>>, vector<128x128xf32>
    %convert_element_type3A_216 = arith.truncf %get3A_215 : vector<128x128xf32> to vector<128x128xbf16>
    %convert_element_type3A_217 = arith.extf %convert_element_type3A_216 : vector<128x128xbf16> to vector<128x128xf32>
    %dot_general3A_218 = arith.constant dense<0.000000e+00> : vector<100x128xf32>
    %dot_general3A_219 = tpu.matmul %convert_element_type3A_165, %convert_element_type3A_217, %dot_general3A_218 {dimension_numbers = #tpu.dot_dimension_numbers<[1], [0], [0], [1], [0, 0, 1, 1], [], []>, precision = #tpu.contract_precision<fp32>, transpose_lhs_hint = false} : vector<100x128xf32>, vector<128x128xf32>, vector<100x128xf32> -> vector<100x128xf32>
    %convert_element_type3A_220 = arith.truncf %max3A_175 : vector<100x128xf32> to vector<100x128xbf16>
    %convert_element_type3A_221 = arith.extf %convert_element_type3A_220 : vector<100x128xbf16> to vector<100x128xf32>
    %convert_element_type3A_222 = arith.truncf %max3A_212 : vector<100x128xf32> to vector<100x128xbf16>
    %convert_element_type3A_223 = arith.extf %convert_element_type3A_222 : vector<100x128xbf16> to vector<100x128xf32>
    %dot_general3A_224 = arith.constant dense<0.000000e+00> : vector<100x100xf32>
    %dot_general3A_225 = tpu.matmul %convert_element_type3A_221, %convert_element_type3A_223, %dot_general3A_224 {dimension_numbers = #tpu.dot_dimension_numbers<[1], [1], [0], [0], [0, 0, 1, 0], [], []>, precision = #tpu.contract_precision<fp32>, transpose_lhs_hint = false} : vector<100x128xf32>, vector<100x128xf32>, vector<100x100xf32> -> vector<100x100xf32>
    %reduce_max3A = arith.constant dense<0xFF800000> : vector<100xf32>
    %reduce_max3A_226 = vector.multi_reduction <maximumf>, %dot_general3A_225, %reduce_max3A [1] : vector<100x100xf32> to vector<100xf32>
    %max3A_227 = arith.constant 0xFF800000 : f32
    %max3A_228 = vector.broadcast %max3A_227 : f32 to vector<100xf32>
    %max3A_229 = arith.maximumf %max3A_228, %reduce_max3A_226 : vector<100xf32>
    %broadcast_in_dim3A_230 = vector.shape_cast %max3A_229 : vector<100xf32> to vector<100x1xf32>
    %sub3A_231 = vector.broadcast %broadcast_in_dim3A_230 : vector<100x1xf32> to vector<100x100xf32>
    %sub3A_232 = arith.subf %dot_general3A_225, %sub3A_231 : vector<100x100xf32>
    %exp3A = math.exp %sub3A_232 : vector<100x100xf32>
    %reduce_sum3A_233 = arith.constant dense<0.000000e+00> : vector<100xf32>
    %reduce_sum3A_234 = vector.multi_reduction <add>, %exp3A, %reduce_sum3A_233 [1] : vector<100x100xf32> to vector<100xf32>
    %broadcast_in_dim3A_235 = vector.shape_cast %reduce_sum3A_234 : vector<100xf32> to vector<100x1xf32>
    %div3A_236 = vector.broadcast %broadcast_in_dim3A_235 : vector<100x1xf32> to vector<100x100xf32>
    %div3A_237 = arith.divf %exp3A, %div3A_236 : vector<100x100xf32>
    %convert_element_type3A_238 = arith.truncf %div3A_237 : vector<100x100xf32> to vector<100x100xbf16>
    %convert_element_type3A_239 = arith.extf %convert_element_type3A_238 : vector<100x100xbf16> to vector<100x100xf32>
    %convert_element_type3A_240 = arith.truncf %dot_general3A_219 : vector<100x128xf32> to vector<100x128xbf16>
    %convert_element_type3A_241 = arith.extf %convert_element_type3A_240 : vector<100x128xbf16> to vector<100x128xf32>
    %dot_general3A_242 = arith.constant dense<0.000000e+00> : vector<100x128xf32>
    %dot_general3A_243 = tpu.matmul %convert_element_type3A_239, %convert_element_type3A_241, %dot_general3A_242 {dimension_numbers = #tpu.dot_dimension_numbers<[1], [0], [0], [1], [0, 0, 1, 1], [], []>, precision = #tpu.contract_precision<fp32>, transpose_lhs_hint = false} : vector<100x100xf32>, vector<100x128xf32>, vector<100x128xf32> -> vector<100x128xf32>
    %convert_element_type3A_244 = arith.truncf %max3A_202 : vector<100x128xf32> to vector<100x128xbf16>
    %convert_element_type3A_245 = arith.extf %convert_element_type3A_244 : vector<100x128xbf16> to vector<100x128xf32>
    %convert_element_type3A_246 = arith.truncf %max3A_185 : vector<100x128xf32> to vector<100x128xbf16>
    %convert_element_type3A_247 = arith.extf %convert_element_type3A_246 : vector<100x128xbf16> to vector<100x128xf32>
    %dot_general3A_248 = arith.constant dense<0.000000e+00> : vector<100x100xf32>
    %dot_general3A_249 = tpu.matmul %convert_element_type3A_245, %convert_element_type3A_247, %dot_general3A_248 {dimension_numbers = #tpu.dot_dimension_numbers<[1], [1], [0], [0], [0, 0, 1, 0], [], []>, precision = #tpu.contract_precision<fp32>, transpose_lhs_hint = false} : vector<100x128xf32>, vector<100x128xf32>, vector<100x100xf32> -> vector<100x100xf32>
    %reduce_max3A_250 = arith.constant dense<0xFF800000> : vector<100xf32>
    %reduce_max3A_251 = vector.multi_reduction <maximumf>, %dot_general3A_249, %reduce_max3A_250 [1] : vector<100x100xf32> to vector<100xf32>
    %max3A_252 = arith.constant 0xFF800000 : f32
    %max3A_253 = vector.broadcast %max3A_252 : f32 to vector<100xf32>
    %max3A_254 = arith.maximumf %max3A_253, %reduce_max3A_251 : vector<100xf32>
    %broadcast_in_dim3A_255 = vector.shape_cast %max3A_254 : vector<100xf32> to vector<100x1xf32>
    %sub3A_256 = vector.broadcast %broadcast_in_dim3A_255 : vector<100x1xf32> to vector<100x100xf32>
    %sub3A_257 = arith.subf %dot_general3A_249, %sub3A_256 : vector<100x100xf32>
    %exp3A_258 = math.exp %sub3A_257 : vector<100x100xf32>
    %reduce_sum3A_259 = arith.constant dense<0.000000e+00> : vector<100xf32>
    %reduce_sum3A_260 = vector.multi_reduction <add>, %exp3A_258, %reduce_sum3A_259 [1] : vector<100x100xf32> to vector<100xf32>
    %broadcast_in_dim3A_261 = vector.shape_cast %reduce_sum3A_260 : vector<100xf32> to vector<100x1xf32>
    %div3A_262 = vector.broadcast %broadcast_in_dim3A_261 : vector<100x1xf32> to vector<100x100xf32>
    %div3A_263 = arith.divf %exp3A_258, %div3A_262 : vector<100x100xf32>
    %convert_element_type3A_264 = arith.truncf %div3A_263 : vector<100x100xf32> to vector<100x100xbf16>
    %convert_element_type3A_265 = arith.extf %convert_element_type3A_264 : vector<100x100xbf16> to vector<100x100xf32>
    %convert_element_type3A_266 = arith.truncf %dot_general3A_192 : vector<100x128xf32> to vector<100x128xbf16>
    %convert_element_type3A_267 = arith.extf %convert_element_type3A_266 : vector<100x128xbf16> to vector<100x128xf32>
    %dot_general3A_268 = arith.constant dense<0.000000e+00> : vector<100x128xf32>
    %dot_general3A_269 = tpu.matmul %convert_element_type3A_265, %convert_element_type3A_267, %dot_general3A_268 {dimension_numbers = #tpu.dot_dimension_numbers<[1], [0], [0], [1], [0, 0, 1, 1], [], []>, precision = #tpu.contract_precision<fp32>, transpose_lhs_hint = false} : vector<100x100xf32>, vector<100x128xf32>, vector<100x128xf32> -> vector<100x128xf32>
    %reduce_sum3A_270 = arith.constant dense<0.000000e+00> : vector<128xf32>
    %reduce_sum3A_271 = vector.multi_reduction <add>, %dot_general3A_243, %reduce_sum3A_270 [0] : vector<100x128xf32> to vector<128xf32>
    %broadcast_in_dim3A_272 = vector.shape_cast %reduce_sum3A_271 : vector<128xf32> to vector<1x128xf32>
    %div3A_273 = arith.constant 1.000000e+02 : f32
    %div3A_274 = vector.broadcast %div3A_273 : f32 to vector<1x128xf32>
    %div3A_275 = arith.divf %broadcast_in_dim3A_272, %div3A_274 : vector<1x128xf32>
    %mul3A_276 = arith.mulf %div3A_275, %get3A_19 : vector<1x128xf32>
    %sub3A_277 = vector.broadcast %mul3A_276 : vector<1x128xf32> to vector<100x128xf32>
    %sub3A_278 = arith.subf %dot_general3A_243, %sub3A_277 : vector<100x128xf32>
    %mul3A_279 = arith.mulf %sub3A_278, %sub3A_278 : vector<100x128xf32>
    %reduce_sum3A_280 = arith.constant dense<0.000000e+00> : vector<128xf32>
    %reduce_sum3A_281 = vector.multi_reduction <add>, %mul3A_279, %reduce_sum3A_280 [0] : vector<100x128xf32> to vector<128xf32>
    %broadcast_in_dim3A_282 = vector.shape_cast %reduce_sum3A_281 : vector<128xf32> to vector<1x128xf32>
    %div3A_283 = arith.constant 1.000000e+02 : f32
    %div3A_284 = vector.broadcast %div3A_283 : f32 to vector<1x128xf32>
    %div3A_285 = arith.divf %broadcast_in_dim3A_282, %div3A_284 : vector<1x128xf32>
    %mul3A_286 = vector.broadcast %get3A_13 : vector<1x128xf32> to vector<100x128xf32>
    %mul3A_287 = arith.mulf %mul3A_286, %sub3A_278 : vector<100x128xf32>
    %add3A_288 = arith.constant 9.99999974E-6 : f32
    %add3A_289 = vector.broadcast %add3A_288 : f32 to vector<1x128xf32>
    %add3A_290 = arith.addf %div3A_285, %add3A_289 : vector<1x128xf32>
    %sqrt3A_291 = math.sqrt %add3A_290 : vector<1x128xf32>
    %div3A_292 = vector.broadcast %sqrt3A_291 : vector<1x128xf32> to vector<100x128xf32>
    %div3A_293 = arith.divf %mul3A_287, %div3A_292 : vector<100x128xf32>
    %add3A_294 = vector.broadcast %get3A_16 : vector<1x128xf32> to vector<100x128xf32>
    %add3A_295 = arith.addf %div3A_293, %add3A_294 : vector<100x128xf32>
    %reduce_sum3A_296 = arith.constant dense<0.000000e+00> : vector<128xf32>
    %reduce_sum3A_297 = vector.multi_reduction <add>, %dot_general3A_269, %reduce_sum3A_296 [0] : vector<100x128xf32> to vector<128xf32>
    %broadcast_in_dim3A_298 = vector.shape_cast %reduce_sum3A_297 : vector<128xf32> to vector<1x128xf32>
    %div3A_299 = arith.constant 1.000000e+02 : f32
    %div3A_300 = vector.broadcast %div3A_299 : f32 to vector<1x128xf32>
    %div3A_301 = arith.divf %broadcast_in_dim3A_298, %div3A_300 : vector<1x128xf32>
    %mul3A_302 = arith.mulf %div3A_301, %get3A_19 : vector<1x128xf32>
    %sub3A_303 = vector.broadcast %mul3A_302 : vector<1x128xf32> to vector<100x128xf32>
    %sub3A_304 = arith.subf %dot_general3A_269, %sub3A_303 : vector<100x128xf32>
    %mul3A_305 = arith.mulf %sub3A_304, %sub3A_304 : vector<100x128xf32>
    %reduce_sum3A_306 = arith.constant dense<0.000000e+00> : vector<128xf32>
    %reduce_sum3A_307 = vector.multi_reduction <add>, %mul3A_305, %reduce_sum3A_306 [0] : vector<100x128xf32> to vector<128xf32>
    %broadcast_in_dim3A_308 = vector.shape_cast %reduce_sum3A_307 : vector<128xf32> to vector<1x128xf32>
    %div3A_309 = arith.constant 1.000000e+02 : f32
    %div3A_310 = vector.broadcast %div3A_309 : f32 to vector<1x128xf32>
    %div3A_311 = arith.divf %broadcast_in_dim3A_308, %div3A_310 : vector<1x128xf32>
    %mul3A_312 = vector.broadcast %get3A_13 : vector<1x128xf32> to vector<100x128xf32>
    %mul3A_313 = arith.mulf %mul3A_312, %sub3A_304 : vector<100x128xf32>
    %add3A_314 = arith.constant 9.99999974E-6 : f32
    %add3A_315 = vector.broadcast %add3A_314 : f32 to vector<1x128xf32>
    %add3A_316 = arith.addf %div3A_311, %add3A_315 : vector<1x128xf32>
    %sqrt3A_317 = math.sqrt %add3A_316 : vector<1x128xf32>
    %div3A_318 = vector.broadcast %sqrt3A_317 : vector<1x128xf32> to vector<100x128xf32>
    %div3A_319 = arith.divf %mul3A_313, %div3A_318 : vector<100x128xf32>
    %add3A_320 = vector.broadcast %get3A_16 : vector<1x128xf32> to vector<100x128xf32>
    %add3A_321 = arith.addf %div3A_319, %add3A_320 : vector<100x128xf32>
    %convert_element_type3A_322 = arith.truncf %add3A_80 : vector<100x128xf32> to vector<100x128xbf16>
    %convert_element_type3A_323 = arith.extf %convert_element_type3A_322 : vector<100x128xbf16> to vector<100x128xf32>
    %get3A_324 = arith.constant 0 : index
    %get3A_325 = arith.constant 0 : index
    %get3A_326 = vector.load %arg16[%get3A_324, %get3A_325] : memref<128x128xf32, #tpu.memory_space<vmem>>, vector<128x128xf32>
    %convert_element_type3A_327 = arith.truncf %get3A_326 : vector<128x128xf32> to vector<128x128xbf16>
    %convert_element_type3A_328 = arith.extf %convert_element_type3A_327 : vector<128x128xbf16> to vector<128x128xf32>
    %dot_general3A_329 = arith.constant dense<0.000000e+00> : vector<100x128xf32>
    %dot_general3A_330 = tpu.matmul %convert_element_type3A_323, %convert_element_type3A_328, %dot_general3A_329 {dimension_numbers = #tpu.dot_dimension_numbers<[1], [0], [0], [1], [0, 0, 1, 1], [], []>, precision = #tpu.contract_precision<fp32>, transpose_lhs_hint = false} : vector<100x128xf32>, vector<128x128xf32>, vector<100x128xf32> -> vector<100x128xf32>
    %convert_element_type3A_331 = arith.truncf %add3A_295 : vector<100x128xf32> to vector<100x128xbf16>
    %convert_element_type3A_332 = arith.extf %convert_element_type3A_331 : vector<100x128xbf16> to vector<100x128xf32>
    %get3A_333 = arith.constant 0 : index
    %get3A_334 = arith.constant 0 : index
    %get3A_335 = vector.load %arg17[%get3A_333, %get3A_334] : memref<128x128xf32, #tpu.memory_space<vmem>>, vector<128x128xf32>
    %convert_element_type3A_336 = arith.truncf %get3A_335 : vector<128x128xf32> to vector<128x128xbf16>
    %convert_element_type3A_337 = arith.extf %convert_element_type3A_336 : vector<128x128xbf16> to vector<128x128xf32>
    %dot_general3A_338 = arith.constant dense<0.000000e+00> : vector<100x128xf32>
    %dot_general3A_339 = tpu.matmul %convert_element_type3A_332, %convert_element_type3A_337, %dot_general3A_338 {dimension_numbers = #tpu.dot_dimension_numbers<[1], [0], [0], [1], [0, 0, 1, 1], [], []>, precision = #tpu.contract_precision<fp32>, transpose_lhs_hint = false} : vector<100x128xf32>, vector<128x128xf32>, vector<100x128xf32> -> vector<100x128xf32>
    %add3A_340 = arith.addf %dot_general3A_330, %dot_general3A_339 : vector<100x128xf32>
    %get3A_341 = arith.constant 0 : index
    %get3A_342 = arith.constant 0 : index
    %get3A_343 = vector.load %arg18[%get3A_341, %get3A_342] : memref<1x128xf32, #tpu.memory_space<vmem>>, vector<1x128xf32>
    %add3A_344 = vector.broadcast %get3A_343 : vector<1x128xf32> to vector<100x128xf32>
    %add3A_345 = arith.addf %add3A_340, %add3A_344 : vector<100x128xf32>
    %max3A_346 = arith.constant 0.000000e+00 : f32
    %max3A_347 = vector.broadcast %max3A_346 : f32 to vector<100x128xf32>
    %max3A_348 = arith.maximumf %add3A_345, %max3A_347 : vector<100x128xf32>
    %mul3A_349 = arith.constant 5.000000e-01 : f32
    %mul3A_350 = vector.broadcast %mul3A_349 : f32 to vector<100x128xf32>
    %mul3A_351 = arith.mulf %get3A_156, %mul3A_350 : vector<100x128xf32>
    %mul3A_352 = arith.constant 5.000000e-01 : f32
    %mul3A_353 = vector.broadcast %mul3A_352 : f32 to vector<100x128xf32>
    %mul3A_354 = arith.mulf %max3A_348, %mul3A_353 : vector<100x128xf32>
    %add3A_355 = arith.addf %mul3A_351, %mul3A_354 : vector<100x128xf32>
    %swap3A = arith.constant 0 : index
    %swap3A_356 = arith.constant 0 : index
    %swap3A_357 = arith.constant 0 : index
    %swap3A_358 = vector.load %arg19[%swap3A, %swap3A_356, %swap3A_357] : memref<2x100x128xf32, #tpu.memory_space<vmem>>, vector<1x100x128xf32>
    %swap3A_359 = vector.shape_cast %swap3A_358 : vector<1x100x128xf32> to vector<100x128xf32>
    %swap3A_360 = vector.shape_cast %add3A_355 : vector<100x128xf32> to vector<1x100x128xf32>
    tpu.vector_store %arg19[%swap3A, %swap3A_356, %swap3A_357], %swap3A_360 {strides = array<i32>} : memref<2x100x128xf32, #tpu.memory_space<vmem>>, vector<1x100x128xf32>,
    %convert_element_type3A_361 = arith.truncf %add3A_355 : vector<100x128xf32> to vector<100x128xbf16>
    %convert_element_type3A_362 = arith.extf %convert_element_type3A_361 : vector<100x128xbf16> to vector<100x128xf32>
    %swap3A_363 = arith.constant 0 : index
    %swap3A_364 = arith.constant 0 : index
    %swap3A_365 = arith.constant 0 : index
    %swap3A_366 = vector.load %arg20[%swap3A_363, %swap3A_364, %swap3A_365] : memref<2x100x128xf32, #tpu.memory_space<vmem>>, vector<1x100x128xf32>
    %swap3A_367 = vector.shape_cast %swap3A_366 : vector<1x100x128xf32> to vector<100x128xf32>
    %swap3A_368 = vector.shape_cast %convert_element_type3A_362 : vector<100x128xf32> to vector<1x100x128xf32>
    tpu.vector_store %arg20[%swap3A_363, %swap3A_364, %swap3A_365], %swap3A_368 {strides = array<i32>} : memref<2x100x128xf32, #tpu.memory_space<vmem>>, vector<1x100x128xf32>,
    %convert_element_type3A_369 = arith.truncf %add3A_151 : vector<100x128xf32> to vector<100x128xbf16>
    %convert_element_type3A_370 = arith.extf %convert_element_type3A_369 : vector<100x128xbf16> to vector<100x128xf32>
    %get3A_371 = arith.constant 0 : index
    %get3A_372 = arith.constant 0 : index
    %get3A_373 = vector.load %arg16[%get3A_371, %get3A_372] : memref<128x128xf32, #tpu.memory_space<vmem>>, vector<128x128xf32>
    %convert_element_type3A_374 = arith.truncf %get3A_373 : vector<128x128xf32> to vector<128x128xbf16>
    %convert_element_type3A_375 = arith.extf %convert_element_type3A_374 : vector<128x128xbf16> to vector<128x128xf32>
    %dot_general3A_376 = arith.constant dense<0.000000e+00> : vector<100x128xf32>
    %dot_general3A_377 = tpu.matmul %convert_element_type3A_370, %convert_element_type3A_375, %dot_general3A_376 {dimension_numbers = #tpu.dot_dimension_numbers<[1], [0], [0], [1], [0, 0, 1, 1], [], []>, precision = #tpu.contract_precision<fp32>, transpose_lhs_hint = false} : vector<100x128xf32>, vector<128x128xf32>, vector<100x128xf32> -> vector<100x128xf32>
    %convert_element_type3A_378 = arith.truncf %add3A_321 : vector<100x128xf32> to vector<100x128xbf16>
    %convert_element_type3A_379 = arith.extf %convert_element_type3A_378 : vector<100x128xbf16> to vector<100x128xf32>
    %get3A_380 = arith.constant 0 : index
    %get3A_381 = arith.constant 0 : index
    %get3A_382 = vector.load %arg17[%get3A_380, %get3A_381] : memref<128x128xf32, #tpu.memory_space<vmem>>, vector<128x128xf32>
    %convert_element_type3A_383 = arith.truncf %get3A_382 : vector<128x128xf32> to vector<128x128xbf16>
    %convert_element_type3A_384 = arith.extf %convert_element_type3A_383 : vector<128x128xbf16> to vector<128x128xf32>
    %dot_general3A_385 = arith.constant dense<0.000000e+00> : vector<100x128xf32>
    %dot_general3A_386 = tpu.matmul %convert_element_type3A_379, %convert_element_type3A_384, %dot_general3A_385 {dimension_numbers = #tpu.dot_dimension_numbers<[1], [0], [0], [1], [0, 0, 1, 1], [], []>, precision = #tpu.contract_precision<fp32>, transpose_lhs_hint = false} : vector<100x128xf32>, vector<128x128xf32>, vector<100x128xf32> -> vector<100x128xf32>
    %add3A_387 = arith.addf %dot_general3A_377, %dot_general3A_386 : vector<100x128xf32>
    %get3A_388 = arith.constant 0 : index
    %get3A_389 = arith.constant 0 : index
    %get3A_390 = vector.load %arg18[%get3A_388, %get3A_389] : memref<1x128xf32, #tpu.memory_space<vmem>>, vector<1x128xf32>
    %add3A_391 = vector.broadcast %get3A_390 : vector<1x128xf32> to vector<100x128xf32>
    %add3A_392 = arith.addf %add3A_387, %add3A_391 : vector<100x128xf32>
    %max3A_393 = arith.constant 0.000000e+00 : f32
    %max3A_394 = vector.broadcast %max3A_393 : f32 to vector<100x128xf32>
    %max3A_395 = arith.maximumf %add3A_392, %max3A_394 : vector<100x128xf32>
    %mul3A_396 = arith.constant 5.000000e-01 : f32
    %mul3A_397 = vector.broadcast %mul3A_396 : f32 to vector<100x128xf32>
    %mul3A_398 = arith.mulf %get3A_161, %mul3A_397 : vector<100x128xf32>
    %mul3A_399 = arith.constant 5.000000e-01 : f32
    %mul3A_400 = vector.broadcast %mul3A_399 : f32 to vector<100x128xf32>
    %mul3A_401 = arith.mulf %max3A_395, %mul3A_400 : vector<100x128xf32>
    %add3A_402 = arith.addf %mul3A_398, %mul3A_401 : vector<100x128xf32>
    %swap3A_403 = arith.constant 1 : index
    %swap3A_404 = arith.constant 0 : index
    %swap3A_405 = arith.constant 0 : index
    %swap3A_406 = vector.load %arg19[%swap3A_403, %swap3A_404, %swap3A_405] : memref<2x100x128xf32, #tpu.memory_space<vmem>>, vector<1x100x128xf32>
    %swap3A_407 = vector.shape_cast %swap3A_406 : vector<1x100x128xf32> to vector<100x128xf32>
    %swap3A_408 = vector.shape_cast %add3A_402 : vector<100x128xf32> to vector<1x100x128xf32>
    tpu.vector_store %arg19[%swap3A_403, %swap3A_404, %swap3A_405], %swap3A_408 {strides = array<i32>} : memref<2x100x128xf32, #tpu.memory_space<vmem>>, vector<1x100x128xf32>,
    %convert_element_type3A_409 = arith.truncf %add3A_402 : vector<100x128xf32> to vector<100x128xbf16>
    %convert_element_type3A_410 = arith.extf %convert_element_type3A_409 : vector<100x128xbf16> to vector<100x128xf32>
    %swap3A_411 = arith.constant 1 : index
    %swap3A_412 = arith.constant 0 : index
    %swap3A_413 = arith.constant 0 : index
    %swap3A_414 = vector.load %arg20[%swap3A_411, %swap3A_412, %swap3A_413] : memref<2x100x128xf32, #tpu.memory_space<vmem>>, vector<1x100x128xf32>
    %swap3A_415 = vector.shape_cast %swap3A_414 : vector<1x100x128xf32> to vector<100x128xf32>
    %swap3A_416 = vector.shape_cast %convert_element_type3A_410 : vector<100x128xf32> to vector<1x100x128xf32>
    tpu.vector_store %arg20[%swap3A_411, %swap3A_412, %swap3A_413], %swap3A_416 {strides = array<i32>} : memref<2x100x128xf32, #tpu.memory_space<vmem>>, vector<1x100x128xf32>,
    return
  }
  func.func @transform_0(%arg0: i32) -> (i32, i32, i32) {
    %c0_i32 = arith.constant 0 : i32
    %c0_i32_0 = arith.constant 0 : i32
    %c0_i32_1 = arith.constant 0 : i32
    return %arg0, %c0_i32, %c0_i32_0 : i32, i32, i32
  }
  func.func @transform_1(%arg0: i32) -> (i32, i32, i32, i32) {
    %c0_i32 = arith.constant 0 : i32
    %c0_i32_0 = arith.constant 0 : i32
    %c0_i32_1 = arith.constant 0 : i32
    %c0_i32_2 = arith.constant 0 : i32
    return %c0_i32, %arg0, %c0_i32_0, %c0_i32_1 : i32, i32, i32, i32
  }
  func.func @transform_2(%arg0: i32) -> (i32, i32, i32, i32) {
    %c0_i32 = arith.constant 0 : i32
    %c0_i32_0 = arith.constant 0 : i32
    %c0_i32_1 = arith.constant 0 : i32
    %c0_i32_2 = arith.constant 0 : i32
    return %c0_i32, %arg0, %c0_i32_0, %c0_i32_1 : i32, i32, i32, i32
  }
  func.func @transform_3(%arg0: i32) -> (i32, i32) {
    %c0_i32 = arith.constant 0 : i32
    %c0_i32_0 = arith.constant 0 : i32
    %c0_i32_1 = arith.constant 0 : i32
    return %c0_i32, %c0_i32_0 : i32, i32
  }
  func.func @transform_4(%arg0: i32) -> (i32, i32) {
    %c0_i32 = arith.constant 0 : i32
    %c0_i32_0 = arith.constant 0 : i32
    %c0_i32_1 = arith.constant 0 : i32
    return %c0_i32, %c0_i32_0 : i32, i32
  }
  func.func @transform_5(%arg0: i32) -> (i32, i32) {
    %c0_i32 = arith.constant 0 : i32
    %c0_i32_0 = arith.constant 0 : i32
    %c0_i32_1 = arith.constant 0 : i32
    return %c0_i32, %c0_i32_0 : i32, i32
  }
  func.func @transform_6(%arg0: i32) -> (i32, i32) {
    %c0_i32 = arith.constant 0 : i32
    %c0_i32_0 = arith.constant 0 : i32
    %c0_i32_1 = arith.constant 0 : i32
    return %c0_i32, %c0_i32_0 : i32, i32
  }
  func.func @transform_7(%arg0: i32) -> (i32, i32) {
    %c0_i32 = arith.constant 0 : i32
    %c0_i32_0 = arith.constant 0 : i32
    %c0_i32_1 = arith.constant 0 : i32
    return %c0_i32, %c0_i32_0 : i32, i32
  }
  func.func @transform_8(%arg0: i32) -> (i32, i32) {
    %c0_i32 = arith.constant 0 : i32
    %c0_i32_0 = arith.constant 0 : i32
    %c0_i32_1 = arith.constant 0 : i32
    return %c0_i32, %c0_i32_0 : i32, i32
  }
  func.func @transform_9(%arg0: i32) -> (i32, i32) {
    %c0_i32 = arith.constant 0 : i32
    %c0_i32_0 = arith.constant 0 : i32
    %c0_i32_1 = arith.constant 0 : i32
    return %c0_i32, %c0_i32_0 : i32, i32
  }
  func.func @transform_10(%arg0: i32) -> (i32, i32) {
    %c0_i32 = arith.constant 0 : i32
    %c0_i32_0 = arith.constant 0 : i32
    %c0_i32_1 = arith.constant 0 : i32
    return %c0_i32, %c0_i32_0 : i32, i32
  }
  func.func @transform_11(%arg0: i32) -> (i32, i32) {
    %c0_i32 = arith.constant 0 : i32
    %c0_i32_0 = arith.constant 0 : i32
    %c0_i32_1 = arith.constant 0 : i32
    return %c0_i32, %c0_i32_0 : i32, i32
  }
  func.func @transform_12(%arg0: i32) -> (i32, i32) {
    %c0_i32 = arith.constant 0 : i32
    %c0_i32_0 = arith.constant 0 : i32
    %c0_i32_1 = arith.constant 0 : i32
    return %c0_i32, %c0_i32_0 : i32, i32
  }
  func.func @transform_13(%arg0: i32) -> (i32, i32) {
    %c0_i32 = arith.constant 0 : i32
    %c0_i32_0 = arith.constant 0 : i32
    %c0_i32_1 = arith.constant 0 : i32
    return %c0_i32, %c0_i32_0 : i32, i32
  }
  func.func @transform_14(%arg0: i32) -> (i32, i32) {
    %c0_i32 = arith.constant 0 : i32
    %c0_i32_0 = arith.constant 0 : i32
    %c0_i32_1 = arith.constant 0 : i32
    return %c0_i32, %c0_i32_0 : i32, i32
  }
  func.func @transform_15(%arg0: i32) -> (i32, i32) {
    %c0_i32 = arith.constant 0 : i32
    %c0_i32_0 = arith.constant 0 : i32
    %c0_i32_1 = arith.constant 0 : i32
    return %c0_i32, %c0_i32_0 : i32, i32
  }
  func.func @transform_16(%arg0: i32) -> (i32, i32) {
    %c0_i32 = arith.constant 0 : i32
    %c0_i32_0 = arith.constant 0 : i32
    %c0_i32_1 = arith.constant 0 : i32
    return %c0_i32, %c0_i32_0 : i32, i32
  }
  func.func @transform_17(%arg0: i32) -> (i32, i32) {
    %c0_i32 = arith.constant 0 : i32
    %c0_i32_0 = arith.constant 0 : i32
    %c0_i32_1 = arith.constant 0 : i32
    return %c0_i32, %c0_i32_0 : i32, i32
  }
  func.func @transform_18(%arg0: i32) -> (i32, i32, i32) {
    %c0_i32 = arith.constant 0 : i32
    %c0_i32_0 = arith.constant 0 : i32
    %c0_i32_1 = arith.constant 0 : i32
    return %arg0, %c0_i32, %c0_i32_0 : i32, i32, i32
  }
  func.func @transform_19(%arg0: i32) -> (i32, i32, i32) {
    %c0_i32 = arith.constant 0 : i32
    %c0_i32_0 = arith.constant 0 : i32
    %c0_i32_1 = arith.constant 0 : i32
    return %arg0, %c0_i32, %c0_i32_0 : i32, i32, i32
  }
}

module attributes {stable_mosaic.version = 14 : i64} {
  func.func @_layer_body(%arg0: i32, %arg1: memref<2x100x128xf32, #tpu.memory_space<vmem>>, %arg2: memref<2x2x100x128xf32, #tpu.memory_space<vmem>>, %arg3: memref<2x2x100x128xf32, #tpu.memory_space<vmem>>, %arg4: memref<128x128xf32, #tpu.memory_space<vmem>>, %arg5: memref<32x128xf32, #tpu.memory_space<vmem>>, %arg6: memref<1x128xf32, #tpu.memory_space<vmem>>, %arg7: memref<1x128xf32, #tpu.memory_space<vmem>>, %arg8: memref<1x128xf32, #tpu.memory_space<vmem>>, %arg9: memref<1x128xf32, #tpu.memory_space<vmem>>, %arg10: memref<128x128xf32, #tpu.memory_space<vmem>>, %arg11: memref<128x128xf32, #tpu.memory_space<vmem>>, %arg12: memref<128x128xf32, #tpu.memory_space<vmem>>, %arg13: memref<128x128xf32, #tpu.memory_space<vmem>>, %arg14: memref<128x128xf32, #tpu.memory_space<vmem>>, %arg15: memref<128x128xf32, #tpu.memory_space<vmem>>, %arg16: memref<128x128xf32, #tpu.memory_space<vmem>>, %arg17: memref<128x128xf32, #tpu.memory_space<vmem>>, %arg18: memref<1x128xf32, #tpu.memory_space<vmem>>, %arg19: memref<2x100x128xf32, #tpu.memory_space<vmem>>, %arg20: memref<1x2x128xf32, #tpu.memory_space<vmem>>) attributes {dimension_semantics = [#tpu.dimension_semantics<arbitrary>], iteration_bounds = array<i64: 50>, scalar_prefetch = 0 : i64, scratch_operands = 0 : i64, tpu.core_type = #tpu.core_type<tc>, window_params = [{transform_indices = @transform_0, window_bounds = array<i64: 2, 100, 128>}, {transform_indices = @transform_1, window_bounds = array<i64: 2, 2, 100, 128>}, {transform_indices = @transform_2, window_bounds = array<i64: 2, 2, 100, 128>}, {pipeline_mode = #tpu.pipeline_mode<synchronous>, transform_indices = @transform_3, window_bounds = array<i64: 128, 128>}, {pipeline_mode = #tpu.pipeline_mode<synchronous>, transform_indices = @transform_4, window_bounds = array<i64: 32, 128>}, {pipeline_mode = #tpu.pipeline_mode<synchronous>, transform_indices = @transform_5, window_bounds = array<i64: 1, 128>}, {pipeline_mode = #tpu.pipeline_mode<synchronous>, transform_indices = @transform_6, window_bounds = array<i64: 1, 128>}, {pipeline_mode = #tpu.pipeline_mode<synchronous>, transform_indices = @transform_7, window_bounds = array<i64: 1, 128>}, {pipeline_mode = #tpu.pipeline_mode<synchronous>, transform_indices = @transform_8, window_bounds = array<i64: 1, 128>}, {pipeline_mode = #tpu.pipeline_mode<synchronous>, transform_indices = @transform_9, window_bounds = array<i64: 128, 128>}, {pipeline_mode = #tpu.pipeline_mode<synchronous>, transform_indices = @transform_10, window_bounds = array<i64: 128, 128>}, {pipeline_mode = #tpu.pipeline_mode<synchronous>, transform_indices = @transform_11, window_bounds = array<i64: 128, 128>}, {pipeline_mode = #tpu.pipeline_mode<synchronous>, transform_indices = @transform_12, window_bounds = array<i64: 128, 128>}, {pipeline_mode = #tpu.pipeline_mode<synchronous>, transform_indices = @transform_13, window_bounds = array<i64: 128, 128>}, {pipeline_mode = #tpu.pipeline_mode<synchronous>, transform_indices = @transform_14, window_bounds = array<i64: 128, 128>}, {pipeline_mode = #tpu.pipeline_mode<synchronous>, transform_indices = @transform_15, window_bounds = array<i64: 128, 128>}, {pipeline_mode = #tpu.pipeline_mode<synchronous>, transform_indices = @transform_16, window_bounds = array<i64: 128, 128>}, {pipeline_mode = #tpu.pipeline_mode<synchronous>, transform_indices = @transform_17, window_bounds = array<i64: 1, 128>}, {transform_indices = @transform_18, window_bounds = array<i64: 2, 100, 128>}, {transform_indices = @transform_19, window_bounds = array<i64: 1, 2, 128>}]} {
    %get3A = arith.constant 0 : index
    %get3A_0 = arith.constant 0 : index
    %get3A_1 = vector.load %arg4[%get3A, %get3A_0] : memref<128x128xf32, #tpu.memory_space<vmem>>, vector<128x128xf32>
    %convert_element_type3A = arith.truncf %get3A_1 : vector<128x128xf32> to vector<128x128xbf16>
    %convert_element_type3A_2 = arith.extf %convert_element_type3A : vector<128x128xbf16> to vector<128x128xf32>
    %get3A_3 = arith.constant 0 : index
    %get3A_4 = arith.constant 0 : index
    %get3A_5 = vector.load %arg5[%get3A_3, %get3A_4] : memref<32x128xf32, #tpu.memory_space<vmem>>, vector<32x128xf32>
    %convert_element_type3A_6 = arith.truncf %get3A_5 : vector<32x128xf32> to vector<32x128xbf16>
    %convert_element_type3A_7 = arith.extf %convert_element_type3A_6 : vector<32x128xbf16> to vector<32x128xf32>
    %get3A_8 = arith.constant 0 : index
    %get3A_9 = arith.constant 0 : index
    %get3A_10 = vector.load %arg6[%get3A_8, %get3A_9] : memref<1x128xf32, #tpu.memory_space<vmem>>, vector<1x128xf32>
    %get3A_11 = arith.constant 0 : index
    %get3A_12 = arith.constant 0 : index
    %get3A_13 = vector.load %arg7[%get3A_11, %get3A_12] : memref<1x128xf32, #tpu.memory_space<vmem>>, vector<1x128xf32>
    %get3A_14 = arith.constant 0 : index
    %get3A_15 = arith.constant 0 : index
    %get3A_16 = vector.load %arg8[%get3A_14, %get3A_15] : memref<1x128xf32, #tpu.memory_space<vmem>>, vector<1x128xf32>
    %get3A_17 = arith.constant 0 : index
    %get3A_18 = arith.constant 0 : index
    %get3A_19 = vector.load %arg9[%get3A_17, %get3A_18] : memref<1x128xf32, #tpu.memory_space<vmem>>, vector<1x128xf32>
    %get3A_20 = arith.constant 0 : index
    %get3A_21 = arith.constant 0 : index
    %get3A_22 = arith.constant 0 : index
    %get3A_23 = arith.constant 0 : index
    %get3A_24 = vector.load %arg2[%get3A_20, %get3A_21, %get3A_22, %get3A_23] : memref<2x2x100x128xf32, #tpu.memory_space<vmem>>, vector<1x1x100x128xf32>
    %get3A_25 = vector.shape_cast %get3A_24 : vector<1x1x100x128xf32> to vector<100x128xf32>
    %get3A_26 = arith.constant 1 : index
    %get3A_27 = arith.constant 0 : index
    %get3A_28 = arith.constant 0 : index
    %get3A_29 = arith.constant 0 : index
    %get3A_30 = vector.load %arg2[%get3A_26, %get3A_27, %get3A_28, %get3A_29] : memref<2x2x100x128xf32, #tpu.memory_space<vmem>>, vector<1x1x100x128xf32>
    %get3A_31 = vector.shape_cast %get3A_30 : vector<1x1x100x128xf32> to vector<100x128xf32>
    %add3A = arith.addf %get3A_25, %get3A_31 : vector<100x128xf32>
    %get3A_32 = arith.constant 0 : index
    %get3A_33 = arith.constant 0 : index
    %get3A_34 = arith.constant 0 : index
    %get3A_35 = arith.constant 0 : index
    %get3A_36 = vector.load %arg3[%get3A_32, %get3A_33, %get3A_34, %get3A_35] : memref<2x2x100x128xf32, #tpu.memory_space<vmem>>, vector<1x1x100x128xf32>
    %get3A_37 = vector.shape_cast %get3A_36 : vector<1x1x100x128xf32> to vector<100x128xf32>
    %get3A_38 = arith.constant 1 : index
    %get3A_39 = arith.constant 0 : index
    %get3A_40 = arith.constant 0 : index
    %get3A_41 = arith.constant 0 : index
    %get3A_42 = vector.load %arg3[%get3A_38, %get3A_39, %get3A_40, %get3A_41] : memref<2x2x100x128xf32, #tpu.memory_space<vmem>>, vector<1x1x100x128xf32>
    %get3A_43 = vector.shape_cast %get3A_42 : vector<1x1x100x128xf32> to vector<100x128xf32>
    %add3A_44 = arith.addf %get3A_37, %get3A_43 : vector<100x128xf32>
    %slice3A = vector.extract_strided_slice %add3A_44 {offsets = [0, 32], sizes = [100, 1], strides = [1, 1]} : vector<100x128xf32> to vector<100x1xf32>
    %dot_general3A = arith.constant dense<0.000000e+00> : vector<100x128xf32>
    %dot_general3A_45 = tpu.matmul %add3A, %convert_element_type3A_2, %dot_general3A {dimension_numbers = #tpu.dot_dimension_numbers<[1], [0], [0], [1], [0, 0, 1, 1], [], []>, precision = #tpu.contract_precision<fp32>, transpose_lhs_hint = false} : vector<100x128xf32>, vector<128x128xf32>, vector<100x128xf32> -> vector<100x128xf32>
    %slice3A_46 = vector.extract_strided_slice %add3A_44 {offsets = [0, 0], sizes = [100, 32], strides = [1, 1]} : vector<100x128xf32> to vector<100x32xf32>
    %dot_general3A_47 = arith.constant dense<0.000000e+00> : vector<100x128xf32>
    %dot_general3A_48 = tpu.matmul %slice3A_46, %convert_element_type3A_7, %dot_general3A_47 {dimension_numbers = #tpu.dot_dimension_numbers<[1], [0], [0], [1], [0, 0, 1, 1], [], []>, precision = #tpu.contract_precision<fp32>, transpose_lhs_hint = false} : vector<100x32xf32>, vector<32x128xf32>, vector<100x128xf32> -> vector<100x128xf32>
    %add3A_49 = arith.addf %dot_general3A_45, %dot_general3A_48 : vector<100x128xf32>
    %mul3A = vector.broadcast %slice3A : vector<100x1xf32> to vector<100x128xf32>
    %mul3A_50 = vector.broadcast %get3A_10 : vector<1x128xf32> to vector<100x128xf32>
    %mul3A_51 = arith.mulf %mul3A, %mul3A_50 : vector<100x128xf32>
    %add3A_52 = arith.addf %add3A_49, %mul3A_51 : vector<100x128xf32>
    %max3A = arith.constant 1.000000e+00 : f32
    %max3A_53 = vector.broadcast %max3A : f32 to vector<100x1xf32>
    %max3A_54 = arith.maximumf %slice3A, %max3A_53 : vector<100x1xf32>
    %div3A = vector.broadcast %max3A_54 : vector<100x1xf32> to vector<100x128xf32>
    %div3A_55 = arith.divf %add3A_52, %div3A : vector<100x128xf32>
    %max3A_56 = arith.constant 0.000000e+00 : f32
    %max3A_57 = vector.broadcast %max3A_56 : f32 to vector<100x128xf32>
    %max3A_58 = arith.maximumf %div3A_55, %max3A_57 : vector<100x128xf32>
    %reduce_sum3A = arith.constant dense<0.000000e+00> : vector<128xf32>
    %reduce_sum3A_59 = vector.multi_reduction <add>, %max3A_58, %reduce_sum3A [0] : vector<100x128xf32> to vector<128xf32>
    %broadcast_in_dim3A = vector.shape_cast %reduce_sum3A_59 : vector<128xf32> to vector<1x128xf32>
    %div3A_60 = arith.constant 1.000000e+02 : f32
    %div3A_61 = vector.broadcast %div3A_60 : f32 to vector<1x128xf32>
    %div3A_62 = arith.divf %broadcast_in_dim3A, %div3A_61 : vector<1x128xf32>
    %mul3A_63 = arith.mulf %div3A_62, %get3A_19 : vector<1x128xf32>
    %sub3A = vector.broadcast %mul3A_63 : vector<1x128xf32> to vector<100x128xf32>
    %sub3A_64 = arith.subf %max3A_58, %sub3A : vector<100x128xf32>
    %mul3A_65 = arith.mulf %sub3A_64, %sub3A_64 : vector<100x128xf32>
    %reduce_sum3A_66 = arith.constant dense<0.000000e+00> : vector<128xf32>
    %reduce_sum3A_67 = vector.multi_reduction <add>, %mul3A_65, %reduce_sum3A_66 [0] : vector<100x128xf32> to vector<128xf32>
    %broadcast_in_dim3A_68 = vector.shape_cast %reduce_sum3A_67 : vector<128xf32> to vector<1x128xf32>
    %div3A_69 = arith.constant 1.000000e+02 : f32
    %div3A_70 = vector.broadcast %div3A_69 : f32 to vector<1x128xf32>
    %div3A_71 = arith.divf %broadcast_in_dim3A_68, %div3A_70 : vector<1x128xf32>
    %mul3A_72 = vector.broadcast %get3A_13 : vector<1x128xf32> to vector<100x128xf32>
    %mul3A_73 = arith.mulf %mul3A_72, %sub3A_64 : vector<100x128xf32>
    %add3A_74 = arith.constant 9.99999974E-6 : f32
    %add3A_75 = vector.broadcast %add3A_74 : f32 to vector<1x128xf32>
    %add3A_76 = arith.addf %div3A_71, %add3A_75 : vector<1x128xf32>
    %sqrt3A = math.sqrt %add3A_76 : vector<1x128xf32>
    %div3A_77 = vector.broadcast %sqrt3A : vector<1x128xf32> to vector<100x128xf32>
    %div3A_78 = arith.divf %mul3A_73, %div3A_77 : vector<100x128xf32>
    %add3A_79 = vector.broadcast %get3A_16 : vector<1x128xf32> to vector<100x128xf32>
    %add3A_80 = arith.addf %div3A_78, %add3A_79 : vector<100x128xf32>
    %get3A_81 = arith.constant 0 : index
    %get3A_82 = arith.constant 1 : index
    %get3A_83 = arith.constant 0 : index
    %get3A_84 = arith.constant 0 : index
    %get3A_85 = vector.load %arg2[%get3A_81, %get3A_82, %get3A_83, %get3A_84] : memref<2x2x100x128xf32, #tpu.memory_space<vmem>>, vector<1x1x100x128xf32>
    %get3A_86 = vector.shape_cast %get3A_85 : vector<1x1x100x128xf32> to vector<100x128xf32>
    %get3A_87 = arith.constant 1 : index
    %get3A_88 = arith.constant 1 : index
    %get3A_89 = arith.constant 0 : index
    %get3A_90 = arith.constant 0 : index
    %get3A_91 = vector.load %arg2[%get3A_87, %get3A_88, %get3A_89, %get3A_90] : memref<2x2x100x128xf32, #tpu.memory_space<vmem>>, vector<1x1x100x128xf32>
    %get3A_92 = vector.shape_cast %get3A_91 : vector<1x1x100x128xf32> to vector<100x128xf32>
    %add3A_93 = arith.addf %get3A_86, %get3A_92 : vector<100x128xf32>
    %get3A_94 = arith.constant 0 : index
    %get3A_95 = arith.constant 1 : index
    %get3A_96 = arith.constant 0 : index
    %get3A_97 = arith.constant 0 : index
    %get3A_98 = vector.load %arg3[%get3A_94, %get3A_95, %get3A_96, %get3A_97] : memref<2x2x100x128xf32, #tpu.memory_space<vmem>>, vector<1x1x100x128xf32>
    %get3A_99 = vector.shape_cast %get3A_98 : vector<1x1x100x128xf32> to vector<100x128xf32>
    %get3A_100 = arith.constant 1 : index
    %get3A_101 = arith.constant 1 : index
    %get3A_102 = arith.constant 0 : index
    %get3A_103 = arith.constant 0 : index
    %get3A_104 = vector.load %arg3[%get3A_100, %get3A_101, %get3A_102, %get3A_103] : memref<2x2x100x128xf32, #tpu.memory_space<vmem>>, vector<1x1x100x128xf32>
    %get3A_105 = vector.shape_cast %get3A_104 : vector<1x1x100x128xf32> to vector<100x128xf32>
    %add3A_106 = arith.addf %get3A_99, %get3A_105 : vector<100x128xf32>
    %slice3A_107 = vector.extract_strided_slice %add3A_106 {offsets = [0, 32], sizes = [100, 1], strides = [1, 1]} : vector<100x128xf32> to vector<100x1xf32>
    %dot_general3A_108 = arith.constant dense<0.000000e+00> : vector<100x128xf32>
    %dot_general3A_109 = tpu.matmul %add3A_93, %convert_element_type3A_2, %dot_general3A_108 {dimension_numbers = #tpu.dot_dimension_numbers<[1], [0], [0], [1], [0, 0, 1, 1], [], []>, precision = #tpu.contract_precision<fp32>, transpose_lhs_hint = false} : vector<100x128xf32>, vector<128x128xf32>, vector<100x128xf32> -> vector<100x128xf32>
    %slice3A_110 = vector.extract_strided_slice %add3A_106 {offsets = [0, 0], sizes = [100, 32], strides = [1, 1]} : vector<100x128xf32> to vector<100x32xf32>
    %dot_general3A_111 = arith.constant dense<0.000000e+00> : vector<100x128xf32>
    %dot_general3A_112 = tpu.matmul %slice3A_110, %convert_element_type3A_7, %dot_general3A_111 {dimension_numbers = #tpu.dot_dimension_numbers<[1], [0], [0], [1], [0, 0, 1, 1], [], []>, precision = #tpu.contract_precision<fp32>, transpose_lhs_hint = false} : vector<100x32xf32>, vector<32x128xf32>, vector<100x128xf32> -> vector<100x128xf32>
    %add3A_113 = arith.addf %dot_general3A_109, %dot_general3A_112 : vector<100x128xf32>
    %mul3A_114 = vector.broadcast %slice3A_107 : vector<100x1xf32> to vector<100x128xf32>
    %mul3A_115 = vector.broadcast %get3A_10 : vector<1x128xf32> to vector<100x128xf32>
    %mul3A_116 = arith.mulf %mul3A_114, %mul3A_115 : vector<100x128xf32>
    %add3A_117 = arith.addf %add3A_113, %mul3A_116 : vector<100x128xf32>
    %max3A_118 = arith.constant 1.000000e+00 : f32
    %max3A_119 = vector.broadcast %max3A_118 : f32 to vector<100x1xf32>
    %max3A_120 = arith.maximumf %slice3A_107, %max3A_119 : vector<100x1xf32>
    %div3A_121 = vector.broadcast %max3A_120 : vector<100x1xf32> to vector<100x128xf32>
    %div3A_122 = arith.divf %add3A_117, %div3A_121 : vector<100x128xf32>
    %max3A_123 = arith.constant 0.000000e+00 : f32
    %max3A_124 = vector.broadcast %max3A_123 : f32 to vector<100x128xf32>
    %max3A_125 = arith.maximumf %div3A_122, %max3A_124 : vector<100x128xf32>
    %reduce_sum3A_126 = arith.constant dense<0.000000e+00> : vector<128xf32>
    %reduce_sum3A_127 = vector.multi_reduction <add>, %max3A_125, %reduce_sum3A_126 [0] : vector<100x128xf32> to vector<128xf32>
    %broadcast_in_dim3A_128 = vector.shape_cast %reduce_sum3A_127 : vector<128xf32> to vector<1x128xf32>
    %div3A_129 = arith.constant 1.000000e+02 : f32
    %div3A_130 = vector.broadcast %div3A_129 : f32 to vector<1x128xf32>
    %div3A_131 = arith.divf %broadcast_in_dim3A_128, %div3A_130 : vector<1x128xf32>
    %mul3A_132 = arith.mulf %div3A_131, %get3A_19 : vector<1x128xf32>
    %sub3A_133 = vector.broadcast %mul3A_132 : vector<1x128xf32> to vector<100x128xf32>
    %sub3A_134 = arith.subf %max3A_125, %sub3A_133 : vector<100x128xf32>
    %mul3A_135 = arith.mulf %sub3A_134, %sub3A_134 : vector<100x128xf32>
    %reduce_sum3A_136 = arith.constant dense<0.000000e+00> : vector<128xf32>
    %reduce_sum3A_137 = vector.multi_reduction <add>, %mul3A_135, %reduce_sum3A_136 [0] : vector<100x128xf32> to vector<128xf32>
    %broadcast_in_dim3A_138 = vector.shape_cast %reduce_sum3A_137 : vector<128xf32> to vector<1x128xf32>
    %div3A_139 = arith.constant 1.000000e+02 : f32
    %div3A_140 = vector.broadcast %div3A_139 : f32 to vector<1x128xf32>
    %div3A_141 = arith.divf %broadcast_in_dim3A_138, %div3A_140 : vector<1x128xf32>
    %mul3A_142 = vector.broadcast %get3A_13 : vector<1x128xf32> to vector<100x128xf32>
    %mul3A_143 = arith.mulf %mul3A_142, %sub3A_134 : vector<100x128xf32>
    %add3A_144 = arith.constant 9.99999974E-6 : f32
    %add3A_145 = vector.broadcast %add3A_144 : f32 to vector<1x128xf32>
    %add3A_146 = arith.addf %div3A_141, %add3A_145 : vector<1x128xf32>
    %sqrt3A_147 = math.sqrt %add3A_146 : vector<1x128xf32>
    %div3A_148 = vector.broadcast %sqrt3A_147 : vector<1x128xf32> to vector<100x128xf32>
    %div3A_149 = arith.divf %mul3A_143, %div3A_148 : vector<100x128xf32>
    %add3A_150 = vector.broadcast %get3A_16 : vector<1x128xf32> to vector<100x128xf32>
    %add3A_151 = arith.addf %div3A_149, %add3A_150 : vector<100x128xf32>
    %get3A_152 = arith.constant 0 : index
    %get3A_153 = arith.constant 0 : index
    %get3A_154 = arith.constant 0 : index
    %get3A_155 = vector.load %arg1[%get3A_152, %get3A_153, %get3A_154] : memref<2x100x128xf32, #tpu.memory_space<vmem>>, vector<1x100x128xf32>
    %get3A_156 = vector.shape_cast %get3A_155 : vector<1x100x128xf32> to vector<100x128xf32>
    %get3A_157 = arith.constant 1 : index
    %get3A_158 = arith.constant 0 : index
    %get3A_159 = arith.constant 0 : index
    %get3A_160 = vector.load %arg1[%get3A_157, %get3A_158, %get3A_159] : memref<2x100x128xf32, #tpu.memory_space<vmem>>, vector<1x100x128xf32>
    %get3A_161 = vector.shape_cast %get3A_160 : vector<1x100x128xf32> to vector<100x128xf32>
    %convert_element_type3A_162 = arith.truncf %get3A_156 : vector<100x128xf32> to vector<100x128xbf16>
    %convert_element_type3A_163 = arith.extf %convert_element_type3A_162 : vector<100x128xbf16> to vector<100x128xf32>
    %convert_element_type3A_164 = arith.truncf %get3A_161 : vector<100x128xf32> to vector<100x128xbf16>
    %convert_element_type3A_165 = arith.extf %convert_element_type3A_164 : vector<100x128xbf16> to vector<100x128xf32>
    %get3A_166 = arith.constant 0 : index
    %get3A_167 = arith.constant 0 : index
    %get3A_168 = vector.load %arg10[%get3A_166, %get3A_167] : memref<128x128xf32, #tpu.memory_space<vmem>>, vector<128x128xf32>
    %convert_element_type3A_169 = arith.truncf %get3A_168 : vector<128x128xf32> to vector<128x128xbf16>
    %convert_element_type3A_170 = arith.extf %convert_element_type3A_169 : vector<128x128xbf16> to vector<128x128xf32>
    %dot_general3A_171 = arith.constant dense<0.000000e+00> : vector<100x128xf32>
    %dot_general3A_172 = tpu.matmul %convert_element_type3A_163, %convert_element_type3A_170, %dot_general3A_171 {dimension_numbers = #tpu.dot_dimension_numbers<[1], [0], [0], [1], [0, 0, 1, 1], [], []>, precision = #tpu.contract_precision<fp32>, transpose_lhs_hint = false} : vector<100x128xf32>, vector<128x128xf32>, vector<100x128xf32> -> vector<100x128xf32>
    %max3A_173 = arith.constant 0.000000e+00 : f32
    %max3A_174 = vector.broadcast %max3A_173 : f32 to vector<100x128xf32>
    %max3A_175 = arith.maximumf %dot_general3A_172, %max3A_174 : vector<100x128xf32>
    %get3A_176 = arith.constant 0 : index
    %get3A_177 = arith.constant 0 : index
    %get3A_178 = vector.load %arg11[%get3A_176, %get3A_177] : memref<128x128xf32, #tpu.memory_space<vmem>>, vector<128x128xf32>
    %convert_element_type3A_179 = arith.truncf %get3A_178 : vector<128x128xf32> to vector<128x128xbf16>
    %convert_element_type3A_180 = arith.extf %convert_element_type3A_179 : vector<128x128xbf16> to vector<128x128xf32>
    %dot_general3A_181 = arith.constant dense<0.000000e+00> : vector<100x128xf32>
    %dot_general3A_182 = tpu.matmul %convert_element_type3A_163, %convert_element_type3A_180, %dot_general3A_181 {dimension_numbers = #tpu.dot_dimension_numbers<[1], [0], [0], [1], [0, 0, 1, 1], [], []>, precision = #tpu.contract_precision<fp32>, transpose_lhs_hint = false} : vector<100x128xf32>, vector<128x128xf32>, vector<100x128xf32> -> vector<100x128xf32>
    %max3A_183 = arith.constant 0.000000e+00 : f32
    %max3A_184 = vector.broadcast %max3A_183 : f32 to vector<100x128xf32>
    %max3A_185 = arith.maximumf %dot_general3A_182, %max3A_184 : vector<100x128xf32>
    %get3A_186 = arith.constant 0 : index
    %get3A_187 = arith.constant 0 : index
    %get3A_188 = vector.load %arg12[%get3A_186, %get3A_187] : memref<128x128xf32, #tpu.memory_space<vmem>>, vector<128x128xf32>
    %convert_element_type3A_189 = arith.truncf %get3A_188 : vector<128x128xf32> to vector<128x128xbf16>
    %convert_element_type3A_190 = arith.extf %convert_element_type3A_189 : vector<128x128xbf16> to vector<128x128xf32>
    %dot_general3A_191 = arith.constant dense<0.000000e+00> : vector<100x128xf32>
    %dot_general3A_192 = tpu.matmul %convert_element_type3A_163, %convert_element_type3A_190, %dot_general3A_191 {dimension_numbers = #tpu.dot_dimension_numbers<[1], [0], [0], [1], [0, 0, 1, 1], [], []>, precision = #tpu.contract_precision<fp32>, transpose_lhs_hint = false} : vector<100x128xf32>, vector<128x128xf32>, vector<100x128xf32> -> vector<100x128xf32>
    %get3A_193 = arith.constant 0 : index
    %get3A_194 = arith.constant 0 : index
    %get3A_195 = vector.load %arg13[%get3A_193, %get3A_194] : memref<128x128xf32, #tpu.memory_space<vmem>>, vector<128x128xf32>
    %convert_element_type3A_196 = arith.truncf %get3A_195 : vector<128x128xf32> to vector<128x128xbf16>
    %convert_element_type3A_197 = arith.extf %convert_element_type3A_196 : vector<128x128xbf16> to vector<128x128xf32>
    %dot_general3A_198 = arith.constant dense<0.000000e+00> : vector<100x128xf32>
    %dot_general3A_199 = tpu.matmul %convert_element_type3A_165, %convert_element_type3A_197, %dot_general3A_198 {dimension_numbers = #tpu.dot_dimension_numbers<[1], [0], [0], [1], [0, 0, 1, 1], [], []>, precision = #tpu.contract_precision<fp32>, transpose_lhs_hint = false} : vector<100x128xf32>, vector<128x128xf32>, vector<100x128xf32> -> vector<100x128xf32>
    %max3A_200 = arith.constant 0.000000e+00 : f32
    %max3A_201 = vector.broadcast %max3A_200 : f32 to vector<100x128xf32>
    %max3A_202 = arith.maximumf %dot_general3A_199, %max3A_201 : vector<100x128xf32>
    %get3A_203 = arith.constant 0 : index
    %get3A_204 = arith.constant 0 : index
    %get3A_205 = vector.load %arg14[%get3A_203, %get3A_204] : memref<128x128xf32, #tpu.memory_space<vmem>>, vector<128x128xf32>
    %convert_element_type3A_206 = arith.truncf %get3A_205 : vector<128x128xf32> to vector<128x128xbf16>
    %convert_element_type3A_207 = arith.extf %convert_element_type3A_206 : vector<128x128xbf16> to vector<128x128xf32>
    %dot_general3A_208 = arith.constant dense<0.000000e+00> : vector<100x128xf32>
    %dot_general3A_209 = tpu.matmul %convert_element_type3A_165, %convert_element_type3A_207, %dot_general3A_208 {dimension_numbers = #tpu.dot_dimension_numbers<[1], [0], [0], [1], [0, 0, 1, 1], [], []>, precision = #tpu.contract_precision<fp32>, transpose_lhs_hint = false} : vector<100x128xf32>, vector<128x128xf32>, vector<100x128xf32> -> vector<100x128xf32>
    %max3A_210 = arith.constant 0.000000e+00 : f32
    %max3A_211 = vector.broadcast %max3A_210 : f32 to vector<100x128xf32>
    %max3A_212 = arith.maximumf %dot_general3A_209, %max3A_211 : vector<100x128xf32>
    %get3A_213 = arith.constant 0 : index
    %get3A_214 = arith.constant 0 : index
    %get3A_215 = vector.load %arg15[%get3A_213, %get3A_214] : memref<128x128xf32, #tpu.memory_space<vmem>>, vector<128x128xf32>
    %convert_element_type3A_216 = arith.truncf %get3A_215 : vector<128x128xf32> to vector<128x128xbf16>
    %convert_element_type3A_217 = arith.extf %convert_element_type3A_216 : vector<128x128xbf16> to vector<128x128xf32>
    %dot_general3A_218 = arith.constant dense<0.000000e+00> : vector<100x128xf32>
    %dot_general3A_219 = tpu.matmul %convert_element_type3A_165, %convert_element_type3A_217, %dot_general3A_218 {dimension_numbers = #tpu.dot_dimension_numbers<[1], [0], [0], [1], [0, 0, 1, 1], [], []>, precision = #tpu.contract_precision<fp32>, transpose_lhs_hint = false} : vector<100x128xf32>, vector<128x128xf32>, vector<100x128xf32> -> vector<100x128xf32>
    %convert_element_type3A_220 = arith.truncf %max3A_175 : vector<100x128xf32> to vector<100x128xbf16>
    %convert_element_type3A_221 = arith.extf %convert_element_type3A_220 : vector<100x128xbf16> to vector<100x128xf32>
    %convert_element_type3A_222 = arith.truncf %max3A_212 : vector<100x128xf32> to vector<100x128xbf16>
    %convert_element_type3A_223 = arith.extf %convert_element_type3A_222 : vector<100x128xbf16> to vector<100x128xf32>
    %dot_general3A_224 = arith.constant dense<0.000000e+00> : vector<100x100xf32>
    %dot_general3A_225 = tpu.matmul %convert_element_type3A_221, %convert_element_type3A_223, %dot_general3A_224 {dimension_numbers = #tpu.dot_dimension_numbers<[1], [1], [0], [0], [0, 0, 1, 0], [], []>, precision = #tpu.contract_precision<fp32>, transpose_lhs_hint = false} : vector<100x128xf32>, vector<100x128xf32>, vector<100x100xf32> -> vector<100x100xf32>
    %reduce_max3A = arith.constant dense<0xFF800000> : vector<100xf32>
    %reduce_max3A_226 = vector.multi_reduction <maximumf>, %dot_general3A_225, %reduce_max3A [1] : vector<100x100xf32> to vector<100xf32>
    %max3A_227 = arith.constant 0xFF800000 : f32
    %max3A_228 = vector.broadcast %max3A_227 : f32 to vector<100xf32>
    %max3A_229 = arith.maximumf %max3A_228, %reduce_max3A_226 : vector<100xf32>
    %broadcast_in_dim3A_230 = vector.shape_cast %max3A_229 : vector<100xf32> to vector<100x1xf32>
    %sub3A_231 = vector.broadcast %broadcast_in_dim3A_230 : vector<100x1xf32> to vector<100x100xf32>
    %sub3A_232 = arith.subf %dot_general3A_225, %sub3A_231 : vector<100x100xf32>
    %exp3A = math.exp %sub3A_232 : vector<100x100xf32>
    %reduce_sum3A_233 = arith.constant dense<0.000000e+00> : vector<100xf32>
    %reduce_sum3A_234 = vector.multi_reduction <add>, %exp3A, %reduce_sum3A_233 [1] : vector<100x100xf32> to vector<100xf32>
    %broadcast_in_dim3A_235 = vector.shape_cast %reduce_sum3A_234 : vector<100xf32> to vector<100x1xf32>
    %div3A_236 = vector.broadcast %broadcast_in_dim3A_235 : vector<100x1xf32> to vector<100x100xf32>
    %div3A_237 = arith.divf %exp3A, %div3A_236 : vector<100x100xf32>
    %convert_element_type3A_238 = arith.truncf %div3A_237 : vector<100x100xf32> to vector<100x100xbf16>
    %convert_element_type3A_239 = arith.extf %convert_element_type3A_238 : vector<100x100xbf16> to vector<100x100xf32>
    %convert_element_type3A_240 = arith.truncf %dot_general3A_219 : vector<100x128xf32> to vector<100x128xbf16>
    %convert_element_type3A_241 = arith.extf %convert_element_type3A_240 : vector<100x128xbf16> to vector<100x128xf32>
    %dot_general3A_242 = arith.constant dense<0.000000e+00> : vector<100x128xf32>
    %dot_general3A_243 = tpu.matmul %convert_element_type3A_239, %convert_element_type3A_241, %dot_general3A_242 {dimension_numbers = #tpu.dot_dimension_numbers<[1], [0], [0], [1], [0, 0, 1, 1], [], []>, precision = #tpu.contract_precision<fp32>, transpose_lhs_hint = false} : vector<100x100xf32>, vector<100x128xf32>, vector<100x128xf32> -> vector<100x128xf32>
    %convert_element_type3A_244 = arith.truncf %max3A_202 : vector<100x128xf32> to vector<100x128xbf16>
    %convert_element_type3A_245 = arith.extf %convert_element_type3A_244 : vector<100x128xbf16> to vector<100x128xf32>
    %convert_element_type3A_246 = arith.truncf %max3A_185 : vector<100x128xf32> to vector<100x128xbf16>
    %convert_element_type3A_247 = arith.extf %convert_element_type3A_246 : vector<100x128xbf16> to vector<100x128xf32>
    %dot_general3A_248 = arith.constant dense<0.000000e+00> : vector<100x100xf32>
    %dot_general3A_249 = tpu.matmul %convert_element_type3A_245, %convert_element_type3A_247, %dot_general3A_248 {dimension_numbers = #tpu.dot_dimension_numbers<[1], [1], [0], [0], [0, 0, 1, 0], [], []>, precision = #tpu.contract_precision<fp32>, transpose_lhs_hint = false} : vector<100x128xf32>, vector<100x128xf32>, vector<100x100xf32> -> vector<100x100xf32>
    %reduce_max3A_250 = arith.constant dense<0xFF800000> : vector<100xf32>
    %reduce_max3A_251 = vector.multi_reduction <maximumf>, %dot_general3A_249, %reduce_max3A_250 [1] : vector<100x100xf32> to vector<100xf32>
    %max3A_252 = arith.constant 0xFF800000 : f32
    %max3A_253 = vector.broadcast %max3A_252 : f32 to vector<100xf32>
    %max3A_254 = arith.maximumf %max3A_253, %reduce_max3A_251 : vector<100xf32>
    %broadcast_in_dim3A_255 = vector.shape_cast %max3A_254 : vector<100xf32> to vector<100x1xf32>
    %sub3A_256 = vector.broadcast %broadcast_in_dim3A_255 : vector<100x1xf32> to vector<100x100xf32>
    %sub3A_257 = arith.subf %dot_general3A_249, %sub3A_256 : vector<100x100xf32>
    %exp3A_258 = math.exp %sub3A_257 : vector<100x100xf32>
    %reduce_sum3A_259 = arith.constant dense<0.000000e+00> : vector<100xf32>
    %reduce_sum3A_260 = vector.multi_reduction <add>, %exp3A_258, %reduce_sum3A_259 [1] : vector<100x100xf32> to vector<100xf32>
    %broadcast_in_dim3A_261 = vector.shape_cast %reduce_sum3A_260 : vector<100xf32> to vector<100x1xf32>
    %div3A_262 = vector.broadcast %broadcast_in_dim3A_261 : vector<100x1xf32> to vector<100x100xf32>
    %div3A_263 = arith.divf %exp3A_258, %div3A_262 : vector<100x100xf32>
    %convert_element_type3A_264 = arith.truncf %div3A_263 : vector<100x100xf32> to vector<100x100xbf16>
    %convert_element_type3A_265 = arith.extf %convert_element_type3A_264 : vector<100x100xbf16> to vector<100x100xf32>
    %convert_element_type3A_266 = arith.truncf %dot_general3A_192 : vector<100x128xf32> to vector<100x128xbf16>
    %convert_element_type3A_267 = arith.extf %convert_element_type3A_266 : vector<100x128xbf16> to vector<100x128xf32>
    %dot_general3A_268 = arith.constant dense<0.000000e+00> : vector<100x128xf32>
    %dot_general3A_269 = tpu.matmul %convert_element_type3A_265, %convert_element_type3A_267, %dot_general3A_268 {dimension_numbers = #tpu.dot_dimension_numbers<[1], [0], [0], [1], [0, 0, 1, 1], [], []>, precision = #tpu.contract_precision<fp32>, transpose_lhs_hint = false} : vector<100x100xf32>, vector<100x128xf32>, vector<100x128xf32> -> vector<100x128xf32>
    %reduce_sum3A_270 = arith.constant dense<0.000000e+00> : vector<128xf32>
    %reduce_sum3A_271 = vector.multi_reduction <add>, %dot_general3A_243, %reduce_sum3A_270 [0] : vector<100x128xf32> to vector<128xf32>
    %broadcast_in_dim3A_272 = vector.shape_cast %reduce_sum3A_271 : vector<128xf32> to vector<1x128xf32>
    %div3A_273 = arith.constant 1.000000e+02 : f32
    %div3A_274 = vector.broadcast %div3A_273 : f32 to vector<1x128xf32>
    %div3A_275 = arith.divf %broadcast_in_dim3A_272, %div3A_274 : vector<1x128xf32>
    %mul3A_276 = arith.mulf %div3A_275, %get3A_19 : vector<1x128xf32>
    %sub3A_277 = vector.broadcast %mul3A_276 : vector<1x128xf32> to vector<100x128xf32>
    %sub3A_278 = arith.subf %dot_general3A_243, %sub3A_277 : vector<100x128xf32>
    %mul3A_279 = arith.mulf %sub3A_278, %sub3A_278 : vector<100x128xf32>
    %reduce_sum3A_280 = arith.constant dense<0.000000e+00> : vector<128xf32>
    %reduce_sum3A_281 = vector.multi_reduction <add>, %mul3A_279, %reduce_sum3A_280 [0] : vector<100x128xf32> to vector<128xf32>
    %broadcast_in_dim3A_282 = vector.shape_cast %reduce_sum3A_281 : vector<128xf32> to vector<1x128xf32>
    %div3A_283 = arith.constant 1.000000e+02 : f32
    %div3A_284 = vector.broadcast %div3A_283 : f32 to vector<1x128xf32>
    %div3A_285 = arith.divf %broadcast_in_dim3A_282, %div3A_284 : vector<1x128xf32>
    %mul3A_286 = vector.broadcast %get3A_13 : vector<1x128xf32> to vector<100x128xf32>
    %mul3A_287 = arith.mulf %mul3A_286, %sub3A_278 : vector<100x128xf32>
    %add3A_288 = arith.constant 9.99999974E-6 : f32
    %add3A_289 = vector.broadcast %add3A_288 : f32 to vector<1x128xf32>
    %add3A_290 = arith.addf %div3A_285, %add3A_289 : vector<1x128xf32>
    %sqrt3A_291 = math.sqrt %add3A_290 : vector<1x128xf32>
    %div3A_292 = vector.broadcast %sqrt3A_291 : vector<1x128xf32> to vector<100x128xf32>
    %div3A_293 = arith.divf %mul3A_287, %div3A_292 : vector<100x128xf32>
    %add3A_294 = vector.broadcast %get3A_16 : vector<1x128xf32> to vector<100x128xf32>
    %add3A_295 = arith.addf %div3A_293, %add3A_294 : vector<100x128xf32>
    %reduce_sum3A_296 = arith.constant dense<0.000000e+00> : vector<128xf32>
    %reduce_sum3A_297 = vector.multi_reduction <add>, %dot_general3A_269, %reduce_sum3A_296 [0] : vector<100x128xf32> to vector<128xf32>
    %broadcast_in_dim3A_298 = vector.shape_cast %reduce_sum3A_297 : vector<128xf32> to vector<1x128xf32>
    %div3A_299 = arith.constant 1.000000e+02 : f32
    %div3A_300 = vector.broadcast %div3A_299 : f32 to vector<1x128xf32>
    %div3A_301 = arith.divf %broadcast_in_dim3A_298, %div3A_300 : vector<1x128xf32>
    %mul3A_302 = arith.mulf %div3A_301, %get3A_19 : vector<1x128xf32>
    %sub3A_303 = vector.broadcast %mul3A_302 : vector<1x128xf32> to vector<100x128xf32>
    %sub3A_304 = arith.subf %dot_general3A_269, %sub3A_303 : vector<100x128xf32>
    %mul3A_305 = arith.mulf %sub3A_304, %sub3A_304 : vector<100x128xf32>
    %reduce_sum3A_306 = arith.constant dense<0.000000e+00> : vector<128xf32>
    %reduce_sum3A_307 = vector.multi_reduction <add>, %mul3A_305, %reduce_sum3A_306 [0] : vector<100x128xf32> to vector<128xf32>
    %broadcast_in_dim3A_308 = vector.shape_cast %reduce_sum3A_307 : vector<128xf32> to vector<1x128xf32>
    %div3A_309 = arith.constant 1.000000e+02 : f32
    %div3A_310 = vector.broadcast %div3A_309 : f32 to vector<1x128xf32>
    %div3A_311 = arith.divf %broadcast_in_dim3A_308, %div3A_310 : vector<1x128xf32>
    %mul3A_312 = vector.broadcast %get3A_13 : vector<1x128xf32> to vector<100x128xf32>
    %mul3A_313 = arith.mulf %mul3A_312, %sub3A_304 : vector<100x128xf32>
    %add3A_314 = arith.constant 9.99999974E-6 : f32
    %add3A_315 = vector.broadcast %add3A_314 : f32 to vector<1x128xf32>
    %add3A_316 = arith.addf %div3A_311, %add3A_315 : vector<1x128xf32>
    %sqrt3A_317 = math.sqrt %add3A_316 : vector<1x128xf32>
    %div3A_318 = vector.broadcast %sqrt3A_317 : vector<1x128xf32> to vector<100x128xf32>
    %div3A_319 = arith.divf %mul3A_313, %div3A_318 : vector<100x128xf32>
    %add3A_320 = vector.broadcast %get3A_16 : vector<1x128xf32> to vector<100x128xf32>
    %add3A_321 = arith.addf %div3A_319, %add3A_320 : vector<100x128xf32>
    %convert_element_type3A_322 = arith.truncf %add3A_80 : vector<100x128xf32> to vector<100x128xbf16>
    %convert_element_type3A_323 = arith.extf %convert_element_type3A_322 : vector<100x128xbf16> to vector<100x128xf32>
    %get3A_324 = arith.constant 0 : index
    %get3A_325 = arith.constant 0 : index
    %get3A_326 = vector.load %arg16[%get3A_324, %get3A_325] : memref<128x128xf32, #tpu.memory_space<vmem>>, vector<128x128xf32>
    %convert_element_type3A_327 = arith.truncf %get3A_326 : vector<128x128xf32> to vector<128x128xbf16>
    %convert_element_type3A_328 = arith.extf %convert_element_type3A_327 : vector<128x128xbf16> to vector<128x128xf32>
    %dot_general3A_329 = arith.constant dense<0.000000e+00> : vector<100x128xf32>
    %dot_general3A_330 = tpu.matmul %convert_element_type3A_323, %convert_element_type3A_328, %dot_general3A_329 {dimension_numbers = #tpu.dot_dimension_numbers<[1], [0], [0], [1], [0, 0, 1, 1], [], []>, precision = #tpu.contract_precision<fp32>, transpose_lhs_hint = false} : vector<100x128xf32>, vector<128x128xf32>, vector<100x128xf32> -> vector<100x128xf32>
    %convert_element_type3A_331 = arith.truncf %add3A_295 : vector<100x128xf32> to vector<100x128xbf16>
    %convert_element_type3A_332 = arith.extf %convert_element_type3A_331 : vector<100x128xbf16> to vector<100x128xf32>
    %get3A_333 = arith.constant 0 : index
    %get3A_334 = arith.constant 0 : index
    %get3A_335 = vector.load %arg17[%get3A_333, %get3A_334] : memref<128x128xf32, #tpu.memory_space<vmem>>, vector<128x128xf32>
    %convert_element_type3A_336 = arith.truncf %get3A_335 : vector<128x128xf32> to vector<128x128xbf16>
    %convert_element_type3A_337 = arith.extf %convert_element_type3A_336 : vector<128x128xbf16> to vector<128x128xf32>
    %dot_general3A_338 = arith.constant dense<0.000000e+00> : vector<100x128xf32>
    %dot_general3A_339 = tpu.matmul %convert_element_type3A_332, %convert_element_type3A_337, %dot_general3A_338 {dimension_numbers = #tpu.dot_dimension_numbers<[1], [0], [0], [1], [0, 0, 1, 1], [], []>, precision = #tpu.contract_precision<fp32>, transpose_lhs_hint = false} : vector<100x128xf32>, vector<128x128xf32>, vector<100x128xf32> -> vector<100x128xf32>
    %add3A_340 = arith.addf %dot_general3A_330, %dot_general3A_339 : vector<100x128xf32>
    %get3A_341 = arith.constant 0 : index
    %get3A_342 = arith.constant 0 : index
    %get3A_343 = vector.load %arg18[%get3A_341, %get3A_342] : memref<1x128xf32, #tpu.memory_space<vmem>>, vector<1x128xf32>
    %add3A_344 = vector.broadcast %get3A_343 : vector<1x128xf32> to vector<100x128xf32>
    %add3A_345 = arith.addf %add3A_340, %add3A_344 : vector<100x128xf32>
    %max3A_346 = arith.constant 0.000000e+00 : f32
    %max3A_347 = vector.broadcast %max3A_346 : f32 to vector<100x128xf32>
    %max3A_348 = arith.maximumf %add3A_345, %max3A_347 : vector<100x128xf32>
    %mul3A_349 = arith.constant 5.000000e-01 : f32
    %mul3A_350 = vector.broadcast %mul3A_349 : f32 to vector<100x128xf32>
    %mul3A_351 = arith.mulf %get3A_156, %mul3A_350 : vector<100x128xf32>
    %mul3A_352 = arith.constant 5.000000e-01 : f32
    %mul3A_353 = vector.broadcast %mul3A_352 : f32 to vector<100x128xf32>
    %mul3A_354 = arith.mulf %max3A_348, %mul3A_353 : vector<100x128xf32>
    %add3A_355 = arith.addf %mul3A_351, %mul3A_354 : vector<100x128xf32>
    %swap3A = arith.constant 0 : index
    %swap3A_356 = arith.constant 0 : index
    %swap3A_357 = arith.constant 0 : index
    %swap3A_358 = vector.load %arg19[%swap3A, %swap3A_356, %swap3A_357] : memref<2x100x128xf32, #tpu.memory_space<vmem>>, vector<1x100x128xf32>
    %swap3A_359 = vector.shape_cast %swap3A_358 : vector<1x100x128xf32> to vector<100x128xf32>
    %swap3A_360 = vector.shape_cast %add3A_355 : vector<100x128xf32> to vector<1x100x128xf32>
    tpu.vector_store %arg19[%swap3A, %swap3A_356, %swap3A_357], %swap3A_360 {strides = array<i32>} : memref<2x100x128xf32, #tpu.memory_space<vmem>>, vector<1x100x128xf32>,
    %reduce_sum3A_361 = arith.constant dense<0.000000e+00> : vector<128xf32>
    %reduce_sum3A_362 = vector.multi_reduction <add>, %add3A_355, %reduce_sum3A_361 [0] : vector<100x128xf32> to vector<128xf32>
    %broadcast_in_dim3A_363 = vector.shape_cast %reduce_sum3A_362 : vector<128xf32> to vector<1x128xf32>
    %div3A_364 = arith.constant 1.000000e+02 : f32
    %div3A_365 = vector.broadcast %div3A_364 : f32 to vector<1x128xf32>
    %div3A_366 = arith.divf %broadcast_in_dim3A_363, %div3A_365 : vector<1x128xf32>
    %swap3A_367 = arith.constant 0 : index
    %swap3A_368 = arith.constant 0 : index
    %swap3A_369 = arith.constant 0 : index
    %swap3A_370 = vector.load %arg20[%swap3A_367, %swap3A_368, %swap3A_369] : memref<1x2x128xf32, #tpu.memory_space<vmem>>, vector<1x1x128xf32>
    %swap3A_371 = vector.shape_cast %swap3A_370 : vector<1x1x128xf32> to vector<1x128xf32>
    %swap3A_372 = vector.shape_cast %div3A_366 : vector<1x128xf32> to vector<1x1x128xf32>
    tpu.vector_store %arg20[%swap3A_367, %swap3A_368, %swap3A_369], %swap3A_372 {strides = array<i32>} : memref<1x2x128xf32, #tpu.memory_space<vmem>>, vector<1x1x128xf32>,
    %convert_element_type3A_373 = arith.truncf %add3A_151 : vector<100x128xf32> to vector<100x128xbf16>
    %convert_element_type3A_374 = arith.extf %convert_element_type3A_373 : vector<100x128xbf16> to vector<100x128xf32>
    %get3A_375 = arith.constant 0 : index
    %get3A_376 = arith.constant 0 : index
    %get3A_377 = vector.load %arg16[%get3A_375, %get3A_376] : memref<128x128xf32, #tpu.memory_space<vmem>>, vector<128x128xf32>
    %convert_element_type3A_378 = arith.truncf %get3A_377 : vector<128x128xf32> to vector<128x128xbf16>
    %convert_element_type3A_379 = arith.extf %convert_element_type3A_378 : vector<128x128xbf16> to vector<128x128xf32>
    %dot_general3A_380 = arith.constant dense<0.000000e+00> : vector<100x128xf32>
    %dot_general3A_381 = tpu.matmul %convert_element_type3A_374, %convert_element_type3A_379, %dot_general3A_380 {dimension_numbers = #tpu.dot_dimension_numbers<[1], [0], [0], [1], [0, 0, 1, 1], [], []>, precision = #tpu.contract_precision<fp32>, transpose_lhs_hint = false} : vector<100x128xf32>, vector<128x128xf32>, vector<100x128xf32> -> vector<100x128xf32>
    %convert_element_type3A_382 = arith.truncf %add3A_321 : vector<100x128xf32> to vector<100x128xbf16>
    %convert_element_type3A_383 = arith.extf %convert_element_type3A_382 : vector<100x128xbf16> to vector<100x128xf32>
    %get3A_384 = arith.constant 0 : index
    %get3A_385 = arith.constant 0 : index
    %get3A_386 = vector.load %arg17[%get3A_384, %get3A_385] : memref<128x128xf32, #tpu.memory_space<vmem>>, vector<128x128xf32>
    %convert_element_type3A_387 = arith.truncf %get3A_386 : vector<128x128xf32> to vector<128x128xbf16>
    %convert_element_type3A_388 = arith.extf %convert_element_type3A_387 : vector<128x128xbf16> to vector<128x128xf32>
    %dot_general3A_389 = arith.constant dense<0.000000e+00> : vector<100x128xf32>
    %dot_general3A_390 = tpu.matmul %convert_element_type3A_383, %convert_element_type3A_388, %dot_general3A_389 {dimension_numbers = #tpu.dot_dimension_numbers<[1], [0], [0], [1], [0, 0, 1, 1], [], []>, precision = #tpu.contract_precision<fp32>, transpose_lhs_hint = false} : vector<100x128xf32>, vector<128x128xf32>, vector<100x128xf32> -> vector<100x128xf32>
    %add3A_391 = arith.addf %dot_general3A_381, %dot_general3A_390 : vector<100x128xf32>
    %get3A_392 = arith.constant 0 : index
    %get3A_393 = arith.constant 0 : index
    %get3A_394 = vector.load %arg18[%get3A_392, %get3A_393] : memref<1x128xf32, #tpu.memory_space<vmem>>, vector<1x128xf32>
    %add3A_395 = vector.broadcast %get3A_394 : vector<1x128xf32> to vector<100x128xf32>
    %add3A_396 = arith.addf %add3A_391, %add3A_395 : vector<100x128xf32>
    %max3A_397 = arith.constant 0.000000e+00 : f32
    %max3A_398 = vector.broadcast %max3A_397 : f32 to vector<100x128xf32>
    %max3A_399 = arith.maximumf %add3A_396, %max3A_398 : vector<100x128xf32>
    %mul3A_400 = arith.constant 5.000000e-01 : f32
    %mul3A_401 = vector.broadcast %mul3A_400 : f32 to vector<100x128xf32>
    %mul3A_402 = arith.mulf %get3A_161, %mul3A_401 : vector<100x128xf32>
    %mul3A_403 = arith.constant 5.000000e-01 : f32
    %mul3A_404 = vector.broadcast %mul3A_403 : f32 to vector<100x128xf32>
    %mul3A_405 = arith.mulf %max3A_399, %mul3A_404 : vector<100x128xf32>
    %add3A_406 = arith.addf %mul3A_402, %mul3A_405 : vector<100x128xf32>
    %swap3A_407 = arith.constant 1 : index
    %swap3A_408 = arith.constant 0 : index
    %swap3A_409 = arith.constant 0 : index
    %swap3A_410 = vector.load %arg19[%swap3A_407, %swap3A_408, %swap3A_409] : memref<2x100x128xf32, #tpu.memory_space<vmem>>, vector<1x100x128xf32>
    %swap3A_411 = vector.shape_cast %swap3A_410 : vector<1x100x128xf32> to vector<100x128xf32>
    %swap3A_412 = vector.shape_cast %add3A_406 : vector<100x128xf32> to vector<1x100x128xf32>
    tpu.vector_store %arg19[%swap3A_407, %swap3A_408, %swap3A_409], %swap3A_412 {strides = array<i32>} : memref<2x100x128xf32, #tpu.memory_space<vmem>>, vector<1x100x128xf32>,
    %reduce_sum3A_413 = arith.constant dense<0.000000e+00> : vector<128xf32>
    %reduce_sum3A_414 = vector.multi_reduction <add>, %add3A_406, %reduce_sum3A_413 [0] : vector<100x128xf32> to vector<128xf32>
    %broadcast_in_dim3A_415 = vector.shape_cast %reduce_sum3A_414 : vector<128xf32> to vector<1x128xf32>
    %div3A_416 = arith.constant 1.000000e+02 : f32
    %div3A_417 = vector.broadcast %div3A_416 : f32 to vector<1x128xf32>
    %div3A_418 = arith.divf %broadcast_in_dim3A_415, %div3A_417 : vector<1x128xf32>
    %swap3A_419 = arith.constant 0 : index
    %swap3A_420 = arith.constant 1 : index
    %swap3A_421 = arith.constant 0 : index
    %swap3A_422 = vector.load %arg20[%swap3A_419, %swap3A_420, %swap3A_421] : memref<1x2x128xf32, #tpu.memory_space<vmem>>, vector<1x1x128xf32>
    %swap3A_423 = vector.shape_cast %swap3A_422 : vector<1x1x128xf32> to vector<1x128xf32>
    %swap3A_424 = vector.shape_cast %div3A_418 : vector<1x128xf32> to vector<1x1x128xf32>
    tpu.vector_store %arg20[%swap3A_419, %swap3A_420, %swap3A_421], %swap3A_424 {strides = array<i32>} : memref<1x2x128xf32, #tpu.memory_space<vmem>>, vector<1x1x128xf32>,
    return
  }
  func.func @transform_0(%arg0: i32) -> (i32, i32, i32) {
    %c0_i32 = arith.constant 0 : i32
    %c0_i32_0 = arith.constant 0 : i32
    %c0_i32_1 = arith.constant 0 : i32
    return %arg0, %c0_i32, %c0_i32_0 : i32, i32, i32
  }
  func.func @transform_1(%arg0: i32) -> (i32, i32, i32, i32) {
    %c0_i32 = arith.constant 0 : i32
    %c0_i32_0 = arith.constant 0 : i32
    %c0_i32_1 = arith.constant 0 : i32
    %c0_i32_2 = arith.constant 0 : i32
    return %c0_i32, %arg0, %c0_i32_0, %c0_i32_1 : i32, i32, i32, i32
  }
  func.func @transform_2(%arg0: i32) -> (i32, i32, i32, i32) {
    %c0_i32 = arith.constant 0 : i32
    %c0_i32_0 = arith.constant 0 : i32
    %c0_i32_1 = arith.constant 0 : i32
    %c0_i32_2 = arith.constant 0 : i32
    return %c0_i32, %arg0, %c0_i32_0, %c0_i32_1 : i32, i32, i32, i32
  }
  func.func @transform_3(%arg0: i32) -> (i32, i32) {
    %c0_i32 = arith.constant 0 : i32
    %c0_i32_0 = arith.constant 0 : i32
    %c0_i32_1 = arith.constant 0 : i32
    return %c0_i32, %c0_i32_0 : i32, i32
  }
  func.func @transform_4(%arg0: i32) -> (i32, i32) {
    %c0_i32 = arith.constant 0 : i32
    %c0_i32_0 = arith.constant 0 : i32
    %c0_i32_1 = arith.constant 0 : i32
    return %c0_i32, %c0_i32_0 : i32, i32
  }
  func.func @transform_5(%arg0: i32) -> (i32, i32) {
    %c0_i32 = arith.constant 0 : i32
    %c0_i32_0 = arith.constant 0 : i32
    %c0_i32_1 = arith.constant 0 : i32
    return %c0_i32, %c0_i32_0 : i32, i32
  }
  func.func @transform_6(%arg0: i32) -> (i32, i32) {
    %c0_i32 = arith.constant 0 : i32
    %c0_i32_0 = arith.constant 0 : i32
    %c0_i32_1 = arith.constant 0 : i32
    return %c0_i32, %c0_i32_0 : i32, i32
  }
  func.func @transform_7(%arg0: i32) -> (i32, i32) {
    %c0_i32 = arith.constant 0 : i32
    %c0_i32_0 = arith.constant 0 : i32
    %c0_i32_1 = arith.constant 0 : i32
    return %c0_i32, %c0_i32_0 : i32, i32
  }
  func.func @transform_8(%arg0: i32) -> (i32, i32) {
    %c0_i32 = arith.constant 0 : i32
    %c0_i32_0 = arith.constant 0 : i32
    %c0_i32_1 = arith.constant 0 : i32
    return %c0_i32, %c0_i32_0 : i32, i32
  }
  func.func @transform_9(%arg0: i32) -> (i32, i32) {
    %c0_i32 = arith.constant 0 : i32
    %c0_i32_0 = arith.constant 0 : i32
    %c0_i32_1 = arith.constant 0 : i32
    return %c0_i32, %c0_i32_0 : i32, i32
  }
  func.func @transform_10(%arg0: i32) -> (i32, i32) {
    %c0_i32 = arith.constant 0 : i32
    %c0_i32_0 = arith.constant 0 : i32
    %c0_i32_1 = arith.constant 0 : i32
    return %c0_i32, %c0_i32_0 : i32, i32
  }
  func.func @transform_11(%arg0: i32) -> (i32, i32) {
    %c0_i32 = arith.constant 0 : i32
    %c0_i32_0 = arith.constant 0 : i32
    %c0_i32_1 = arith.constant 0 : i32
    return %c0_i32, %c0_i32_0 : i32, i32
  }
  func.func @transform_12(%arg0: i32) -> (i32, i32) {
    %c0_i32 = arith.constant 0 : i32
    %c0_i32_0 = arith.constant 0 : i32
    %c0_i32_1 = arith.constant 0 : i32
    return %c0_i32, %c0_i32_0 : i32, i32
  }
  func.func @transform_13(%arg0: i32) -> (i32, i32) {
    %c0_i32 = arith.constant 0 : i32
    %c0_i32_0 = arith.constant 0 : i32
    %c0_i32_1 = arith.constant 0 : i32
    return %c0_i32, %c0_i32_0 : i32, i32
  }
  func.func @transform_14(%arg0: i32) -> (i32, i32) {
    %c0_i32 = arith.constant 0 : i32
    %c0_i32_0 = arith.constant 0 : i32
    %c0_i32_1 = arith.constant 0 : i32
    return %c0_i32, %c0_i32_0 : i32, i32
  }
  func.func @transform_15(%arg0: i32) -> (i32, i32) {
    %c0_i32 = arith.constant 0 : i32
    %c0_i32_0 = arith.constant 0 : i32
    %c0_i32_1 = arith.constant 0 : i32
    return %c0_i32, %c0_i32_0 : i32, i32
  }
  func.func @transform_16(%arg0: i32) -> (i32, i32) {
    %c0_i32 = arith.constant 0 : i32
    %c0_i32_0 = arith.constant 0 : i32
    %c0_i32_1 = arith.constant 0 : i32
    return %c0_i32, %c0_i32_0 : i32, i32
  }
  func.func @transform_17(%arg0: i32) -> (i32, i32) {
    %c0_i32 = arith.constant 0 : i32
    %c0_i32_0 = arith.constant 0 : i32
    %c0_i32_1 = arith.constant 0 : i32
    return %c0_i32, %c0_i32_0 : i32, i32
  }
  func.func @transform_18(%arg0: i32) -> (i32, i32, i32) {
    %c0_i32 = arith.constant 0 : i32
    %c0_i32_0 = arith.constant 0 : i32
    %c0_i32_1 = arith.constant 0 : i32
    return %arg0, %c0_i32, %c0_i32_0 : i32, i32, i32
  }
  func.func @transform_19(%arg0: i32) -> (i32, i32, i32) {
    %c0_i32 = arith.constant 0 : i32
    %c0_i32_0 = arith.constant 0 : i32
    %c0_i32_1 = arith.constant 0 : i32
    return %arg0, %c0_i32, %c0_i32_0 : i32, i32, i32
  }
}

module attributes {stable_mosaic.version = 14 : i64} {
  func.func @_readout_body(%arg0: memref<50x128xf32, #tpu.memory_space<vmem>>, %arg1: memref<50x128xf32, #tpu.memory_space<vmem>>, %arg2: memref<128x128xf32, #tpu.memory_space<vmem>>, %arg3: memref<1x128xf32, #tpu.memory_space<vmem>>, %arg4: memref<128x2xf32, #tpu.memory_space<vmem>>, %arg5: memref<1x2xf32, #tpu.memory_space<vmem>>, %arg6: memref<50x2xf32, #tpu.memory_space<vmem>>) attributes {dimension_semantics = [], scalar_prefetch = 0 : i64, scratch_operands = 0 : i64, tpu.core_type = #tpu.core_type<tc>} {
    %get3A = arith.constant 0 : index
    %get3A_0 = arith.constant 0 : index
    %get3A_1 = vector.load %arg0[%get3A, %get3A_0] : memref<50x128xf32, #tpu.memory_space<vmem>>, vector<50x128xf32>
    %get3A_2 = arith.constant 0 : index
    %get3A_3 = arith.constant 0 : index
    %get3A_4 = vector.load %arg1[%get3A_2, %get3A_3] : memref<50x128xf32, #tpu.memory_space<vmem>>, vector<50x128xf32>
    %sub3A = arith.subf %get3A_1, %get3A_4 : vector<50x128xf32>
    %convert_element_type3A = arith.truncf %sub3A : vector<50x128xf32> to vector<50x128xbf16>
    %convert_element_type3A_5 = arith.extf %convert_element_type3A : vector<50x128xbf16> to vector<50x128xf32>
    %get3A_6 = arith.constant 0 : index
    %get3A_7 = arith.constant 0 : index
    %get3A_8 = vector.load %arg2[%get3A_6, %get3A_7] : memref<128x128xf32, #tpu.memory_space<vmem>>, vector<128x128xf32>
    %convert_element_type3A_9 = arith.truncf %get3A_8 : vector<128x128xf32> to vector<128x128xbf16>
    %convert_element_type3A_10 = arith.extf %convert_element_type3A_9 : vector<128x128xbf16> to vector<128x128xf32>
    %dot_general3A = arith.constant dense<0.000000e+00> : vector<50x128xf32>
    %dot_general3A_11 = tpu.matmul %convert_element_type3A_5, %convert_element_type3A_10, %dot_general3A {dimension_numbers = #tpu.dot_dimension_numbers<[1], [0], [0], [1], [0, 0, 1, 1], [], []>, precision = #tpu.contract_precision<fp32>, transpose_lhs_hint = false} : vector<50x128xf32>, vector<128x128xf32>, vector<50x128xf32> -> vector<50x128xf32>
    %get3A_12 = arith.constant 0 : index
    %get3A_13 = arith.constant 0 : index
    %get3A_14 = vector.load %arg3[%get3A_12, %get3A_13] : memref<1x128xf32, #tpu.memory_space<vmem>>, vector<1x128xf32>
    %add3A = vector.broadcast %get3A_14 : vector<1x128xf32> to vector<50x128xf32>
    %add3A_15 = arith.addf %dot_general3A_11, %add3A : vector<50x128xf32>
    %max3A = arith.constant 0.000000e+00 : f32
    %max3A_16 = vector.broadcast %max3A : f32 to vector<50x128xf32>
    %max3A_17 = arith.maximumf %add3A_15, %max3A_16 : vector<50x128xf32>
    %convert_element_type3A_18 = arith.truncf %max3A_17 : vector<50x128xf32> to vector<50x128xbf16>
    %convert_element_type3A_19 = arith.extf %convert_element_type3A_18 : vector<50x128xbf16> to vector<50x128xf32>
    %get3A_20 = arith.constant 0 : index
    %get3A_21 = arith.constant 0 : index
    %get3A_22 = vector.load %arg4[%get3A_20, %get3A_21] : memref<128x2xf32, #tpu.memory_space<vmem>>, vector<128x2xf32>
    %convert_element_type3A_23 = arith.truncf %get3A_22 : vector<128x2xf32> to vector<128x2xbf16>
    %convert_element_type3A_24 = arith.extf %convert_element_type3A_23 : vector<128x2xbf16> to vector<128x2xf32>
    %dot_general3A_25 = arith.constant dense<0.000000e+00> : vector<50x2xf32>
    %dot_general3A_26 = tpu.matmul %convert_element_type3A_19, %convert_element_type3A_24, %dot_general3A_25 {dimension_numbers = #tpu.dot_dimension_numbers<[1], [0], [0], [1], [0, 0, 1, 1], [], []>, precision = #tpu.contract_precision<fp32>, transpose_lhs_hint = false} : vector<50x128xf32>, vector<128x2xf32>, vector<50x2xf32> -> vector<50x2xf32>
    %get3A_27 = arith.constant 0 : index
    %get3A_28 = arith.constant 0 : index
    %get3A_29 = vector.load %arg5[%get3A_27, %get3A_28] : memref<1x2xf32, #tpu.memory_space<vmem>>, vector<1x2xf32>
    %add3A_30 = vector.broadcast %get3A_29 : vector<1x2xf32> to vector<50x2xf32>
    %add3A_31 = arith.addf %dot_general3A_26, %add3A_30 : vector<50x2xf32>
    %reduce_max3A = arith.constant dense<0xFF800000> : vector<50xf32>
    %reduce_max3A_32 = vector.multi_reduction <maximumf>, %add3A_31, %reduce_max3A [1] : vector<50x2xf32> to vector<50xf32>
    %max3A_33 = arith.constant 0xFF800000 : f32
    %max3A_34 = vector.broadcast %max3A_33 : f32 to vector<50xf32>
    %max3A_35 = arith.maximumf %max3A_34, %reduce_max3A_32 : vector<50xf32>
    %broadcast_in_dim3A = vector.shape_cast %max3A_35 : vector<50xf32> to vector<50x1xf32>
    %sub3A_36 = vector.broadcast %broadcast_in_dim3A : vector<50x1xf32> to vector<50x2xf32>
    %sub3A_37 = arith.subf %add3A_31, %sub3A_36 : vector<50x2xf32>
    %exp3A = math.exp %sub3A_37 : vector<50x2xf32>
    %reduce_sum3A = arith.constant dense<0.000000e+00> : vector<50xf32>
    %reduce_sum3A_38 = vector.multi_reduction <add>, %exp3A, %reduce_sum3A [1] : vector<50x2xf32> to vector<50xf32>
    %broadcast_in_dim3A_39 = vector.shape_cast %reduce_sum3A_38 : vector<50xf32> to vector<50x1xf32>
    %div3A = vector.broadcast %broadcast_in_dim3A_39 : vector<50x1xf32> to vector<50x2xf32>
    %div3A_40 = arith.divf %exp3A, %div3A : vector<50x2xf32>
    %swap3A = arith.constant 0 : index
    %swap3A_41 = arith.constant 0 : index
    %swap3A_42 = vector.load %arg6[%swap3A, %swap3A_41] : memref<50x2xf32, #tpu.memory_space<vmem>>, vector<50x2xf32>
    tpu.vector_store %arg6[%swap3A, %swap3A_41], %div3A_40 {strides = array<i32>} : memref<50x2xf32, #tpu.memory_space<vmem>>, vector<50x2xf32>,
    return
  }
}

</mosaic_0001>

<sc_bundles>
// kernel: kernel.14.cloned.1.call-start
scs
__scs_entry_jumppad:
0x0: {  	(pc) =	sbr.rel $0x88, $3  }
0x1: {  	(tag) =	ssettag $0x0;
	lr =	simm.s32 $0x1  }
0x2: {  	[smem:$0x3F8B] =	sst lr;
	_ =	strace $0xD0000000  }
0x3: {  	_ = 	snop  }
0x4: {  	_ = 	snop  }
0x5: {  	_ = 	snop  }
0x6: {  	_ = 	snop  }
0x7: {  	_ = 	snop  }
__scs_overlays_trampoline_lowered:
0x8: {  	[smem:$0x3F9A] =	sst s0  }
0x9: {  	[smem:$0x3F9B] =	sst s1  }
0xa: {  	[smem:$0x3F9C] =	sst s2  }
0xb: {  	[smem:$0x3F9D] =	sst s3  }
0xc: {  	[smem:$0x3F9E] =	sst s4  }
0xd: {  	[smem:$0x3F9F] =	sst s5  }
0xe: {  	[smem:$0x3FA0] =	sst s6  }
0xf: {  	[smem:$0x3FA1] =	sst s7  }
0x10: {  	[smem:$0x3FA2] =	sst s8  }
0x11: {  	[smem:$0x3FA3] =	sst s9;
	s0 =	simm.s32 @!p0 $0x0  }
0x12: {  	s1 =	sld [smem:$0x3F89];
	s0 =	simm.s32 @p0 $0x1  }
0x13: {  	[smem:$0x3FA4] =	sst s0;
	s0 =	simm.s32 @!p1 $0x0  }
0x14: {  	s2 =	sld [smem:$0x3F88];
	s0 =	simm.s32 @p1 $0x1  }
0x15: {  	[smem:$0x3FA5] =	sst s0;
	s0 =	simm.s32 @!p2 $0x0  }
0x16: {  	s3 =	sld [smem:$0x3FDB];
	s0 =	simm.s32 @p2 $0x1  }
0x17: {  	s4 =	simm.s32 $0x1BF5;
	[smem:$0x3FA7] =	sst s0  }
0x18: {  	s0 =	sld [smem:$0x3F8A];
	_ =	swait.ge [sflag:s4], $0x0  }
0x19: {  	s7 =	sld [smem:$0x3F8B]  }
0x1a: {  	s8 =	sadd.s32 $0xFFFFE003, lr  }
0x1b: {  	s9 =	sadd.s32 $0xFFFFFEF7, lr;
	s5 =	simm.s32 $0xFFFFFFFF;
	p2 =	slt.u32 s8, $0xFFFFF086  }
0x1c: {  	p1 =	slt.u32 s9, $0xF7A;
	s5 =	simm.s32 @!p2 $0x0  }
0x1d: {  	s5 =	simm.s32 @p1 $0x1;
	p0 =	seq.s32 s7, s2  }
0x1e: {  	s7 =	smul.u32 @!p0 $0xF7A, s2;
	p2 =	seq.s32 @!p0 s5, $0x0  }
0x1f: {  	s9 =	smul.u32 $0xF7A, s1;
	s8 =	simm.s32 @!p0 $0x1BF5;
	p2 =	por !p2, p0  }
0x20: {  	[sflag:s8] =	ssyncset.s32 @!p0 $0xFFFFF086;
	s6 =	sadd.s32 @!p0 s3, s7;
	s7 =	simm.s32 @!p0 $0x108  }
0x21: {  	s3 =	sadd.s32 s3, s9;
	s6 =	sadd.s32 @!p0 $0x88, s6;
	s7 =	simm.s32 @p2 $0x1082  }
0x22: {  	[simem:s7], [sflag:s8] =	dma.local @!p0 [hbm:s6], $0xF7A  }
0x23: {  	s9 =	sor.u32 $0xD0000000, s2;
	s6 =	simm.s32 $0x108;
	_ =	swait.ge @!p0 [sflag:s8], $0x0  }
0x24: {  	s3 =	sadd.s32 $0x88, s3;
	s6 =	simm.s32 @!p1 $0x1082;
	[sflag:s4] =	ssyncset.s32 $0xFFFFF086  }
0x25: {  	[simem:s6], [sflag:s4] =	dma.local [hbm:s3], $0xF7A  }
0x26: {  	[smem:$0x3F8B] =	sst s1;
	(tag) =	ssettag s2;
	_ =	strace s9  }
0x27: {  	s1 =	sld [smem:$0x3F9B]  }
0x28: {  	s2 =	sld [smem:$0x3F9C]  }
0x29: {  	s4 =	sld [smem:$0x3F9E]  }
0x2a: {  	p0 =	seq.s32 s5, $0x0;
	s5 =	sld [smem:$0x3F9F]  }
0x2b: {  	s6 =	sld [smem:$0x3FA0]  }
0x2c: {  	s7 =	sld [smem:$0x3FA1]  }
0x2d: {  	s3 =	simm.s32 $0x108;
	s8 =	sld [smem:$0x3FA2]  }
0x2e: {  	s3 =	simm.s32 @!p0 $0x1082;
	s9 =	sld [smem:$0x3FA3]  }
0x2f: {  	lr =	sadd.s32 s0, s3;
	s0 =	sld [smem:$0x3F9A]  }
0x30: {  	s3 =	sld [smem:$0x3F9D]  }
0x31: {  	[smem:$0x3FA6] =	sst s10  }
0x32: {  	s10 =	sld [smem:$0x3FA4];
	_ =	sdelay $0x3  }
0x33: {  	p0 =	seq.s32 s10, $0x1;
	s10 =	sld [smem:$0x3FA6];
	_ =	sdelay $0x3  }
0x34: {  	[smem:$0x3FA6] =	sst s10  }
0x35: {  	s10 =	sld [smem:$0x3FA5];
	_ =	sdelay $0x3  }
0x36: {  	p1 =	seq.s32 s10, $0x1;
	s10 =	sld [smem:$0x3FA6];
	_ =	sdelay $0x3  }
0x37: {  	[smem:$0x3FA6] =	sst s10  }
0x38: {  	s10 =	sld [smem:$0x3FA7]  }
0x39: {  	_ = 	snop;
	(pc) =	sbr.ind lr, $3  }
0x3a: {  	_ = 	snop  }
0x3b: {  	_ = 	snop  }
0x3c: {  	p2 =	seq.s32 s10, $0x1;
	s10 =	sld [smem:$0x3FA6]  }
0x3d: {  	_ =	shalt  }
0x3e: {  	_ =	shalt  }
0x3f: {  	_ =	shalt  }
0x40: {  	_ =	shalt  }
0x41: {  	_ =	shalt  }
0x42: {  	_ =	shalt  }
0x43: {  	_ =	shalt  }
0x44: {  	_ =	shalt  }
0x45: {  	_ =	shalt  }
0x46: {  	_ =	shalt  }
0x47: {  	_ =	shalt  }
0x48: {  	_ =	shalt  }
0x49: {  	_ =	shalt  }
0x4a: {  	_ =	shalt  }
0x4b: {  	_ =	shalt  }
0x4c: {  	_ =	shalt  }
0x4d: {  	_ =	shalt  }
0x4e: {  	_ =	shalt  }
0x4f: {  	_ =	shalt  }
0x50: {  	_ =	shalt  }
0x51: {  	_ =	shalt  }
0x52: {  	_ =	shalt  }
0x53: {  	_ =	shalt  }
0x54: {  	_ =	shalt  }
0x55: {  	_ =	shalt  }
0x56: {  	_ =	shalt  }
0x57: {  	_ =	shalt  }
0x58: {  	_ =	shalt  }
0x59: {  	_ =	shalt  }
0x5a: {  	_ =	shalt  }
0x5b: {  	_ =	shalt  }
0x5c: {  	_ =	shalt  }
0x5d: {  	_ =	shalt  }
0x5e: {  	_ =	shalt  }
0x5f: {  	_ =	shalt  }
0x60: {  	_ =	shalt  }
0x61: {  	_ =	shalt  }
0x62: {  	_ =	shalt  }
0x63: {  	_ =	shalt  }
0x64: {  	_ =	shalt  }
0x65: {  	_ =	shalt  }
0x66: {  	_ =	shalt  }
0x67: {  	_ =	shalt  }
0x68: {  	_ =	shalt  }
0x69: {  	_ =	shalt  }
0x6a: {  	_ =	shalt  }
0x6b: {  	_ =	shalt  }
0x6c: {  	_ =	shalt  }
0x6d: {  	_ =	shalt  }
0x6e: {  	_ =	shalt  }
0x6f: {  	_ =	shalt  }
0x70: {  	_ =	shalt  }
0x71: {  	_ =	shalt  }
0x72: {  	_ =	shalt  }
0x73: {  	_ =	shalt  }
0x74: {  	_ =	shalt  }
0x75: {  	_ =	shalt  }
0x76: {  	_ =	shalt  }
0x77: {  	_ =	shalt  }
0x78: {  	_ =	shalt  }
0x79: {  	_ =	shalt  }
0x7a: {  	_ =	shalt  }
0x7b: {  	_ =	shalt  }
0x7c: {  	_ =	shalt  }
0x7d: {  	_ =	shalt  }
0x7e: {  	_ =	shalt  }
0x7f: {  	_ =	shalt  }
0x80: {  	_ =	shalt  }
0x81: {  	_ =	shalt  }
0x82: {  	_ =	shalt  }
0x83: {  	_ =	shalt  }
0x84: {  	_ =	shalt  }
0x85: {  	_ =	shalt  }
0x86: {  	_ =	shalt  }
0x87: {  	_ =	shalt  }
.Lfunc_end0:
.L_simem_size_0:
called_computation_lowered:
.L_overlay_start_0:
0x88: {  	s2 =	sld [smem:$0x3FD9]  }
0x89: {  	s3 =	sld [smem:$0x3FFE];
	_ =	sdelay $0x1  }
0x8a: {  	s1 =	srdreg.scid  }
0x8b: {  	s0 =	sand.u32 $0x1, s1  }
0x8c: {  	s16 =	sshll.u32 s0, $0xA;
	s2 =	sadd.s32 s3, s2  }
0x8d: {  	s2 =	sadd.s32 s2, s16  }
0x8e: {  	[smem:$0x3FB2] =	sst s2  }
0x8f: {  	_ = 	snop  }
0x90: {  	(tm) =	ssettm $0x1  }
0x91: {  	s17 =	sld [smem:$0x3FFB];
	_ =	sdelay $0x3  }
0x92: {  	_ =	strace s17  }
0x93: {  	s2 =	sld [smem:$0x3FFC];
	_ =	sdelay $0x3  }
0x94: {  	_ =	strace s2  }
0x95: {  	s2 =	sld [smem:$0x3FFD];
	_ =	sdelay $0x3  }
0x96: {  	_ =	strace s2  }
0x97: {  	_ =	strace $0x8FFFFFFF  }
0x98: {  	s18 =	sld [smem:$0x3FDB];
	_ =	sdelay $0x1  }
0x99: {  	s19 =	simm.s32 $_scs_section_size  }
0x9a: {  	s4 =	simm.s32 $_size__tile_overlayer_lowered;
	s5 =	simm.s32 $_tile_overlayer_lowered  }
0x9b: {  	s22 =	simm.s32 $0x1BFF;
	s21 =	sshll.u32 s5, $0x1;
	s2 =	sadd.s32 s19, s18  }
0x9c: {  	s6 =	simm.s32 $0x0;
	s20 =	sshll.u32 s4, $0x1;
	s4 =	sadd.s32 s21, s2  }
0x9d: {  	[timem:s6], [sflag:s22] =	dma.local [hbm:s4], s20  }
0x9e: {  	_ =	swait.ge [sflag:s22], s20  }
0x9f: {  	s3 =	ssub.s32 $0x0, s20;
	[sflag:s22] =	ssyncset.done $0x0  }
0xa0: {  	[sflag:s22] =	ssyncadd.s32 s3;
	_ =	sdelay $0x1  }
0xa1: {  	s23 =	simm.s32 $0x1B8B  }
0xa2: {  	_ =	swait.ge [sflag:s23], $0x1  }
0xa3: {  	[sflag:s23] =	ssyncset.done $0x0  }
0xa4: {  	s25 =	simm.s32 $0x1B8E;
	s24 =	sld [smem:$0x3FFE];
	[sflag:s23] =	ssyncadd.s32 $0xFFFFFFFF  }
0xa5: {  	s26 =	simm.s32 $execute0_lowered;
	[smem:$0x3FD2] =	sst s25  }
0xa6: {  	s4 =	sshll.u32 s26, $0x1;
	_ =	strace $0x80000046;
	[dreg:$0x1] =	wrdreg $0xFFFFFFFF  }
0xa7: {  	s28 =	simm.s32 $_size_execute0_lowered;
	s2 =	sadd.s32 s2, s4;
	[dreg:$0x0] =	wrdreg $0x0  }
0xa8: {  	s4 =	sshll.u32 s28, $0x1;
	[dreg:$0x2] =	wrdreg s2  }
0xa9: {  	[dreg:$0x3] =	wrdreg s4  }
0xaa: {  	[dreg:$0x4] =	wrdreg $0xC0  }
0xab: {  	_ =	task [dreg:s6], $0x5FFFF  }
0xac: {  	[dreg:$0x1] =	wrdreg $0xFFFFFFFF  }
0xad: {  	[dreg:$0x0] =	wrdreg $0x60  }
0xae: {  	[dreg:$0x2] =	wrdreg s24  }
0xaf: {  	[dreg:$0x3] =	wrdreg $0x68000  }
0xb0: {  	[dreg:$0x4] =	wrdreg $0x9  }
0xb1: {  	_ =	task.clear_ibuf [dreg:s6], $0x5FFFF;
	_ =	strace $0x90000046  }
0xb2: {  	s29 =	simm.s32 $0x9;
	_ =	strace $0x80000048  }
0xb3: {  	_ =	swait.ge [sflag:s29], $0x1  }
0xb4: {  	[sflag:s29] =	ssyncadd.s32 $0xFFFFFFFF  }
0xb5: {  	_ =	strace $0x90000048  }
0xb6: {  	_ =	sfence  }
0xb7: {  	s30 =	sld [smem:$0x0];
	_ =	sdelay $0x2  }
0xb8: {  	s31 =	sshll.u32 s1, $0xD;
	s1 =	sshrl.u32 s1, $0x2  }
0xb9: {  	s3 =	sand.u32 $0x4000, s31;
	s1 =	sadd.s32 s1, s30  }
0xba: {  	s0 =	sor.u32 s3, s0;
	s1 =	sshll.u32 s1, $0x11  }
0xbb: {  	s0 =	sor.u32 s1, s0  }
0xbc: {  	s0 =	sadd.s32 $0x8F2B, s0  }
0xbd: {  	[sflag:s0] =	ssyncadd.remote.s32 $0x1  }
0xbe: {  	_ =	sfence.sel $0xFFFF  }
0xbf: {  	[dreg:$0x0] =	wrdreg $0xFFFFFFFF;
	(pc) =	sbr.abs _section_cstart, $3  }
0xc0: {  	[dreg:$0x1] =	wrdreg $0xFFFFFFFF  }
0xc1: {  	_ =	task.clear_ibuf [dreg:s6], $0x2FFFF;
	_ =	strace $0x9FFFFFFF  }
0xc2: {  	(tm) =	ssettm $0x7FFFFFFF  }
0xc3: {  	_ =	shalt  }
tec
execute0_lowered:
.L_overlay_start_1:
0x0: {  	(tag) =	ssettag $0x1  }
0x1: {  	s4 =	rddreg [dreg:$0x0]  }
0x2: {  	s0 =	srdreg.scid;
	s2 =	rddreg [dreg:$0x1]  }
0x3: {  	s1 =	rddreg [dreg:$0x2];
	s13 =	simm.s32 $0x2800;
	s5 =	sand.u32 $0x1, s0  }
0x4: {  	s14 =	simm.s32 $0x1;
	s0 =	stileid.u32;
	s6 =	smul.u32 $0x13C0000, s5  }
0x5: {  	s15 =	simm.s32 $0x80;
	s18 =	simm.s32 $0x0;
	s7 =	smul.u32 $0x13C000, s0  }
0x6: {  	s11 =	sadd.s32 $0x3F600, s4;
	s16 =	sadd.s32 $0x128400, s2;
	s23 =	smul.u32 $0x13C00, s0  }
0x7: {  	s3 =	sshll.u32 s5, $0x4;
	s9 =	smul.u32 $0x4F000, s0;
	s26 =	ssub.s32 $0x2, s5  }
0x8: {  	s5 =	smul.u32 $0x138800, s5;
	s28 =	sshll.u32 s0, $0x6;
	p0 =	seq.s32 s0, $0xF  }
0x9: {  	s8 =	sor.u32 s0, s3;
	s3 =	simm.s32 $0x0;
	s12 =	sshrl.u32 s26, $0x1  }
0xa: {  	s16 =	sshrl.u32 @p0 s16, $0x3;
	s6 =	sadd.s32 s7, s6;
	s22 =	smul.u32 $0x500, s8  }
0xb: {  	[smem:$0x7FF] =	sst s3;
	s25 =	sshrl.u32 s23, $0x3;
	s9 =	sshrl.u32 s9, $0x2  }
0xc: {  	s12 =	ssub.s32 s26, s12;
	s8 =	sadd.s32 s23, s5;
	s29 =	sshrl.u32 s5, $0x3  }
0xd: {  	s5 =	sor.u32 $0x1C02, s28;
	s6 =	sshrl.u32 s6, $0x3;
	_ =	strace $0x80000047  }
0xe: {  	s7 =	sadd.s32 s25, s4;
	s17 =	sadd.s32 s9, s2;
	s30 =	sshrl.u32 s8, $0x3  }
0xf: {  	s31 =	sadd.s32 s11, s29;
	s9 =	smax.u32 s12, $0x1;
	s12 =	simm.s32 $0x2  }
0x10: {  	s10 =	sadd.s32 s6, s4;
	s24 =	sadd.s32 s22, s4;
	s4 =	sadd.s32 $0x17E00, s7  }
0x11: {  	s7 =	sadd.s32 s11, s30;
	s8 =	sadd.s32 $0x25080, s31;
	s11 =	sshrl.u32 s17, $0x3  }
0x12: {  	s17 =	sshrl.u32 @!p0 s17, $0x3;
	s6 =	sadd.s32 $0x3E00, s24;
	s10 =	sadd.s32 $0x9D5E00, s10  }
.LBB2_1:
0x13: {  	[spmem:s11], [sflag:s5] =	dma.local [hbm:s4], $0x2780  }
0x14: {  	_ =	swait.ge [sflag:s12], $0x2780  }
0x15: {  	[sflag:s12] =	ssyncset.done $0x0  }
0x16: {  	[sflag:s12] =	ssyncadd.s32 $0xFFFFD880  }
0x17: {  	[tilespmem:s3], [sflag:$0x2] =	stream.linear.gather [hbm4b:s6+s3], $0x2780, $0x38;
	[tilespmem:$0x1A400] =	vst v63  }
0x18: {  	_ =	swait.ge [sflag:s12], $0x2780  }
0x19: {  	[sflag:s12] =	ssyncset.done $0x0  }
0x1a: {  	[sflag:s12] =	ssyncadd.s32 $0xFFFFD880  }
0x1b: {  	[bflag:$0x0] =	sbarrier.arrive $0xFFFF  }
0x1c: {  	[tilespmem:s13], [sflag:$0x1] =	stream.linear.gather [hbm4b:s10+s3], $0x4000, $0x38;
	[tilespmem:$0x1A400] =	vst v63  }
0x1d: {  	_ =	swait.ge [sflag:s14], $0x4000  }
0x1e: {  	[sflag:s14] =	ssyncset.done $0x0  }
0x1f: {  	s19 =	simm.s32 $0x0;
	[sflag:s14] =	ssyncadd.s32 $0xFFFFC000  }
0x20: {  	[spmem:s2] =	stream.indirect.scatter.add.f32 [tilespmem:s13], [sflag:$0x2], $0x80, s19, s15, $0xb8;
	[tilespmem:$0x1A400] =	vst v63  }
0x21: {  	_ =	swait.ge [sflag:s12], $0x4000  }
0x22: {  	s20 =	smov.u32 s10;
	s19 =	simm.s32 $0x200;
	[sflag:s12] =	ssyncset.done $0x0  }
.LBB2_2:
0x23: {  	p1 =	sne.s32 s19, $0x9C00;
	[sflag:s12] =	ssyncadd.s32 $0xFFFFC000;
	s20 =	sadd.s32 $0x800, s20  }
0x24: {  	[tilespmem:s13], [sflag:$0x1] =	stream.linear.gather [hbm4b:s20+s3], $0x4000, $0x38;
	[tilespmem:$0x1A400] =	vst v63  }
0x25: {  	s21 =	smov.u32 s19;
	s19 =	sadd.s32 $0x200, s19;
	_ =	swait.ge [sflag:s14], $0x4000  }
.Ltmp0:
0x26: {  	[sflag:s14] =	ssyncset.done $0x0;
	(pc) =	sbr.rel @p1 .LBB2_2-.Ltmp0, $4  }
0x27: {  	s21 =	sshra.s32 s21, $0x2;
	[sflag:s14] =	ssyncadd.s32 $0xFFFFC000  }
0x28: {  	[spmem:s2] =	stream.indirect.scatter.add.f32 [tilespmem:s13], [sflag:$0x2], $0x80, s21, s15, $0xb8;
	[tilespmem:$0x1A400] =	vst v63  }
0x29: {  	_ =	swait.ge [sflag:s12], $0x4000  }
0x2a: {  	[sflag:s12] =	ssyncset.done $0x0  }
0x2b: {  	[sflag:s12] =	ssyncadd.s32 $0xFFFFC000  }
0x2c: {  	s19 =	simm.s32 @p0 $0x2;
	[bflag:$0x0] =	sbarrier.arrive $0xFFFF  }
0x2d: {  	[hbm:s8], [sflag:s5] =	dma.local @p0 [spmem:s16], $0x2080  }
0x2e: {  	s18 =	sadd.s32 $0x1, s18;
	_ =	swait.ge @p0 [sflag:s19], $0x2080  }
0x2f: {  	p1 =	sne.s32 s18, s9;
	[sflag:s19] =	ssyncset.done @p0 $0x0  }
.Ltmp1:
0x30: {  	[sflag:s19] =	ssyncadd.s32 @p0 $0xFFFFDF80;
	s19 =	simm.s32 @!p0 $0x2;
	(pc) =	sbr.rel @p1 .LBB2_1-.Ltmp1, $4  }
0x31: {  	[hbm:s7], [sflag:s5] =	dma.local @!p0 [spmem:s17], $0x2780  }
0x32: {  	_ =	swait.ge @!p0 [sflag:s19], $0x2780  }
0x33: {  	[sflag:s19] =	ssyncset.done @!p0 $0x0  }
0x34: {  	[sflag:s19] =	ssyncadd.s32 @!p0 $0xFFFFD880  }
0x35: {  	_ =	sfence.sel $0x180000  }
0x36: {  	[bflag:$0x0] =	sbarrier.arrive $0xFFFF  }
0x37: {  	p0 =	sne.s32 s0, $0x0;
	_ =	strace $0x90000047  }
0x38: {  	s0 =	sadd.s32 @!p0 $0x100000, s1;
	[bflag:$0x2] =	sbarrier.arrive $0xFFFF  }
0x39: {  	[sflag:s0] =	ssyncadd.tile.s32 @!p0 $0x1;
	_ =	shalt  }
.Lfunc_end2:
_tile_overlayer_lowered:
.L_overlay_start_2:
0x3a: {  	(tag) =	ssettag $0x2  }
0x3b: {  	s0 =	rddreg [dreg:$0x0];
	s2 =	stileid.u32  }
0x3c: {  	s1 =	rddreg [dreg:$0x1];
	p0 =	sne.s32 s2, $0x0  }
0x3d: {  	s3 =	rddreg [dreg:$0x2];
	[bflag:$0x3] =	sbarrier.arrive $0xFFFF;
	s2 =	simm.s32 @!p0 $0x1C02  }
0x3e: {  	[timem:s3], [sflag:s2] =	dma.local @!p0 [hbm:s0], s1  }
0x3f: {  	s0 =	simm.s32 @!p0 $0x2  }
0x40: {  	_ =	swait.ge @!p0 [sflag:s0], s1  }
0x41: {  	s1 =	ssub.s32 @!p0 $0x0, s1;
	[sflag:s0] =	ssyncset.done @!p0 $0x0  }
0x42: {  	[sflag:s0] =	ssyncadd.s32 @!p0 s1  }
0x43: {  	[bflag:$0x3] =	sbarrier.arrive $0xFFFF  }
0x44: {  	_ =	shalt  }

// kernel: kernel.17.cloned.1.call-start
scs
__scs_entry_jumppad:
0x0: {  	(pc) =	sbr.rel $0x88, $3  }
0x1: {  	(tag) =	ssettag $0x0;
	lr =	simm.s32 $0x1  }
0x2: {  	[smem:$0x3F8B] =	sst lr;
	_ =	strace $0xD0000000  }
0x3: {  	_ = 	snop  }
0x4: {  	_ = 	snop  }
0x5: {  	_ = 	snop  }
0x6: {  	_ = 	snop  }
0x7: {  	_ = 	snop  }
__scs_overlays_trampoline_lowered:
0x8: {  	[smem:$0x3F9A] =	sst s0  }
0x9: {  	[smem:$0x3F9B] =	sst s1  }
0xa: {  	[smem:$0x3F9C] =	sst s2  }
0xb: {  	[smem:$0x3F9D] =	sst s3  }
0xc: {  	[smem:$0x3F9E] =	sst s4  }
0xd: {  	[smem:$0x3F9F] =	sst s5  }
0xe: {  	[smem:$0x3FA0] =	sst s6  }
0xf: {  	[smem:$0x3FA1] =	sst s7  }
0x10: {  	[smem:$0x3FA2] =	sst s8  }
0x11: {  	[smem:$0x3FA3] =	sst s9;
	s0 =	simm.s32 @!p0 $0x0  }
0x12: {  	s1 =	sld [smem:$0x3F89];
	s0 =	simm.s32 @p0 $0x1  }
0x13: {  	[smem:$0x3FA4] =	sst s0;
	s0 =	simm.s32 @!p1 $0x0  }
0x14: {  	s2 =	sld [smem:$0x3F88];
	s0 =	simm.s32 @p1 $0x1  }
0x15: {  	[smem:$0x3FA5] =	sst s0;
	s0 =	simm.s32 @!p2 $0x0  }
0x16: {  	s3 =	sld [smem:$0x3FDB];
	s0 =	simm.s32 @p2 $0x1  }
0x17: {  	s4 =	simm.s32 $0x1BF5;
	[smem:$0x3FA7] =	sst s0  }
0x18: {  	s0 =	sld [smem:$0x3F8A];
	_ =	swait.ge [sflag:s4], $0x0  }
0x19: {  	s7 =	sld [smem:$0x3F8B]  }
0x1a: {  	s8 =	sadd.s32 $0xFFFFE003, lr  }
0x1b: {  	s9 =	sadd.s32 $0xFFFFFEF7, lr;
	s5 =	simm.s32 $0xFFFFFFFF;
	p2 =	slt.u32 s8, $0xFFFFF086  }
0x1c: {  	p1 =	slt.u32 s9, $0xF7A;
	s5 =	simm.s32 @!p2 $0x0  }
0x1d: {  	s5 =	simm.s32 @p1 $0x1;
	p0 =	seq.s32 s7, s2  }
0x1e: {  	s7 =	smul.u32 @!p0 $0xF7A, s2;
	p2 =	seq.s32 @!p0 s5, $0x0  }
0x1f: {  	s9 =	smul.u32 $0xF7A, s1;
	s8 =	simm.s32 @!p0 $0x1BF5;
	p2 =	por !p2, p0  }
0x20: {  	[sflag:s8] =	ssyncset.s32 @!p0 $0xFFFFF086;
	s6 =	sadd.s32 @!p0 s3, s7;
	s7 =	simm.s32 @!p0 $0x108  }
0x21: {  	s3 =	sadd.s32 s3, s9;
	s6 =	sadd.s32 @!p0 $0x88, s6;
	s7 =	simm.s32 @p2 $0x1082  }
0x22: {  	[simem:s7], [sflag:s8] =	dma.local @!p0 [hbm:s6], $0xF7A  }
0x23: {  	s9 =	sor.u32 $0xD0000000, s2;
	s6 =	simm.s32 $0x108;
	_ =	swait.ge @!p0 [sflag:s8], $0x0  }
0x24: {  	s3 =	sadd.s32 $0x88, s3;
	s6 =	simm.s32 @!p1 $0x1082;
	[sflag:s4] =	ssyncset.s32 $0xFFFFF086  }
0x25: {  	[simem:s6], [sflag:s4] =	dma.local [hbm:s3], $0xF7A  }
0x26: {  	[smem:$0x3F8B] =	sst s1;
	(tag) =	ssettag s2;
	_ =	strace s9  }
0x27: {  	s1 =	sld [smem:$0x3F9B]  }
0x28: {  	s2 =	sld [smem:$0x3F9C]  }
0x29: {  	s4 =	sld [smem:$0x3F9E]  }
0x2a: {  	p0 =	seq.s32 s5, $0x0;
	s5 =	sld [smem:$0x3F9F]  }
0x2b: {  	s6 =	sld [smem:$0x3FA0]  }
0x2c: {  	s7 =	sld [smem:$0x3FA1]  }
0x2d: {  	s3 =	simm.s32 $0x108;
	s8 =	sld [smem:$0x3FA2]  }
0x2e: {  	s3 =	simm.s32 @!p0 $0x1082;
	s9 =	sld [smem:$0x3FA3]  }
0x2f: {  	lr =	sadd.s32 s0, s3;
	s0 =	sld [smem:$0x3F9A]  }
0x30: {  	s3 =	sld [smem:$0x3F9D]  }
0x31: {  	[smem:$0x3FA6] =	sst s10  }
0x32: {  	s10 =	sld [smem:$0x3FA4];
	_ =	sdelay $0x3  }
0x33: {  	p0 =	seq.s32 s10, $0x1;
	s10 =	sld [smem:$0x3FA6];
	_ =	sdelay $0x3  }
0x34: {  	[smem:$0x3FA6] =	sst s10  }
0x35: {  	s10 =	sld [smem:$0x3FA5];
	_ =	sdelay $0x3  }
0x36: {  	p1 =	seq.s32 s10, $0x1;
	s10 =	sld [smem:$0x3FA6];
	_ =	sdelay $0x3  }
0x37: {  	[smem:$0x3FA6] =	sst s10  }
0x38: {  	s10 =	sld [smem:$0x3FA7]  }
0x39: {  	_ = 	snop;
	(pc) =	sbr.ind lr, $3  }
0x3a: {  	_ = 	snop  }
0x3b: {  	_ = 	snop  }
0x3c: {  	p2 =	seq.s32 s10, $0x1;
	s10 =	sld [smem:$0x3FA6]  }
0x3d: {  	_ =	shalt  }
0x3e: {  	_ =	shalt  }
0x3f: {  	_ =	shalt  }
0x40: {  	_ =	shalt  }
0x41: {  	_ =	shalt  }
0x42: {  	_ =	shalt  }
0x43: {  	_ =	shalt  }
0x44: {  	_ =	shalt  }
0x45: {  	_ =	shalt  }
0x46: {  	_ =	shalt  }
0x47: {  	_ =	shalt  }
0x48: {  	_ =	shalt  }
0x49: {  	_ =	shalt  }
0x4a: {  	_ =	shalt  }
0x4b: {  	_ =	shalt  }
0x4c: {  	_ =	shalt  }
0x4d: {  	_ =	shalt  }
0x4e: {  	_ =	shalt  }
0x4f: {  	_ =	shalt  }
0x50: {  	_ =	shalt  }
0x51: {  	_ =	shalt  }
0x52: {  	_ =	shalt  }
0x53: {  	_ =	shalt  }
0x54: {  	_ =	shalt  }
0x55: {  	_ =	shalt  }
0x56: {  	_ =	shalt  }
0x57: {  	_ =	shalt  }
0x58: {  	_ =	shalt  }
0x59: {  	_ =	shalt  }
0x5a: {  	_ =	shalt  }
0x5b: {  	_ =	shalt  }
0x5c: {  	_ =	shalt  }
0x5d: {  	_ =	shalt  }
0x5e: {  	_ =	shalt  }
0x5f: {  	_ =	shalt  }
0x60: {  	_ =	shalt  }
0x61: {  	_ =	shalt  }
0x62: {  	_ =	shalt  }
0x63: {  	_ =	shalt  }
0x64: {  	_ =	shalt  }
0x65: {  	_ =	shalt  }
0x66: {  	_ =	shalt  }
0x67: {  	_ =	shalt  }
0x68: {  	_ =	shalt  }
0x69: {  	_ =	shalt  }
0x6a: {  	_ =	shalt  }
0x6b: {  	_ =	shalt  }
0x6c: {  	_ =	shalt  }
0x6d: {  	_ =	shalt  }
0x6e: {  	_ =	shalt  }
0x6f: {  	_ =	shalt  }
0x70: {  	_ =	shalt  }
0x71: {  	_ =	shalt  }
0x72: {  	_ =	shalt  }
0x73: {  	_ =	shalt  }
0x74: {  	_ =	shalt  }
0x75: {  	_ =	shalt  }
0x76: {  	_ =	shalt  }
0x77: {  	_ =	shalt  }
0x78: {  	_ =	shalt  }
0x79: {  	_ =	shalt  }
0x7a: {  	_ =	shalt  }
0x7b: {  	_ =	shalt  }
0x7c: {  	_ =	shalt  }
0x7d: {  	_ =	shalt  }
0x7e: {  	_ =	shalt  }
0x7f: {  	_ =	shalt  }
0x80: {  	_ =	shalt  }
0x81: {  	_ =	shalt  }
0x82: {  	_ =	shalt  }
0x83: {  	_ =	shalt  }
0x84: {  	_ =	shalt  }
0x85: {  	_ =	shalt  }
0x86: {  	_ =	shalt  }
0x87: {  	_ =	shalt  }
.Lfunc_end0:
.L_simem_size_0:
called_computation.1_lowered:
.L_overlay_start_0:
0x88: {  	s2 =	sld [smem:$0x3FD9]  }
0x89: {  	s3 =	sld [smem:$0x3FFE];
	_ =	sdelay $0x1  }
0x8a: {  	s1 =	srdreg.scid  }
0x8b: {  	s0 =	sand.u32 $0x1, s1  }
0x8c: {  	s15 =	sshll.u32 s0, $0xA;
	s2 =	sadd.s32 s3, s2  }
0x8d: {  	s2 =	sadd.s32 s2, s15  }
0x8e: {  	[smem:$0x3FB2] =	sst s2  }
0x8f: {  	_ = 	snop  }
0x90: {  	s2 =	sld [smem:$0x3FD0];
	_ =	sdelay $0x2  }
0x91: {  	s16 =	simm.s32 $0xB;
	s4 =	simm.s32 $0x10  }
0x92: {  	[smem:s4], [sflag:s16] =	dma.local [hbm:s2], $0x1  }
0x93: {  	_ =	swait.eq [sflag:s16], $0x1  }
0x94: {  	[sflag:s16] =	ssyncset.done $0x0  }
0x95: {  	[sflag:s16] =	ssyncadd.s32 $0xFFFFFFFF  }
0x96: {  	s17 =	sld [smem:$0x11];
	(tm) =	ssettm $0x1  }
0x97: {  	s18 =	sld [smem:$0x3FFB];
	_ =	sdelay $0x3  }
0x98: {  	_ =	strace s18  }
0x99: {  	s2 =	sld [smem:$0x3FFC];
	_ =	sdelay $0x3  }
0x9a: {  	_ =	strace s2  }
0x9b: {  	s2 =	sld [smem:$0x3FFD];
	_ =	sdelay $0x3  }
0x9c: {  	_ =	strace s2  }
0x9d: {  	_ =	strace $0x8FFFFFFF  }
0x9e: {  	s19 =	sld [smem:$0x3FDB];
	_ =	sdelay $0x1  }
0x9f: {  	s20 =	simm.s32 $_scs_section_size  }
0xa0: {  	s5 =	simm.s32 $_size__tile_overlayer_lowered;
	s6 =	simm.s32 $_tile_overlayer_lowered  }
0xa1: {  	s7 =	simm.s32 $0x1BFF;
	s21 =	sshll.u32 s6, $0x1;
	s4 =	sadd.s32 s20, s19  }
0xa2: {  	s22 =	simm.s32 $0x0;
	s5 =	sshll.u32 s5, $0x1;
	s6 =	sadd.s32 s21, s4  }
0xa3: {  	[timem:s22], [sflag:s7] =	dma.local [hbm:s6], s5  }
0xa4: {  	_ =	swait.ge [sflag:s7], s5  }
0xa5: {  	s5 =	ssub.s32 $0x0, s5;
	[sflag:s7] =	ssyncset.done $0x0  }
0xa6: {  	[sflag:s7] =	ssyncadd.s32 s5;
	_ =	sdelay $0x1  }
0xa7: {  	s23 =	simm.s32 $0x1B8B  }
0xa8: {  	_ =	swait.ge [sflag:s23], $0x1  }
0xa9: {  	[sflag:s23] =	ssyncset.done $0x0  }
0xaa: {  	[sflag:s23] =	ssyncadd.s32 $0xFFFFFFFF  }
0xab: {  	s5 =	sld [smem:$0x0]  }
0xac: {  	s6 =	sand.u32 $0xFFFFFFFE, s1  }
0xad: {  	p0 =	sne.s32 s1, s6  }
0xae: {  	s6 =	sshll.u32 @p0 s6, $0xE  }
0xaf: {  	s6 =	sadd.s32 @p0 $0x11B8D, s6;
	s7 =	sshll.u32 @p0 s5, $0x11  }
0xb0: {  	s6 =	sor.u32 @p0 s7, s6  }
0xb1: {  	[sflag:s6] =	ssyncadd.remote.s32 @p0 $0x1;
	_ =	sdelay $0x1  }
0xb2: {  	s6 =	simm.s32 @p0 $0x1B8D  }
0xb3: {  	_ =	swait.eq @p0 [sflag:s6], $0x1  }
0xb4: {  	[sflag:s6] =	ssyncadd.s32 @p0 $0xFFFFFFFF  }
0xb5: {  	s7 =	sshll.u32 @!p0 s1, $0xE  }
0xb6: {  	s7 =	sor.u32 @!p0 $0x4000, s7;
	s6 =	simm.s32 @!p0 $0x1B8D  }
0xb7: {  	s5 =	sshll.u32 @!p0 s5, $0x11;
	s7 =	sadd.s32 @!p0 $0x11B8D, s7;
	_ =	swait.eq @!p0 [sflag:s6], $0x1  }
0xb8: {  	s5 =	sor.u32 @!p0 s5, s7;
	[sflag:s6] =	ssyncadd.s32 @!p0 $0xFFFFFFFF  }
0xb9: {  	s25 =	simm.s32 $0x1B8E;
	s24 =	sld [smem:$0x3FFE];
	[sflag:s5] =	ssyncadd.remote.s32 @!p0 $0x1  }
0xba: {  	s26 =	simm.s32 $execute0_lowered;
	[smem:$0x3FD2] =	sst s25  }
0xbb: {  	s6 =	sshll.u32 s26, $0x1;
	_ =	strace $0x80000049;
	[dreg:$0x1] =	wrdreg $0xFFFFFFFF  }
0xbc: {  	s28 =	simm.s32 $_size_execute0_lowered;
	s4 =	sadd.s32 s4, s6;
	[dreg:$0x0] =	wrdreg $0x0  }
0xbd: {  	s6 =	sshll.u32 s28, $0x1;
	[dreg:$0x2] =	wrdreg s4  }
0xbe: {  	[dreg:$0x3] =	wrdreg s6  }
0xbf: {  	[dreg:$0x4] =	wrdreg $0xC0  }
0xc0: {  	_ =	task [dreg:s22], $0x5FFFF  }
0xc1: {  	[dreg:$0x1] =	wrdreg $0xFFFFFFFF  }
0xc2: {  	[dreg:$0x0] =	wrdreg $0x60  }
0xc3: {  	[dreg:$0x2] =	wrdreg s17  }
0xc4: {  	[dreg:$0x3] =	wrdreg s24  }
0xc5: {  	[dreg:$0x4] =	wrdreg $0x90000  }
0xc6: {  	[dreg:$0x5] =	wrdreg $0xA  }
0xc7: {  	_ =	task.clear_ibuf [dreg:s22], $0x6FFFF;
	_ =	strace $0x90000049  }
0xc8: {  	s29 =	simm.s32 $0xA;
	_ =	strace $0x8000004B  }
0xc9: {  	_ =	swait.ge [sflag:s29], $0x1  }
0xca: {  	[sflag:s29] =	ssyncadd.s32 $0xFFFFFFFF  }
0xcb: {  	_ =	strace $0x9000004B  }
0xcc: {  	_ =	sfence  }
0xcd: {  	s30 =	sld [smem:$0x0];
	_ =	sdelay $0x2  }
0xce: {  	s31 =	sshll.u32 s1, $0xD;
	s1 =	sshrl.u32 s1, $0x2  }
0xcf: {  	s4 =	sand.u32 $0x4000, s31;
	s1 =	sadd.s32 s1, s30  }
0xd0: {  	s0 =	sor.u32 s4, s0;
	s1 =	sshll.u32 s1, $0x11  }
0xd1: {  	s0 =	sor.u32 s1, s0  }
0xd2: {  	s0 =	sadd.s32 $0x8F2B, s0  }
0xd3: {  	[sflag:s0] =	ssyncadd.remote.s32 $0x1  }
0xd4: {  	_ =	sfence.sel $0xFFFF  }
0xd5: {  	[dreg:$0x0] =	wrdreg $0xFFFFFFFF;
	(pc) =	sbr.abs _section_cstart, $3  }
0xd6: {  	[dreg:$0x1] =	wrdreg $0xFFFFFFFF  }
0xd7: {  	_ =	task.clear_ibuf [dreg:s22], $0x2FFFF;
	_ =	strace $0x9FFFFFFF  }
0xd8: {  	(tm) =	ssettm $0x7FFFFFFF  }
0xd9: {  	_ =	shalt  }
tec
execute0_lowered:
.L_overlay_start_1:
0x0: {  	(tag) =	ssettag $0x1  }
0x1: {  	s1 =	rddreg [dreg:$0x0]  }
0x2: {  	s0 =	srdreg.scid;
	s6 =	rddreg [dreg:$0x1]  }
0x3: {  	s3 =	rddreg [dreg:$0x2];
	s4 =	simm.s32 $0x0;
	s14 =	simm.s32 $0x2800  }
0x4: {  	s15 =	simm.s32 $0x80;
	s16 =	simm.s32 $0x5000;
	s17 =	simm.s32 $0x1  }
0x5: {  	s20 =	simm.s32 $0x0;
	s5 =	sand.u32 $0x1, s0;
	s0 =	stileid.u32  }
0x6: {  	[smem:$0x7FF] =	sst s4;
	s12 =	sadd.s32 $0x8D800, s6;
	s8 =	smul.u32 $0x13C00, s0  }
0x7: {  	s18 =	sadd.s32 $0x128400, s3;
	s2 =	sshll.u32 s5, $0x4;
	s11 =	smul.u32 $0x4F000, s0  }
0x8: {  	s10 =	ssub.s32 $0x2, s5;
	s29 =	smul.u32 $0x138800, s5;
	s30 =	sshll.u32 s0, $0x6  }
0x9: {  	p0 =	seq.s32 s0, $0xF;
	s7 =	sor.u32 s0, s2;
	s2 =	rddreg [dreg:$0x3]  }
0xa: {  	_ =	strace $0x8000004A;
	s26 =	sshrl.u32 s10, $0x1;
	s18 =	sshrl.u32 @p0 s18, $0x3  }
0xb: {  	s7 =	smul.u32 $0x500, s7;
	s25 =	sshrl.u32 s8, $0x3;
	s13 =	ssub.s32 s10, s26  }
0xc: {  	s28 =	sshrl.u32 s11, $0x2;
	s8 =	sadd.s32 s8, s29;
	s10 =	sshrl.u32 s29, $0x3  }
0xd: {  	s19 =	sadd.s32 s28, s3;
	s31 =	sshrl.u32 s8, $0x3;
	s10 =	sadd.s32 s12, s10  }
0xe: {  	s11 =	smax.u32 s13, $0x1;
	s13 =	simm.s32 $0x2;
	s9 =	sadd.s32 s7, s6  }
0xf: {  	s7 =	sadd.s32 s25, s6;
	s6 =	sor.u32 $0x1C02, s30;
	s10 =	sadd.s32 $0x25080, s10  }
0x10: {  	s5 =	sadd.s32 $0x17E00, s7;
	s7 =	sadd.s32 $0xDE00, s9;
	s8 =	sadd.s32 $0x3E00, s9  }
0x11: {  	s9 =	sadd.s32 s12, s31;
	s12 =	sshrl.u32 s19, $0x3;
	s19 =	sshrl.u32 @!p0 s19, $0x3  }
.LBB2_1:
0x12: {  	[spmem:s12], [sflag:s6] =	dma.local [hbm:s5], $0x2780  }
0x13: {  	_ =	swait.ge [sflag:s13], $0x2780  }
0x14: {  	[sflag:s13] =	ssyncset.done $0x0  }
0x15: {  	[sflag:s13] =	ssyncadd.s32 $0xFFFFD880  }
0x16: {  	[tilespmem:s4], [sflag:$0x2] =	stream.linear.gather [hbm4b:s7+s4], $0x2780, $0x38;
	[tilespmem:$0x1CC00] =	vst v63  }
0x17: {  	_ =	swait.ge [sflag:s13], $0x2780  }
0x18: {  	[sflag:s13] =	ssyncset.done $0x0  }
0x19: {  	[sflag:s13] =	ssyncadd.s32 $0xFFFFD880  }
0x1a: {  	[tilespmem:s14], [sflag:$0x2] =	stream.linear.gather [hbm4b:s8+s4], $0x2780, $0x38;
	[tilespmem:$0x1CC00] =	vst v63  }
0x1b: {  	_ =	swait.ge [sflag:s13], $0x2780  }
0x1c: {  	[sflag:s13] =	ssyncset.done $0x0  }
0x1d: {  	[sflag:s13] =	ssyncadd.s32 $0xFFFFD880  }
0x1e: {  	s21 =	simm.s32 $0x0;
	[bflag:$0x0] =	sbarrier.arrive $0xFFFF  }
0x1f: {  	[tilespmem:s16], [sflag:$0x1] =	stream.indirect.gather [hbm4b:s1+s15], $0x80, s21, s15, $0xb8;
	[tilespmem:$0x1CC00] =	vst v63  }
0x20: {  	_ =	swait.ge [sflag:s17], $0x4000  }
0x21: {  	[sflag:s17] =	ssyncset.done $0x0  }
0x22: {  	s31 =	simm.s32 $0x2800;
	[sflag:s17] =	ssyncadd.s32 $0xFFFFC000  }
0x23: {  	[spmem:s3] =	stream.indirect.scatter.add.f32 [tilespmem:s16], [sflag:$0x2], $0x80, s31, s15, $0xb8;
	[tilespmem:$0x1CC00] =	vst v63  }
0x24: {  	_ =	swait.ge [sflag:s13], $0x4000  }
0x25: {  	s22 =	simm.s32 $0x400;
	s21 =	simm.s32 $0x200;
	[sflag:s13] =	ssyncset.done $0x0  }
.LBB2_2:
0x26: {  	s23 =	sshra.s32 s21, $0x2  }
0x27: {  	[sflag:s13] =	ssyncadd.s32 $0xFFFFC000;
	s21 =	smov.u32 s22;
	s24 =	sadd.s32 $0x200, s22  }
0x28: {  	[tilespmem:s16], [sflag:$0x1] =	stream.indirect.gather [hbm4b:s1+s15], $0x80, s23, s15, $0xb8;
	[tilespmem:$0x1CC00] =	vst v63  }
0x29: {  	p1 =	sne.s32 s22, $0x9C00;
	_ =	swait.ge [sflag:s17], $0x4000  }
.Ltmp0:
0x2a: {  	[sflag:s17] =	ssyncset.done $0x0;
	(pc) =	sbr.rel @p1 .LBB2_2-.Ltmp0, $4  }
0x2b: {  	s22 =	sadd.s32 $0x2800, s23;
	[sflag:s17] =	ssyncadd.s32 $0xFFFFC000  }
0x2c: {  	[spmem:s3] =	stream.indirect.scatter.add.f32 [tilespmem:s16], [sflag:$0x2], $0x80, s22, s15, $0xb8;
	[tilespmem:$0x1CC00] =	vst v63  }
0x2d: {  	_ =	swait.ge [sflag:s13], $0x4000  }
0x2e: {  	s22 =	smov.u32 s24;
	[sflag:s13] =	ssyncset.done $0x0  }
0x2f: {  	s21 =	sshra.s32 s21, $0x2;
	[sflag:s13] =	ssyncadd.s32 $0xFFFFC000  }
0x30: {  	[tilespmem:s16], [sflag:$0x1] =	stream.indirect.gather [hbm4b:s1+s15], $0x80, s21, s15, $0xb8;
	[tilespmem:$0x1CC00] =	vst v63  }
0x31: {  	_ =	swait.ge [sflag:s17], $0x4000  }
0x32: {  	[sflag:s17] =	ssyncset.done $0x0  }
0x33: {  	s21 =	sadd.s32 $0x2800, s21;
	[sflag:s17] =	ssyncadd.s32 $0xFFFFC000  }
0x34: {  	[spmem:s3] =	stream.indirect.scatter.add.f32 [tilespmem:s16], [sflag:$0x2], $0x80, s21, s15, $0xb8;
	[tilespmem:$0x1CC00] =	vst v63  }
0x35: {  	_ =	swait.ge [sflag:s13], $0x4000  }
0x36: {  	[sflag:s13] =	ssyncset.done $0x0  }
0x37: {  	[sflag:s13] =	ssyncadd.s32 $0xFFFFC000  }
0x38: {  	s21 =	simm.s32 @p0 $0x2;
	[bflag:$0x0] =	sbarrier.arrive $0xFFFF  }
0x39: {  	[hbm:s10], [sflag:s6] =	dma.local @p0 [spmem:s18], $0x2080  }
0x3a: {  	s20 =	sadd.s32 $0x1, s20;
	_ =	swait.ge @p0 [sflag:s21], $0x2080  }
0x3b: {  	p1 =	sne.s32 s20, s11;
	[sflag:s21] =	ssyncset.done @p0 $0x0  }
.Ltmp1:
0x3c: {  	[sflag:s21] =	ssyncadd.s32 @p0 $0xFFFFDF80;
	s21 =	simm.s32 @!p0 $0x2;
	(pc) =	sbr.rel @p1 .LBB2_1-.Ltmp1, $4  }
0x3d: {  	[hbm:s9], [sflag:s6] =	dma.local @!p0 [spmem:s19], $0x2780  }
0x3e: {  	_ =	swait.ge @!p0 [sflag:s21], $0x2780  }
0x3f: {  	[sflag:s21] =	ssyncset.done @!p0 $0x0  }
0x40: {  	[sflag:s21] =	ssyncadd.s32 @!p0 $0xFFFFD880  }
0x41: {  	_ =	sfence.sel $0x180000  }
0x42: {  	[bflag:$0x0] =	sbarrier.arrive $0xFFFF  }
0x43: {  	p0 =	sne.s32 s0, $0x0;
	_ =	strace $0x9000004A  }
0x44: {  	s0 =	sadd.s32 @!p0 $0x100000, s2;
	[bflag:$0x2] =	sbarrier.arrive $0xFFFF  }
0x45: {  	[sflag:s0] =	ssyncadd.tile.s32 @!p0 $0x1;
	_ =	shalt  }
.Lfunc_end2:
_tile_overlayer_lowered:
.L_overlay_start_2:
0x46: {  	(tag) =	ssettag $0x2  }
0x47: {  	s0 =	rddreg [dreg:$0x0];
	s2 =	stileid.u32  }
0x48: {  	s1 =	rddreg [dreg:$0x1];
	p0 =	sne.s32 s2, $0x0  }
0x49: {  	s3 =	rddreg [dreg:$0x2];
	[bflag:$0x3] =	sbarrier.arrive $0xFFFF;
	s2 =	simm.s32 @!p0 $0x1C02  }
0x4a: {  	[timem:s3], [sflag:s2] =	dma.local @!p0 [hbm:s0], s1  }
0x4b: {  	s0 =	simm.s32 @!p0 $0x2  }
0x4c: {  	_ =	swait.ge @!p0 [sflag:s0], s1  }
0x4d: {  	s1 =	ssub.s32 @!p0 $0x0, s1;
	[sflag:s0] =	ssyncset.done @!p0 $0x0  }
0x4e: {  	[sflag:s0] =	ssyncadd.s32 @!p0 s1  }
0x4f: {  	[bflag:$0x3] =	sbarrier.arrive $0xFFFF  }
0x50: {  	_ =	shalt  }

// kernel: kernel.20.cloned.1.call-start
scs
__scs_entry_jumppad:
0x0: {  	(pc) =	sbr.rel $0x88, $3  }
0x1: {  	(tag) =	ssettag $0x0;
	lr =	simm.s32 $0x1  }
0x2: {  	[smem:$0x3F8B] =	sst lr;
	_ =	strace $0xD0000000  }
0x3: {  	_ = 	snop  }
0x4: {  	_ = 	snop  }
0x5: {  	_ = 	snop  }
0x6: {  	_ = 	snop  }
0x7: {  	_ = 	snop  }
__scs_overlays_trampoline_lowered:
0x8: {  	[smem:$0x3F9A] =	sst s0  }
0x9: {  	[smem:$0x3F9B] =	sst s1  }
0xa: {  	[smem:$0x3F9C] =	sst s2  }
0xb: {  	[smem:$0x3F9D] =	sst s3  }
0xc: {  	[smem:$0x3F9E] =	sst s4  }
0xd: {  	[smem:$0x3F9F] =	sst s5  }
0xe: {  	[smem:$0x3FA0] =	sst s6  }
0xf: {  	[smem:$0x3FA1] =	sst s7  }
0x10: {  	[smem:$0x3FA2] =	sst s8  }
0x11: {  	[smem:$0x3FA3] =	sst s9;
	s0 =	simm.s32 @!p0 $0x0  }
0x12: {  	s1 =	sld [smem:$0x3F89];
	s0 =	simm.s32 @p0 $0x1  }
0x13: {  	[smem:$0x3FA4] =	sst s0;
	s0 =	simm.s32 @!p1 $0x0  }
0x14: {  	s2 =	sld [smem:$0x3F88];
	s0 =	simm.s32 @p1 $0x1  }
0x15: {  	[smem:$0x3FA5] =	sst s0;
	s0 =	simm.s32 @!p2 $0x0  }
0x16: {  	s3 =	sld [smem:$0x3FDB];
	s0 =	simm.s32 @p2 $0x1  }
0x17: {  	s4 =	simm.s32 $0x1BF5;
	[smem:$0x3FA7] =	sst s0  }
0x18: {  	s0 =	sld [smem:$0x3F8A];
	_ =	swait.ge [sflag:s4], $0x0  }
0x19: {  	s7 =	sld [smem:$0x3F8B]  }
0x1a: {  	s8 =	sadd.s32 $0xFFFFE003, lr  }
0x1b: {  	s9 =	sadd.s32 $0xFFFFFEF7, lr;
	s5 =	simm.s32 $0xFFFFFFFF;
	p2 =	slt.u32 s8, $0xFFFFF086  }
0x1c: {  	p1 =	slt.u32 s9, $0xF7A;
	s5 =	simm.s32 @!p2 $0x0  }
0x1d: {  	s5 =	simm.s32 @p1 $0x1;
	p0 =	seq.s32 s7, s2  }
0x1e: {  	s7 =	smul.u32 @!p0 $0xF7A, s2;
	p2 =	seq.s32 @!p0 s5, $0x0  }
0x1f: {  	s9 =	smul.u32 $0xF7A, s1;
	s8 =	simm.s32 @!p0 $0x1BF5;
	p2 =	por !p2, p0  }
0x20: {  	[sflag:s8] =	ssyncset.s32 @!p0 $0xFFFFF086;
	s6 =	sadd.s32 @!p0 s3, s7;
	s7 =	simm.s32 @!p0 $0x108  }
0x21: {  	s3 =	sadd.s32 s3, s9;
	s6 =	sadd.s32 @!p0 $0x88, s6;
	s7 =	simm.s32 @p2 $0x1082  }
0x22: {  	[simem:s7], [sflag:s8] =	dma.local @!p0 [hbm:s6], $0xF7A  }
0x23: {  	s9 =	sor.u32 $0xD0000000, s2;
	s6 =	simm.s32 $0x108;
	_ =	swait.ge @!p0 [sflag:s8], $0x0  }
0x24: {  	s3 =	sadd.s32 $0x88, s3;
	s6 =	simm.s32 @!p1 $0x1082;
	[sflag:s4] =	ssyncset.s32 $0xFFFFF086  }
0x25: {  	[simem:s6], [sflag:s4] =	dma.local [hbm:s3], $0xF7A  }
0x26: {  	[smem:$0x3F8B] =	sst s1;
	(tag) =	ssettag s2;
	_ =	strace s9  }
0x27: {  	s1 =	sld [smem:$0x3F9B]  }
0x28: {  	s2 =	sld [smem:$0x3F9C]  }
0x29: {  	s4 =	sld [smem:$0x3F9E]  }
0x2a: {  	p0 =	seq.s32 s5, $0x0;
	s5 =	sld [smem:$0x3F9F]  }
0x2b: {  	s6 =	sld [smem:$0x3FA0]  }
0x2c: {  	s7 =	sld [smem:$0x3FA1]  }
0x2d: {  	s3 =	simm.s32 $0x108;
	s8 =	sld [smem:$0x3FA2]  }
0x2e: {  	s3 =	simm.s32 @!p0 $0x1082;
	s9 =	sld [smem:$0x3FA3]  }
0x2f: {  	lr =	sadd.s32 s0, s3;
	s0 =	sld [smem:$0x3F9A]  }
0x30: {  	s3 =	sld [smem:$0x3F9D]  }
0x31: {  	[smem:$0x3FA6] =	sst s10  }
0x32: {  	s10 =	sld [smem:$0x3FA4];
	_ =	sdelay $0x3  }
0x33: {  	p0 =	seq.s32 s10, $0x1;
	s10 =	sld [smem:$0x3FA6];
	_ =	sdelay $0x3  }
0x34: {  	[smem:$0x3FA6] =	sst s10  }
0x35: {  	s10 =	sld [smem:$0x3FA5];
	_ =	sdelay $0x3  }
0x36: {  	p1 =	seq.s32 s10, $0x1;
	s10 =	sld [smem:$0x3FA6];
	_ =	sdelay $0x3  }
0x37: {  	[smem:$0x3FA6] =	sst s10  }
0x38: {  	s10 =	sld [smem:$0x3FA7]  }
0x39: {  	_ = 	snop;
	(pc) =	sbr.ind lr, $3  }
0x3a: {  	_ = 	snop  }
0x3b: {  	_ = 	snop  }
0x3c: {  	p2 =	seq.s32 s10, $0x1;
	s10 =	sld [smem:$0x3FA6]  }
0x3d: {  	_ =	shalt  }
0x3e: {  	_ =	shalt  }
0x3f: {  	_ =	shalt  }
0x40: {  	_ =	shalt  }
0x41: {  	_ =	shalt  }
0x42: {  	_ =	shalt  }
0x43: {  	_ =	shalt  }
0x44: {  	_ =	shalt  }
0x45: {  	_ =	shalt  }
0x46: {  	_ =	shalt  }
0x47: {  	_ =	shalt  }
0x48: {  	_ =	shalt  }
0x49: {  	_ =	shalt  }
0x4a: {  	_ =	shalt  }
0x4b: {  	_ =	shalt  }
0x4c: {  	_ =	shalt  }
0x4d: {  	_ =	shalt  }
0x4e: {  	_ =	shalt  }
0x4f: {  	_ =	shalt  }
0x50: {  	_ =	shalt  }
0x51: {  	_ =	shalt  }
0x52: {  	_ =	shalt  }
0x53: {  	_ =	shalt  }
0x54: {  	_ =	shalt  }
0x55: {  	_ =	shalt  }
0x56: {  	_ =	shalt  }
0x57: {  	_ =	shalt  }
0x58: {  	_ =	shalt  }
0x59: {  	_ =	shalt  }
0x5a: {  	_ =	shalt  }
0x5b: {  	_ =	shalt  }
0x5c: {  	_ =	shalt  }
0x5d: {  	_ =	shalt  }
0x5e: {  	_ =	shalt  }
0x5f: {  	_ =	shalt  }
0x60: {  	_ =	shalt  }
0x61: {  	_ =	shalt  }
0x62: {  	_ =	shalt  }
0x63: {  	_ =	shalt  }
0x64: {  	_ =	shalt  }
0x65: {  	_ =	shalt  }
0x66: {  	_ =	shalt  }
0x67: {  	_ =	shalt  }
0x68: {  	_ =	shalt  }
0x69: {  	_ =	shalt  }
0x6a: {  	_ =	shalt  }
0x6b: {  	_ =	shalt  }
0x6c: {  	_ =	shalt  }
0x6d: {  	_ =	shalt  }
0x6e: {  	_ =	shalt  }
0x6f: {  	_ =	shalt  }
0x70: {  	_ =	shalt  }
0x71: {  	_ =	shalt  }
0x72: {  	_ =	shalt  }
0x73: {  	_ =	shalt  }
0x74: {  	_ =	shalt  }
0x75: {  	_ =	shalt  }
0x76: {  	_ =	shalt  }
0x77: {  	_ =	shalt  }
0x78: {  	_ =	shalt  }
0x79: {  	_ =	shalt  }
0x7a: {  	_ =	shalt  }
0x7b: {  	_ =	shalt  }
0x7c: {  	_ =	shalt  }
0x7d: {  	_ =	shalt  }
0x7e: {  	_ =	shalt  }
0x7f: {  	_ =	shalt  }
0x80: {  	_ =	shalt  }
0x81: {  	_ =	shalt  }
0x82: {  	_ =	shalt  }
0x83: {  	_ =	shalt  }
0x84: {  	_ =	shalt  }
0x85: {  	_ =	shalt  }
0x86: {  	_ =	shalt  }
0x87: {  	_ =	shalt  }
.Lfunc_end0:
.L_simem_size_0:
called_computation.2_lowered:
.L_overlay_start_0:
0x88: {  	s2 =	sld [smem:$0x3FD9]  }
0x89: {  	s3 =	sld [smem:$0x3FFE];
	_ =	sdelay $0x1  }
0x8a: {  	s1 =	srdreg.scid  }
0x8b: {  	s0 =	sand.u32 $0x1, s1  }
0x8c: {  	s14 =	sshll.u32 s0, $0xA;
	s2 =	sadd.s32 s3, s2  }
0x8d: {  	s2 =	sadd.s32 s2, s14  }
0x8e: {  	[smem:$0x3FB2] =	sst s2  }
0x8f: {  	_ = 	snop  }
0x90: {  	s2 =	sld [smem:$0x3FD0];
	_ =	sdelay $0x2  }
0x91: {  	s15 =	simm.s32 $0xB;
	s4 =	simm.s32 $0x10  }
0x92: {  	[smem:s4], [sflag:s15] =	dma.local [hbm:s2], $0x1  }
0x93: {  	_ =	swait.eq [sflag:s15], $0x1  }
0x94: {  	[sflag:s15] =	ssyncset.done $0x0  }
0x95: {  	[sflag:s15] =	ssyncadd.s32 $0xFFFFFFFF  }
0x96: {  	s16 =	sld [smem:$0x11];
	(tm) =	ssettm $0x1  }
0x97: {  	s17 =	sld [smem:$0x3FFB];
	_ =	sdelay $0x3  }
0x98: {  	_ =	strace s17  }
0x99: {  	s3 =	sld [smem:$0x3FFC];
	_ =	sdelay $0x3  }
0x9a: {  	_ =	strace s3  }
0x9b: {  	s3 =	sld [smem:$0x3FFD];
	_ =	sdelay $0x3  }
0x9c: {  	_ =	strace s3  }
0x9d: {  	_ =	strace $0x8FFFFFFF  }
0x9e: {  	s18 =	sld [smem:$0x3FDB];
	_ =	sdelay $0x1  }
0x9f: {  	s19 =	simm.s32 $_scs_section_size  }
0xa0: {  	s5 =	simm.s32 $_size__tile_overlayer_lowered;
	s6 =	simm.s32 $_tile_overlayer_lowered  }
0xa1: {  	s22 =	simm.s32 $0x1BFF;
	s21 =	sshll.u32 s6, $0x1;
	s3 =	sadd.s32 s19, s18  }
0xa2: {  	s7 =	simm.s32 $0x0;
	s20 =	sshll.u32 s5, $0x1;
	s5 =	sadd.s32 s21, s3  }
0xa3: {  	[timem:s7], [sflag:s22] =	dma.local [hbm:s5], s20  }
0xa4: {  	_ =	swait.ge [sflag:s22], s20  }
0xa5: {  	s4 =	ssub.s32 $0x0, s20;
	[sflag:s22] =	ssyncset.done $0x0  }
0xa6: {  	[sflag:s22] =	ssyncadd.s32 s4;
	_ =	sdelay $0x1  }
0xa7: {  	s23 =	simm.s32 $0x1B8B  }
0xa8: {  	_ =	swait.ge [sflag:s23], $0x1  }
0xa9: {  	[sflag:s23] =	ssyncset.done $0x0  }
0xaa: {  	s25 =	simm.s32 $0x1B8E;
	s24 =	sld [smem:$0x3FFE];
	[sflag:s23] =	ssyncadd.s32 $0xFFFFFFFF  }
0xab: {  	s26 =	simm.s32 $execute0_lowered;
	[smem:$0x3FD2] =	sst s25  }
0xac: {  	s5 =	sshll.u32 s26, $0x1;
	_ =	strace $0x8000004C;
	[dreg:$0x1] =	wrdreg $0xFFFFFFFF  }
0xad: {  	s28 =	simm.s32 $_size_execute0_lowered;
	s3 =	sadd.s32 s3, s5;
	[dreg:$0x0] =	wrdreg $0x0  }
0xae: {  	s5 =	sshll.u32 s28, $0x1;
	[dreg:$0x2] =	wrdreg s3  }
0xaf: {  	[dreg:$0x3] =	wrdreg s5  }
0xb0: {  	[dreg:$0x4] =	wrdreg $0xC0  }
0xb1: {  	_ =	task [dreg:s7], $0x5FFFF  }
0xb2: {  	[dreg:$0x1] =	wrdreg $0xFFFFFFFF  }
0xb3: {  	[dreg:$0x0] =	wrdreg $0x60  }
0xb4: {  	[dreg:$0x2] =	wrdreg s16  }
0xb5: {  	[dreg:$0x3] =	wrdreg s24  }
0xb6: {  	[dreg:$0x4] =	wrdreg $0x90000  }
0xb7: {  	[dreg:$0x5] =	wrdreg $0x9  }
0xb8: {  	_ =	task.clear_ibuf [dreg:s7], $0x6FFFF;
	_ =	strace $0x9000004C  }
0xb9: {  	s29 =	simm.s32 $0x9;
	_ =	strace $0x8000004E  }
0xba: {  	_ =	swait.ge [sflag:s29], $0x1  }
0xbb: {  	[sflag:s29] =	ssyncadd.s32 $0xFFFFFFFF  }
0xbc: {  	_ =	strace $0x9000004E  }
0xbd: {  	_ =	sfence  }
0xbe: {  	s30 =	sld [smem:$0x0];
	_ =	sdelay $0x2  }
0xbf: {  	s31 =	sshll.u32 s1, $0xD;
	s1 =	sshrl.u32 s1, $0x2  }
0xc0: {  	s3 =	sand.u32 $0x4000, s31;
	s1 =	sadd.s32 s1, s30  }
0xc1: {  	s0 =	sor.u32 s3, s0;
	s1 =	sshll.u32 s1, $0x11  }
0xc2: {  	s0 =	sor.u32 s1, s0  }
0xc3: {  	s0 =	sadd.s32 $0x8F2B, s0  }
0xc4: {  	[sflag:s0] =	ssyncadd.remote.s32 $0x1  }
0xc5: {  	_ =	sfence.sel $0xFFFF  }
0xc6: {  	[dreg:$0x0] =	wrdreg $0xFFFFFFFF;
	(pc) =	sbr.abs _section_cstart, $3  }
0xc7: {  	[dreg:$0x1] =	wrdreg $0xFFFFFFFF  }
0xc8: {  	_ =	task.clear_ibuf [dreg:s7], $0x2FFFF;
	_ =	strace $0x9FFFFFFF  }
0xc9: {  	(tm) =	ssettm $0x7FFFFFFF  }
tec
execute0_lowered:
.L_overlay_start_1:
0x0: {  	(tag) =	ssettag $0x1  }
0x1: {  	s1 =	rddreg [dreg:$0x0]  }
0x2: {  	s0 =	srdreg.scid;
	s6 =	rddreg [dreg:$0x1]  }
0x3: {  	s3 =	rddreg [dreg:$0x2];
	s4 =	simm.s32 $0x0;
	s14 =	simm.s32 $0x2800  }
0x4: {  	s15 =	simm.s32 $0x80;
	s16 =	simm.s32 $0x5000;
	s17 =	simm.s32 $0x1  }
0x5: {  	s20 =	simm.s32 $0x0;
	s5 =	sand.u32 $0x1, s0;
	s0 =	stileid.u32  }
0x6: {  	[smem:$0x7FF] =	sst s4;
	s12 =	sadd.s32 $0x3F600, s6;
	s8 =	smul.u32 $0x13C00, s0  }
0x7: {  	s18 =	sadd.s32 $0x128400, s3;
	s2 =	sshll.u32 s5, $0x4;
	s11 =	smul.u32 $0x4F000, s0  }
0x8: {  	s10 =	ssub.s32 $0x2, s5;
	s29 =	smul.u32 $0x138800, s5;
	s30 =	sshll.u32 s0, $0x6  }
0x9: {  	p0 =	seq.s32 s0, $0xF;
	s7 =	sor.u32 s0, s2;
	s2 =	rddreg [dreg:$0x3]  }
0xa: {  	_ =	strace $0x8000004D;
	s26 =	sshrl.u32 s10, $0x1;
	s18 =	sshrl.u32 @p0 s18, $0x3  }
0xb: {  	s7 =	smul.u32 $0x500, s7;
	s25 =	sshrl.u32 s8, $0x3;
	s13 =	ssub.s32 s10, s26  }
0xc: {  	s28 =	sshrl.u32 s11, $0x2;
	s8 =	sadd.s32 s8, s29;
	s10 =	sshrl.u32 s29, $0x3  }
0xd: {  	s19 =	sadd.s32 s28, s3;
	s31 =	sshrl.u32 s8, $0x3;
	s10 =	sadd.s32 s12, s10  }
0xe: {  	s11 =	smax.u32 s13, $0x1;
	s13 =	simm.s32 $0x2;
	s9 =	sadd.s32 s7, s6  }
0xf: {  	s7 =	sadd.s32 s25, s6;
	s6 =	sor.u32 $0x1C02, s30;
	s10 =	sadd.s32 $0x25080, s10  }
0x10: {  	s5 =	sadd.s32 $0x17E00, s7;
	s7 =	sadd.s32 $0xDE00, s9;
	s8 =	sadd.s32 $0x3E00, s9  }
0x11: {  	s9 =	sadd.s32 s12, s31;
	s12 =	sshrl.u32 s19, $0x3;
	s19 =	sshrl.u32 @!p0 s19, $0x3  }
.LBB2_1:
0x12: {  	[spmem:s12], [sflag:s6] =	dma.local [hbm:s5], $0x2780  }
0x13: {  	_ =	swait.ge [sflag:s13], $0x2780  }
0x14: {  	[sflag:s13] =	ssyncset.done $0x0  }
0x15: {  	[sflag:s13] =	ssyncadd.s32 $0xFFFFD880  }
0x16: {  	[tilespmem:s4], [sflag:$0x2] =	stream.linear.gather [hbm4b:s7+s4], $0x2780, $0x38;
	[tilespmem:$0x1CC00] =	vst v63  }
0x17: {  	_ =	swait.ge [sflag:s13], $0x2780  }
0x18: {  	[sflag:s13] =	ssyncset.done $0x0  }
0x19: {  	[sflag:s13] =	ssyncadd.s32 $0xFFFFD880  }
0x1a: {  	[tilespmem:s14], [sflag:$0x2] =	stream.linear.gather [hbm4b:s8+s4], $0x2780, $0x38;
	[tilespmem:$0x1CC00] =	vst v63  }
0x1b: {  	_ =	swait.ge [sflag:s13], $0x2780  }
0x1c: {  	[sflag:s13] =	ssyncset.done $0x0  }
0x1d: {  	[sflag:s13] =	ssyncadd.s32 $0xFFFFD880  }
0x1e: {  	s21 =	simm.s32 $0x0;
	[bflag:$0x0] =	sbarrier.arrive $0xFFFF  }
0x1f: {  	[tilespmem:s16], [sflag:$0x1] =	stream.indirect.gather [hbm4b:s1+s15], $0x80, s21, s15, $0xb8;
	[tilespmem:$0x1CC00] =	vst v63  }
0x20: {  	_ =	swait.ge [sflag:s17], $0x4000  }
0x21: {  	[sflag:s17] =	ssyncset.done $0x0  }
0x22: {  	s31 =	simm.s32 $0x2800;
	[sflag:s17] =	ssyncadd.s32 $0xFFFFC000  }
0x23: {  	[spmem:s3] =	stream.indirect.scatter.add.f32 [tilespmem:s16], [sflag:$0x2], $0x80, s31, s15, $0xb8;
	[tilespmem:$0x1CC00] =	vst v63  }
0x24: {  	_ =	swait.ge [sflag:s13], $0x4000  }
0x25: {  	s22 =	simm.s32 $0x400;
	s21 =	simm.s32 $0x200;
	[sflag:s13] =	ssyncset.done $0x0  }
.LBB2_2:
0x26: {  	s23 =	sshra.s32 s21, $0x2  }
0x27: {  	[sflag:s13] =	ssyncadd.s32 $0xFFFFC000;
	s21 =	smov.u32 s22;
	s24 =	sadd.s32 $0x200, s22  }
0x28: {  	[tilespmem:s16], [sflag:$0x1] =	stream.indirect.gather [hbm4b:s1+s15], $0x80, s23, s15, $0xb8;
	[tilespmem:$0x1CC00] =	vst v63  }
0x29: {  	p1 =	sne.s32 s22, $0x9C00;
	_ =	swait.ge [sflag:s17], $0x4000  }
.Ltmp0:
0x2a: {  	[sflag:s17] =	ssyncset.done $0x0;
	(pc) =	sbr.rel @p1 .LBB2_2-.Ltmp0, $4  }
0x2b: {  	s22 =	sadd.s32 $0x2800, s23;
	[sflag:s17] =	ssyncadd.s32 $0xFFFFC000  }
0x2c: {  	[spmem:s3] =	stream.indirect.scatter.add.f32 [tilespmem:s16], [sflag:$0x2], $0x80, s22, s15, $0xb8;
	[tilespmem:$0x1CC00] =	vst v63  }
0x2d: {  	_ =	swait.ge [sflag:s13], $0x4000  }
0x2e: {  	s22 =	smov.u32 s24;
	[sflag:s13] =	ssyncset.done $0x0  }
0x2f: {  	s21 =	sshra.s32 s21, $0x2;
	[sflag:s13] =	ssyncadd.s32 $0xFFFFC000  }
0x30: {  	[tilespmem:s16], [sflag:$0x1] =	stream.indirect.gather [hbm4b:s1+s15], $0x80, s21, s15, $0xb8;
	[tilespmem:$0x1CC00] =	vst v63  }
0x31: {  	_ =	swait.ge [sflag:s17], $0x4000  }
0x32: {  	[sflag:s17] =	ssyncset.done $0x0  }
0x33: {  	s21 =	sadd.s32 $0x2800, s21;
	[sflag:s17] =	ssyncadd.s32 $0xFFFFC000  }
0x34: {  	[spmem:s3] =	stream.indirect.scatter.add.f32 [tilespmem:s16], [sflag:$0x2], $0x80, s21, s15, $0xb8;
	[tilespmem:$0x1CC00] =	vst v63  }
0x35: {  	_ =	swait.ge [sflag:s13], $0x4000  }
0x36: {  	[sflag:s13] =	ssyncset.done $0x0  }
0x37: {  	[sflag:s13] =	ssyncadd.s32 $0xFFFFC000  }
0x38: {  	s21 =	simm.s32 @p0 $0x2;
	[bflag:$0x0] =	sbarrier.arrive $0xFFFF  }
0x39: {  	[hbm:s10], [sflag:s6] =	dma.local @p0 [spmem:s18], $0x2080  }
0x3a: {  	s20 =	sadd.s32 $0x1, s20;
	_ =	swait.ge @p0 [sflag:s21], $0x2080  }
0x3b: {  	p1 =	sne.s32 s20, s11;
	[sflag:s21] =	ssyncset.done @p0 $0x0  }
.Ltmp1:
0x3c: {  	[sflag:s21] =	ssyncadd.s32 @p0 $0xFFFFDF80;
	s21 =	simm.s32 @!p0 $0x2;
	(pc) =	sbr.rel @p1 .LBB2_1-.Ltmp1, $4  }
0x3d: {  	[hbm:s9], [sflag:s6] =	dma.local @!p0 [spmem:s19], $0x2780  }
0x3e: {  	_ =	swait.ge @!p0 [sflag:s21], $0x2780  }
0x3f: {  	[sflag:s21] =	ssyncset.done @!p0 $0x0  }
0x40: {  	[sflag:s21] =	ssyncadd.s32 @!p0 $0xFFFFD880  }
0x41: {  	_ =	sfence.sel $0x180000  }
0x42: {  	[bflag:$0x0] =	sbarrier.arrive $0xFFFF  }
0x43: {  	p0 =	sne.s32 s0, $0x0;
	_ =	strace $0x9000004D  }
0x44: {  	s0 =	sadd.s32 @!p0 $0x100000, s2;
	[bflag:$0x2] =	sbarrier.arrive $0xFFFF  }
0x45: {  	[sflag:s0] =	ssyncadd.tile.s32 @!p0 $0x1;
	_ =	shalt  }
.Lfunc_end2:
_tile_overlayer_lowered:
.L_overlay_start_2:
0x46: {  	(tag) =	ssettag $0x2  }
0x47: {  	s0 =	rddreg [dreg:$0x0];
	s2 =	stileid.u32  }
0x48: {  	s1 =	rddreg [dreg:$0x1];
	p0 =	sne.s32 s2, $0x0  }
0x49: {  	s3 =	rddreg [dreg:$0x2];
	[bflag:$0x3] =	sbarrier.arrive $0xFFFF;
	s2 =	simm.s32 @!p0 $0x1C02  }
0x4a: {  	[timem:s3], [sflag:s2] =	dma.local @!p0 [hbm:s0], s1  }
0x4b: {  	s0 =	simm.s32 @!p0 $0x2  }
0x4c: {  	_ =	swait.ge @!p0 [sflag:s0], s1  }
0x4d: {  	s1 =	ssub.s32 @!p0 $0x0, s1;
	[sflag:s0] =	ssyncset.done @!p0 $0x0  }
0x4e: {  	[sflag:s0] =	ssyncadd.s32 @!p0 s1  }
0x4f: {  	[bflag:$0x3] =	sbarrier.arrive $0xFFFF  }
0x50: {  	_ =	shalt  }

// kernel: kernel.23.cloned.1.call-start
scs
__scs_entry_jumppad:
0x0: {  	(pc) =	sbr.rel $0x88, $3  }
0x1: {  	(tag) =	ssettag $0x0;
	lr =	simm.s32 $0x1  }
0x2: {  	[smem:$0x3F8B] =	sst lr;
	_ =	strace $0xD0000000  }
0x3: {  	_ = 	snop  }
0x4: {  	_ = 	snop  }
0x5: {  	_ = 	snop  }
0x6: {  	_ = 	snop  }
0x7: {  	_ = 	snop  }
__scs_overlays_trampoline_lowered:
0x8: {  	[smem:$0x3F9A] =	sst s0  }
0x9: {  	[smem:$0x3F9B] =	sst s1  }
0xa: {  	[smem:$0x3F9C] =	sst s2  }
0xb: {  	[smem:$0x3F9D] =	sst s3  }
0xc: {  	[smem:$0x3F9E] =	sst s4  }
0xd: {  	[smem:$0x3F9F] =	sst s5  }
0xe: {  	[smem:$0x3FA0] =	sst s6  }
0xf: {  	[smem:$0x3FA1] =	sst s7  }
0x10: {  	[smem:$0x3FA2] =	sst s8  }
0x11: {  	[smem:$0x3FA3] =	sst s9;
	s0 =	simm.s32 @!p0 $0x0  }
0x12: {  	s1 =	sld [smem:$0x3F89];
	s0 =	simm.s32 @p0 $0x1  }
0x13: {  	[smem:$0x3FA4] =	sst s0;
	s0 =	simm.s32 @!p1 $0x0  }
0x14: {  	s2 =	sld [smem:$0x3F88];
	s0 =	simm.s32 @p1 $0x1  }
0x15: {  	[smem:$0x3FA5] =	sst s0;
	s0 =	simm.s32 @!p2 $0x0  }
0x16: {  	s3 =	sld [smem:$0x3FDB];
	s0 =	simm.s32 @p2 $0x1  }
0x17: {  	s4 =	simm.s32 $0x1BF5;
	[smem:$0x3FA7] =	sst s0  }
0x18: {  	s0 =	sld [smem:$0x3F8A];
	_ =	swait.ge [sflag:s4], $0x0  }
0x19: {  	s7 =	sld [smem:$0x3F8B]  }
0x1a: {  	s8 =	sadd.s32 $0xFFFFE003, lr  }
0x1b: {  	s9 =	sadd.s32 $0xFFFFFEF7, lr;
	s5 =	simm.s32 $0xFFFFFFFF;
	p2 =	slt.u32 s8, $0xFFFFF086  }
0x1c: {  	p1 =	slt.u32 s9, $0xF7A;
	s5 =	simm.s32 @!p2 $0x0  }
0x1d: {  	s5 =	simm.s32 @p1 $0x1;
	p0 =	seq.s32 s7, s2  }
0x1e: {  	s7 =	smul.u32 @!p0 $0xF7A, s2;
	p2 =	seq.s32 @!p0 s5, $0x0  }
0x1f: {  	s9 =	smul.u32 $0xF7A, s1;
	s8 =	simm.s32 @!p0 $0x1BF5;
	p2 =	por !p2, p0  }
0x20: {  	[sflag:s8] =	ssyncset.s32 @!p0 $0xFFFFF086;
	s6 =	sadd.s32 @!p0 s3, s7;
	s7 =	simm.s32 @!p0 $0x108  }
0x21: {  	s3 =	sadd.s32 s3, s9;
	s6 =	sadd.s32 @!p0 $0x88, s6;
	s7 =	simm.s32 @p2 $0x1082  }
0x22: {  	[simem:s7], [sflag:s8] =	dma.local @!p0 [hbm:s6], $0xF7A  }
0x23: {  	s9 =	sor.u32 $0xD0000000, s2;
	s6 =	simm.s32 $0x108;
	_ =	swait.ge @!p0 [sflag:s8], $0x0  }
0x24: {  	s3 =	sadd.s32 $0x88, s3;
	s6 =	simm.s32 @!p1 $0x1082;
	[sflag:s4] =	ssyncset.s32 $0xFFFFF086  }
0x25: {  	[simem:s6], [sflag:s4] =	dma.local [hbm:s3], $0xF7A  }
0x26: {  	[smem:$0x3F8B] =	sst s1;
	(tag) =	ssettag s2;
	_ =	strace s9  }
0x27: {  	s1 =	sld [smem:$0x3F9B]  }
0x28: {  	s2 =	sld [smem:$0x3F9C]  }
0x29: {  	s4 =	sld [smem:$0x3F9E]  }
0x2a: {  	p0 =	seq.s32 s5, $0x0;
	s5 =	sld [smem:$0x3F9F]  }
0x2b: {  	s6 =	sld [smem:$0x3FA0]  }
0x2c: {  	s7 =	sld [smem:$0x3FA1]  }
0x2d: {  	s3 =	simm.s32 $0x108;
	s8 =	sld [smem:$0x3FA2]  }
0x2e: {  	s3 =	simm.s32 @!p0 $0x1082;
	s9 =	sld [smem:$0x3FA3]  }
0x2f: {  	lr =	sadd.s32 s0, s3;
	s0 =	sld [smem:$0x3F9A]  }
0x30: {  	s3 =	sld [smem:$0x3F9D]  }
0x31: {  	[smem:$0x3FA6] =	sst s10  }
0x32: {  	s10 =	sld [smem:$0x3FA4];
	_ =	sdelay $0x3  }
0x33: {  	p0 =	seq.s32 s10, $0x1;
	s10 =	sld [smem:$0x3FA6];
	_ =	sdelay $0x3  }
0x34: {  	[smem:$0x3FA6] =	sst s10  }
0x35: {  	s10 =	sld [smem:$0x3FA5];
	_ =	sdelay $0x3  }
0x36: {  	p1 =	seq.s32 s10, $0x1;
	s10 =	sld [smem:$0x3FA6];
	_ =	sdelay $0x3  }
0x37: {  	[smem:$0x3FA6] =	sst s10  }
0x38: {  	s10 =	sld [smem:$0x3FA7]  }
0x39: {  	_ = 	snop;
	(pc) =	sbr.ind lr, $3  }
0x3a: {  	_ = 	snop  }
0x3b: {  	_ = 	snop  }
0x3c: {  	p2 =	seq.s32 s10, $0x1;
	s10 =	sld [smem:$0x3FA6]  }
0x3d: {  	_ =	shalt  }
0x3e: {  	_ =	shalt  }
0x3f: {  	_ =	shalt  }
0x40: {  	_ =	shalt  }
0x41: {  	_ =	shalt  }
0x42: {  	_ =	shalt  }
0x43: {  	_ =	shalt  }
0x44: {  	_ =	shalt  }
0x45: {  	_ =	shalt  }
0x46: {  	_ =	shalt  }
0x47: {  	_ =	shalt  }
0x48: {  	_ =	shalt  }
0x49: {  	_ =	shalt  }
0x4a: {  	_ =	shalt  }
0x4b: {  	_ =	shalt  }
0x4c: {  	_ =	shalt  }
0x4d: {  	_ =	shalt  }
0x4e: {  	_ =	shalt  }
0x4f: {  	_ =	shalt  }
0x50: {  	_ =	shalt  }
0x51: {  	_ =	shalt  }
0x52: {  	_ =	shalt  }
0x53: {  	_ =	shalt  }
0x54: {  	_ =	shalt  }
0x55: {  	_ =	shalt  }
0x56: {  	_ =	shalt  }
0x57: {  	_ =	shalt  }
0x58: {  	_ =	shalt  }
0x59: {  	_ =	shalt  }
0x5a: {  	_ =	shalt  }
0x5b: {  	_ =	shalt  }
0x5c: {  	_ =	shalt  }
0x5d: {  	_ =	shalt  }
0x5e: {  	_ =	shalt  }
0x5f: {  	_ =	shalt  }
0x60: {  	_ =	shalt  }
0x61: {  	_ =	shalt  }
0x62: {  	_ =	shalt  }
0x63: {  	_ =	shalt  }
0x64: {  	_ =	shalt  }
0x65: {  	_ =	shalt  }
0x66: {  	_ =	shalt  }
0x67: {  	_ =	shalt  }
0x68: {  	_ =	shalt  }
0x69: {  	_ =	shalt  }
0x6a: {  	_ =	shalt  }
0x6b: {  	_ =	shalt  }
0x6c: {  	_ =	shalt  }
0x6d: {  	_ =	shalt  }
0x6e: {  	_ =	shalt  }
0x6f: {  	_ =	shalt  }
0x70: {  	_ =	shalt  }
0x71: {  	_ =	shalt  }
0x72: {  	_ =	shalt  }
0x73: {  	_ =	shalt  }
0x74: {  	_ =	shalt  }
0x75: {  	_ =	shalt  }
0x76: {  	_ =	shalt  }
0x77: {  	_ =	shalt  }
0x78: {  	_ =	shalt  }
0x79: {  	_ =	shalt  }
0x7a: {  	_ =	shalt  }
0x7b: {  	_ =	shalt  }
0x7c: {  	_ =	shalt  }
0x7d: {  	_ =	shalt  }
0x7e: {  	_ =	shalt  }
0x7f: {  	_ =	shalt  }
0x80: {  	_ =	shalt  }
0x81: {  	_ =	shalt  }
0x82: {  	_ =	shalt  }
0x83: {  	_ =	shalt  }
0x84: {  	_ =	shalt  }
0x85: {  	_ =	shalt  }
0x86: {  	_ =	shalt  }
0x87: {  	_ =	shalt  }
.Lfunc_end0:
.L_simem_size_0:
called_computation.3_lowered:
.L_overlay_start_0:
0x88: {  	s2 =	sld [smem:$0x3FD9]  }
0x89: {  	s3 =	sld [smem:$0x3FFE];
	_ =	sdelay $0x1  }
0x8a: {  	s1 =	srdreg.scid  }
0x8b: {  	s0 =	sand.u32 $0x1, s1  }
0x8c: {  	s14 =	sshll.u32 s0, $0xA;
	s2 =	sadd.s32 s3, s2  }
0x8d: {  	s2 =	sadd.s32 s2, s14  }
0x8e: {  	[smem:$0x3FB2] =	sst s2  }
0x8f: {  	_ = 	snop  }
0x90: {  	s2 =	sld [smem:$0x3FD0];
	_ =	sdelay $0x2  }
0x91: {  	s15 =	simm.s32 $0xB;
	s4 =	simm.s32 $0x10  }
0x92: {  	[smem:s4], [sflag:s15] =	dma.local [hbm:s2], $0x1  }
0x93: {  	_ =	swait.eq [sflag:s15], $0x1  }
0x94: {  	[sflag:s15] =	ssyncset.done $0x0  }
0x95: {  	[sflag:s15] =	ssyncadd.s32 $0xFFFFFFFF  }
0x96: {  	s16 =	sld [smem:$0x11];
	(tm) =	ssettm $0x1  }
0x97: {  	s17 =	sld [smem:$0x3FFB];
	_ =	sdelay $0x3  }
0x98: {  	_ =	strace s17  }
0x99: {  	s3 =	sld [smem:$0x3FFC];
	_ =	sdelay $0x3  }
0x9a: {  	_ =	strace s3  }
0x9b: {  	s3 =	sld [smem:$0x3FFD];
	_ =	sdelay $0x3  }
0x9c: {  	_ =	strace s3  }
0x9d: {  	_ =	strace $0x8FFFFFFF  }
0x9e: {  	s18 =	sld [smem:$0x3FDB];
	_ =	sdelay $0x1  }
0x9f: {  	s19 =	simm.s32 $_scs_section_size  }
0xa0: {  	s5 =	simm.s32 $_size__tile_overlayer_lowered;
	s6 =	simm.s32 $_tile_overlayer_lowered  }
0xa1: {  	s22 =	simm.s32 $0x1BFF;
	s21 =	sshll.u32 s6, $0x1;
	s3 =	sadd.s32 s19, s18  }
0xa2: {  	s7 =	simm.s32 $0x0;
	s20 =	sshll.u32 s5, $0x1;
	s5 =	sadd.s32 s21, s3  }
0xa3: {  	[timem:s7], [sflag:s22] =	dma.local [hbm:s5], s20  }
0xa4: {  	_ =	swait.ge [sflag:s22], s20  }
0xa5: {  	s4 =	ssub.s32 $0x0, s20;
	[sflag:s22] =	ssyncset.done $0x0  }
0xa6: {  	[sflag:s22] =	ssyncadd.s32 s4;
	_ =	sdelay $0x1  }
0xa7: {  	s23 =	simm.s32 $0x1B8B  }
0xa8: {  	_ =	swait.ge [sflag:s23], $0x1  }
0xa9: {  	[sflag:s23] =	ssyncset.done $0x0  }
0xaa: {  	s25 =	simm.s32 $0x1B8E;
	s24 =	sld [smem:$0x3FFE];
	[sflag:s23] =	ssyncadd.s32 $0xFFFFFFFF  }
0xab: {  	s26 =	simm.s32 $execute0_lowered;
	[smem:$0x3FD2] =	sst s25  }
0xac: {  	s5 =	sshll.u32 s26, $0x1;
	_ =	strace $0x8000004F;
	[dreg:$0x1] =	wrdreg $0xFFFFFFFF  }
0xad: {  	s28 =	simm.s32 $_size_execute0_lowered;
	s3 =	sadd.s32 s3, s5;
	[dreg:$0x0] =	wrdreg $0x0  }
0xae: {  	s5 =	sshll.u32 s28, $0x1;
	[dreg:$0x2] =	wrdreg s3  }
0xaf: {  	[dreg:$0x3] =	wrdreg s5  }
0xb0: {  	[dreg:$0x4] =	wrdreg $0xC0  }
0xb1: {  	_ =	task [dreg:s7], $0x5FFFF  }
0xb2: {  	[dreg:$0x1] =	wrdreg $0xFFFFFFFF  }
0xb3: {  	[dreg:$0x0] =	wrdreg $0x60  }
0xb4: {  	[dreg:$0x2] =	wrdreg s16  }
0xb5: {  	[dreg:$0x3] =	wrdreg s24  }
0xb6: {  	[dreg:$0x4] =	wrdreg $0x90000  }
0xb7: {  	[dreg:$0x5] =	wrdreg $0x9  }
0xb8: {  	_ =	task.clear_ibuf [dreg:s7], $0x6FFFF;
	_ =	strace $0x9000004F  }
0xb9: {  	s29 =	simm.s32 $0x9;
	_ =	strace $0x80000051  }
0xba: {  	_ =	swait.ge [sflag:s29], $0x1  }
0xbb: {  	[sflag:s29] =	ssyncadd.s32 $0xFFFFFFFF  }
0xbc: {  	_ =	strace $0x90000051  }
0xbd: {  	_ =	sfence  }
0xbe: {  	s30 =	sld [smem:$0x0];
	_ =	sdelay $0x2  }
0xbf: {  	s31 =	sshll.u32 s1, $0xD;
	s1 =	sshrl.u32 s1, $0x2  }
0xc0: {  	s3 =	sand.u32 $0x4000, s31;
	s1 =	sadd.s32 s1, s30  }
0xc1: {  	s0 =	sor.u32 s3, s0;
	s1 =	sshll.u32 s1, $0x11  }
0xc2: {  	s0 =	sor.u32 s1, s0  }
0xc3: {  	s0 =	sadd.s32 $0x8F2B, s0  }
0xc4: {  	[sflag:s0] =	ssyncadd.remote.s32 $0x1  }
0xc5: {  	_ =	sfence.sel $0xFFFF  }
0xc6: {  	[dreg:$0x0] =	wrdreg $0xFFFFFFFF;
	(pc) =	sbr.abs _section_cstart, $3  }
0xc7: {  	[dreg:$0x1] =	wrdreg $0xFFFFFFFF  }
0xc8: {  	_ =	task.clear_ibuf [dreg:s7], $0x2FFFF;
	_ =	strace $0x9FFFFFFF  }
0xc9: {  	(tm) =	ssettm $0x7FFFFFFF  }
tec
execute0_lowered:
.L_overlay_start_1:
0x0: {  	(tag) =	ssettag $0x1  }
0x1: {  	s1 =	rddreg [dreg:$0x0]  }
0x2: {  	s0 =	srdreg.scid;
	s6 =	rddreg [dreg:$0x1]  }
0x3: {  	s3 =	rddreg [dreg:$0x2];
	s4 =	simm.s32 $0x0;
	s14 =	simm.s32 $0x2800  }
0x4: {  	s15 =	simm.s32 $0x80;
	s16 =	simm.s32 $0x5000;
	s17 =	simm.s32 $0x1  }
0x5: {  	s20 =	simm.s32 $0x0;
	s5 =	sand.u32 $0x1, s0;
	s0 =	stileid.u32  }
0x6: {  	[smem:$0x7FF] =	sst s4;
	s12 =	sadd.s32 $0x3F600, s6;
	s8 =	smul.u32 $0x13C00, s0  }
0x7: {  	s18 =	sadd.s32 $0x128400, s3;
	s2 =	sshll.u32 s5, $0x4;
	s11 =	smul.u32 $0x4F000, s0  }
0x8: {  	s10 =	ssub.s32 $0x2, s5;
	s29 =	smul.u32 $0x138800, s5;
	s30 =	sshll.u32 s0, $0x6  }
0x9: {  	p0 =	seq.s32 s0, $0xF;
	s7 =	sor.u32 s0, s2;
	s2 =	rddreg [dreg:$0x3]  }
0xa: {  	_ =	strace $0x80000050;
	s26 =	sshrl.u32 s10, $0x1;
	s18 =	sshrl.u32 @p0 s18, $0x3  }
0xb: {  	s7 =	smul.u32 $0x500, s7;
	s25 =	sshrl.u32 s8, $0x3;
	s13 =	ssub.s32 s10, s26  }
0xc: {  	s28 =	sshrl.u32 s11, $0x2;
	s8 =	sadd.s32 s8, s29;
	s10 =	sshrl.u32 s29, $0x3  }
0xd: {  	s19 =	sadd.s32 s28, s3;
	s31 =	sshrl.u32 s8, $0x3;
	s10 =	sadd.s32 s12, s10  }
0xe: {  	s11 =	smax.u32 s13, $0x1;
	s13 =	simm.s32 $0x2;
	s9 =	sadd.s32 s7, s6  }
0xf: {  	s7 =	sadd.s32 s25, s6;
	s6 =	sor.u32 $0x1C02, s30;
	s10 =	sadd.s32 $0x25080, s10  }
0x10: {  	s5 =	sadd.s32 $0x17E00, s7;
	s7 =	sadd.s32 $0xDE00, s9;
	s8 =	sadd.s32 $0x3E00, s9  }
0x11: {  	s9 =	sadd.s32 s12, s31;
	s12 =	sshrl.u32 s19, $0x3;
	s19 =	sshrl.u32 @!p0 s19, $0x3  }
.LBB2_1:
0x12: {  	[spmem:s12], [sflag:s6] =	dma.local [hbm:s5], $0x2780  }
0x13: {  	_ =	swait.ge [sflag:s13], $0x2780  }
0x14: {  	[sflag:s13] =	ssyncset.done $0x0  }
0x15: {  	[sflag:s13] =	ssyncadd.s32 $0xFFFFD880  }
0x16: {  	[tilespmem:s4], [sflag:$0x2] =	stream.linear.gather [hbm4b:s7+s4], $0x2780, $0x38;
	[tilespmem:$0x1CC00] =	vst v63  }
0x17: {  	_ =	swait.ge [sflag:s13], $0x2780  }
0x18: {  	[sflag:s13] =	ssyncset.done $0x0  }
0x19: {  	[sflag:s13] =	ssyncadd.s32 $0xFFFFD880  }
0x1a: {  	[tilespmem:s14], [sflag:$0x2] =	stream.linear.gather [hbm4b:s8+s4], $0x2780, $0x38;
	[tilespmem:$0x1CC00] =	vst v63  }
0x1b: {  	_ =	swait.ge [sflag:s13], $0x2780  }
0x1c: {  	[sflag:s13] =	ssyncset.done $0x0  }
0x1d: {  	[sflag:s13] =	ssyncadd.s32 $0xFFFFD880  }
0x1e: {  	s21 =	simm.s32 $0x0;
	[bflag:$0x0] =	sbarrier.arrive $0xFFFF  }
0x1f: {  	[tilespmem:s16], [sflag:$0x1] =	stream.indirect.gather [hbm4b:s1+s15], $0x80, s21, s15, $0xb8;
	[tilespmem:$0x1CC00] =	vst v63  }
0x20: {  	_ =	swait.ge [sflag:s17], $0x4000  }
0x21: {  	[sflag:s17] =	ssyncset.done $0x0  }
0x22: {  	s31 =	simm.s32 $0x2800;
	[sflag:s17] =	ssyncadd.s32 $0xFFFFC000  }
0x23: {  	[spmem:s3] =	stream.indirect.scatter.add.f32 [tilespmem:s16], [sflag:$0x2], $0x80, s31, s15, $0xb8;
	[tilespmem:$0x1CC00] =	vst v63  }
0x24: {  	_ =	swait.ge [sflag:s13], $0x4000  }
0x25: {  	s22 =	simm.s32 $0x400;
	s21 =	simm.s32 $0x200;
	[sflag:s13] =	ssyncset.done $0x0  }
.LBB2_2:
0x26: {  	s23 =	sshra.s32 s21, $0x2  }
0x27: {  	[sflag:s13] =	ssyncadd.s32 $0xFFFFC000;
	s21 =	smov.u32 s22;
	s24 =	sadd.s32 $0x200, s22  }
0x28: {  	[tilespmem:s16], [sflag:$0x1] =	stream.indirect.gather [hbm4b:s1+s15], $0x80, s23, s15, $0xb8;
	[tilespmem:$0x1CC00] =	vst v63  }
0x29: {  	p1 =	sne.s32 s22, $0x9C00;
	_ =	swait.ge [sflag:s17], $0x4000  }
.Ltmp0:
0x2a: {  	[sflag:s17] =	ssyncset.done $0x0;
	(pc) =	sbr.rel @p1 .LBB2_2-.Ltmp0, $4  }
0x2b: {  	s22 =	sadd.s32 $0x2800, s23;
	[sflag:s17] =	ssyncadd.s32 $0xFFFFC000  }
0x2c: {  	[spmem:s3] =	stream.indirect.scatter.add.f32 [tilespmem:s16], [sflag:$0x2], $0x80, s22, s15, $0xb8;
	[tilespmem:$0x1CC00] =	vst v63  }
0x2d: {  	_ =	swait.ge [sflag:s13], $0x4000  }
0x2e: {  	s22 =	smov.u32 s24;
	[sflag:s13] =	ssyncset.done $0x0  }
0x2f: {  	s21 =	sshra.s32 s21, $0x2;
	[sflag:s13] =	ssyncadd.s32 $0xFFFFC000  }
0x30: {  	[tilespmem:s16], [sflag:$0x1] =	stream.indirect.gather [hbm4b:s1+s15], $0x80, s21, s15, $0xb8;
	[tilespmem:$0x1CC00] =	vst v63  }
0x31: {  	_ =	swait.ge [sflag:s17], $0x4000  }
0x32: {  	[sflag:s17] =	ssyncset.done $0x0  }
0x33: {  	s21 =	sadd.s32 $0x2800, s21;
	[sflag:s17] =	ssyncadd.s32 $0xFFFFC000  }
0x34: {  	[spmem:s3] =	stream.indirect.scatter.add.f32 [tilespmem:s16], [sflag:$0x2], $0x80, s21, s15, $0xb8;
	[tilespmem:$0x1CC00] =	vst v63  }
0x35: {  	_ =	swait.ge [sflag:s13], $0x4000  }
0x36: {  	[sflag:s13] =	ssyncset.done $0x0  }
0x37: {  	[sflag:s13] =	ssyncadd.s32 $0xFFFFC000  }
0x38: {  	s21 =	simm.s32 @p0 $0x2;
	[bflag:$0x0] =	sbarrier.arrive $0xFFFF  }
0x39: {  	[hbm:s10], [sflag:s6] =	dma.local @p0 [spmem:s18], $0x2080  }
0x3a: {  	s20 =	sadd.s32 $0x1, s20;
	_ =	swait.ge @p0 [sflag:s21], $0x2080  }
0x3b: {  	p1 =	sne.s32 s20, s11;
	[sflag:s21] =	ssyncset.done @p0 $0x0  }
.Ltmp1:
0x3c: {  	[sflag:s21] =	ssyncadd.s32 @p0 $0xFFFFDF80;
	s21 =	simm.s32 @!p0 $0x2;
	(pc) =	sbr.rel @p1 .LBB2_1-.Ltmp1, $4  }
0x3d: {  	[hbm:s9], [sflag:s6] =	dma.local @!p0 [spmem:s19], $0x2780  }
0x3e: {  	_ =	swait.ge @!p0 [sflag:s21], $0x2780  }
0x3f: {  	[sflag:s21] =	ssyncset.done @!p0 $0x0  }
0x40: {  	[sflag:s21] =	ssyncadd.s32 @!p0 $0xFFFFD880  }
0x41: {  	_ =	sfence.sel $0x180000  }
0x42: {  	[bflag:$0x0] =	sbarrier.arrive $0xFFFF  }
0x43: {  	p0 =	sne.s32 s0, $0x0;
	_ =	strace $0x90000050  }
0x44: {  	s0 =	sadd.s32 @!p0 $0x100000, s2;
	[bflag:$0x2] =	sbarrier.arrive $0xFFFF  }
0x45: {  	[sflag:s0] =	ssyncadd.tile.s32 @!p0 $0x1;
	_ =	shalt  }
.Lfunc_end2:
_tile_overlayer_lowered:
.L_overlay_start_2:
0x46: {  	(tag) =	ssettag $0x2  }
0x47: {  	s0 =	rddreg [dreg:$0x0];
	s2 =	stileid.u32  }
0x48: {  	s1 =	rddreg [dreg:$0x1];
	p0 =	sne.s32 s2, $0x0  }
0x49: {  	s3 =	rddreg [dreg:$0x2];
	[bflag:$0x3] =	sbarrier.arrive $0xFFFF;
	s2 =	simm.s32 @!p0 $0x1C02  }
0x4a: {  	[timem:s3], [sflag:s2] =	dma.local @!p0 [hbm:s0], s1  }
0x4b: {  	s0 =	simm.s32 @!p0 $0x2  }
0x4c: {  	_ =	swait.ge @!p0 [sflag:s0], s1  }
0x4d: {  	s1 =	ssub.s32 @!p0 $0x0, s1;
	[sflag:s0] =	ssyncset.done @!p0 $0x0  }
0x4e: {  	[sflag:s0] =	ssyncadd.s32 @!p0 s1  }
0x4f: {  	[bflag:$0x3] =	sbarrier.arrive $0xFFFF  }
0x50: {  	_ =	shalt  }

// kernel: kernel.26.cloned.1.call-start
scs
__scs_entry_jumppad:
0x0: {  	(pc) =	sbr.rel $0x88, $3  }
0x1: {  	(tag) =	ssettag $0x0;
	lr =	simm.s32 $0x1  }
0x2: {  	[smem:$0x3F8B] =	sst lr;
	_ =	strace $0xD0000000  }
0x3: {  	_ = 	snop  }
0x4: {  	_ = 	snop  }
0x5: {  	_ = 	snop  }
0x6: {  	_ = 	snop  }
0x7: {  	_ = 	snop  }
__scs_overlays_trampoline_lowered:
0x8: {  	[smem:$0x3F9A] =	sst s0  }
0x9: {  	[smem:$0x3F9B] =	sst s1  }
0xa: {  	[smem:$0x3F9C] =	sst s2  }
0xb: {  	[smem:$0x3F9D] =	sst s3  }
0xc: {  	[smem:$0x3F9E] =	sst s4  }
0xd: {  	[smem:$0x3F9F] =	sst s5  }
0xe: {  	[smem:$0x3FA0] =	sst s6  }
0xf: {  	[smem:$0x3FA1] =	sst s7  }
0x10: {  	[smem:$0x3FA2] =	sst s8  }
0x11: {  	[smem:$0x3FA3] =	sst s9;
	s0 =	simm.s32 @!p0 $0x0  }
0x12: {  	s1 =	sld [smem:$0x3F89];
	s0 =	simm.s32 @p0 $0x1  }
0x13: {  	[smem:$0x3FA4] =	sst s0;
	s0 =	simm.s32 @!p1 $0x0  }
0x14: {  	s2 =	sld [smem:$0x3F88];
	s0 =	simm.s32 @p1 $0x1  }
0x15: {  	[smem:$0x3FA5] =	sst s0;
	s0 =	simm.s32 @!p2 $0x0  }
0x16: {  	s3 =	sld [smem:$0x3FDB];
	s0 =	simm.s32 @p2 $0x1  }
0x17: {  	s4 =	simm.s32 $0x1BF5;
	[smem:$0x3FA7] =	sst s0  }
0x18: {  	s0 =	sld [smem:$0x3F8A];
	_ =	swait.ge [sflag:s4], $0x0  }
0x19: {  	s7 =	sld [smem:$0x3F8B]  }
0x1a: {  	s8 =	sadd.s32 $0xFFFFE003, lr  }
0x1b: {  	s9 =	sadd.s32 $0xFFFFFEF7, lr;
	s5 =	simm.s32 $0xFFFFFFFF;
	p2 =	slt.u32 s8, $0xFFFFF086  }
0x1c: {  	p1 =	slt.u32 s9, $0xF7A;
	s5 =	simm.s32 @!p2 $0x0  }
0x1d: {  	s5 =	simm.s32 @p1 $0x1;
	p0 =	seq.s32 s7, s2  }
0x1e: {  	s7 =	smul.u32 @!p0 $0xF7A, s2;
	p2 =	seq.s32 @!p0 s5, $0x0  }
0x1f: {  	s9 =	smul.u32 $0xF7A, s1;
	s8 =	simm.s32 @!p0 $0x1BF5;
	p2 =	por !p2, p0  }
0x20: {  	[sflag:s8] =	ssyncset.s32 @!p0 $0xFFFFF086;
	s6 =	sadd.s32 @!p0 s3, s7;
	s7 =	simm.s32 @!p0 $0x108  }
0x21: {  	s3 =	sadd.s32 s3, s9;
	s6 =	sadd.s32 @!p0 $0x88, s6;
	s7 =	simm.s32 @p2 $0x1082  }
0x22: {  	[simem:s7], [sflag:s8] =	dma.local @!p0 [hbm:s6], $0xF7A  }
0x23: {  	s9 =	sor.u32 $0xD0000000, s2;
	s6 =	simm.s32 $0x108;
	_ =	swait.ge @!p0 [sflag:s8], $0x0  }
0x24: {  	s3 =	sadd.s32 $0x88, s3;
	s6 =	simm.s32 @!p1 $0x1082;
	[sflag:s4] =	ssyncset.s32 $0xFFFFF086  }
0x25: {  	[simem:s6], [sflag:s4] =	dma.local [hbm:s3], $0xF7A  }
0x26: {  	[smem:$0x3F8B] =	sst s1;
	(tag) =	ssettag s2;
	_ =	strace s9  }
0x27: {  	s1 =	sld [smem:$0x3F9B]  }
0x28: {  	s2 =	sld [smem:$0x3F9C]  }
0x29: {  	s4 =	sld [smem:$0x3F9E]  }
0x2a: {  	p0 =	seq.s32 s5, $0x0;
	s5 =	sld [smem:$0x3F9F]  }
0x2b: {  	s6 =	sld [smem:$0x3FA0]  }
0x2c: {  	s7 =	sld [smem:$0x3FA1]  }
0x2d: {  	s3 =	simm.s32 $0x108;
	s8 =	sld [smem:$0x3FA2]  }
0x2e: {  	s3 =	simm.s32 @!p0 $0x1082;
	s9 =	sld [smem:$0x3FA3]  }
0x2f: {  	lr =	sadd.s32 s0, s3;
	s0 =	sld [smem:$0x3F9A]  }
0x30: {  	s3 =	sld [smem:$0x3F9D]  }
0x31: {  	[smem:$0x3FA6] =	sst s10  }
0x32: {  	s10 =	sld [smem:$0x3FA4];
	_ =	sdelay $0x3  }
0x33: {  	p0 =	seq.s32 s10, $0x1;
	s10 =	sld [smem:$0x3FA6];
	_ =	sdelay $0x3  }
0x34: {  	[smem:$0x3FA6] =	sst s10  }
0x35: {  	s10 =	sld [smem:$0x3FA5];
	_ =	sdelay $0x3  }
0x36: {  	p1 =	seq.s32 s10, $0x1;
	s10 =	sld [smem:$0x3FA6];
	_ =	sdelay $0x3  }
0x37: {  	[smem:$0x3FA6] =	sst s10  }
0x38: {  	s10 =	sld [smem:$0x3FA7]  }
0x39: {  	_ = 	snop;
	(pc) =	sbr.ind lr, $3  }
0x3a: {  	_ = 	snop  }
0x3b: {  	_ = 	snop  }
0x3c: {  	p2 =	seq.s32 s10, $0x1;
	s10 =	sld [smem:$0x3FA6]  }
0x3d: {  	_ =	shalt  }
0x3e: {  	_ =	shalt  }
0x3f: {  	_ =	shalt  }
0x40: {  	_ =	shalt  }
0x41: {  	_ =	shalt  }
0x42: {  	_ =	shalt  }
0x43: {  	_ =	shalt  }
0x44: {  	_ =	shalt  }
0x45: {  	_ =	shalt  }
0x46: {  	_ =	shalt  }
0x47: {  	_ =	shalt  }
0x48: {  	_ =	shalt  }
0x49: {  	_ =	shalt  }
0x4a: {  	_ =	shalt  }
0x4b: {  	_ =	shalt  }
0x4c: {  	_ =	shalt  }
0x4d: {  	_ =	shalt  }
0x4e: {  	_ =	shalt  }
0x4f: {  	_ =	shalt  }
0x50: {  	_ =	shalt  }
0x51: {  	_ =	shalt  }
0x52: {  	_ =	shalt  }
0x53: {  	_ =	shalt  }
0x54: {  	_ =	shalt  }
0x55: {  	_ =	shalt  }
0x56: {  	_ =	shalt  }
0x57: {  	_ =	shalt  }
0x58: {  	_ =	shalt  }
0x59: {  	_ =	shalt  }
0x5a: {  	_ =	shalt  }
0x5b: {  	_ =	shalt  }
0x5c: {  	_ =	shalt  }
0x5d: {  	_ =	shalt  }
0x5e: {  	_ =	shalt  }
0x5f: {  	_ =	shalt  }
0x60: {  	_ =	shalt  }
0x61: {  	_ =	shalt  }
0x62: {  	_ =	shalt  }
0x63: {  	_ =	shalt  }
0x64: {  	_ =	shalt  }
0x65: {  	_ =	shalt  }
0x66: {  	_ =	shalt  }
0x67: {  	_ =	shalt  }
0x68: {  	_ =	shalt  }
0x69: {  	_ =	shalt  }
0x6a: {  	_ =	shalt  }
0x6b: {  	_ =	shalt  }
0x6c: {  	_ =	shalt  }
0x6d: {  	_ =	shalt  }
0x6e: {  	_ =	shalt  }
0x6f: {  	_ =	shalt  }
0x70: {  	_ =	shalt  }
0x71: {  	_ =	shalt  }
0x72: {  	_ =	shalt  }
0x73: {  	_ =	shalt  }
0x74: {  	_ =	shalt  }
0x75: {  	_ =	shalt  }
0x76: {  	_ =	shalt  }
0x77: {  	_ =	shalt  }
0x78: {  	_ =	shalt  }
0x79: {  	_ =	shalt  }
0x7a: {  	_ =	shalt  }
0x7b: {  	_ =	shalt  }
0x7c: {  	_ =	shalt  }
0x7d: {  	_ =	shalt  }
0x7e: {  	_ =	shalt  }
0x7f: {  	_ =	shalt  }
0x80: {  	_ =	shalt  }
0x81: {  	_ =	shalt  }
0x82: {  	_ =	shalt  }
0x83: {  	_ =	shalt  }
0x84: {  	_ =	shalt  }
0x85: {  	_ =	shalt  }
0x86: {  	_ =	shalt  }
0x87: {  	_ =	shalt  }
.Lfunc_end0:
.L_simem_size_0:
called_computation.4_lowered:
.L_overlay_start_0:
0x88: {  	s2 =	sld [smem:$0x3FD9]  }
0x89: {  	s3 =	sld [smem:$0x3FFE];
	_ =	sdelay $0x1  }
0x8a: {  	s1 =	srdreg.scid  }
0x8b: {  	s0 =	sand.u32 $0x1, s1  }
0x8c: {  	s14 =	sshll.u32 s0, $0xA;
	s2 =	sadd.s32 s3, s2  }
0x8d: {  	s2 =	sadd.s32 s2, s14  }
0x8e: {  	[smem:$0x3FB2] =	sst s2  }
0x8f: {  	_ = 	snop  }
0x90: {  	s2 =	sld [smem:$0x3FD0];
	_ =	sdelay $0x2  }
0x91: {  	s15 =	simm.s32 $0xB;
	s4 =	simm.s32 $0x10  }
0x92: {  	[smem:s4], [sflag:s15] =	dma.local [hbm:s2], $0x1  }
0x93: {  	_ =	swait.eq [sflag:s15], $0x1  }
0x94: {  	[sflag:s15] =	ssyncset.done $0x0  }
0x95: {  	[sflag:s15] =	ssyncadd.s32 $0xFFFFFFFF  }
0x96: {  	s16 =	sld [smem:$0x11];
	(tm) =	ssettm $0x1  }
0x97: {  	s17 =	sld [smem:$0x3FFB];
	_ =	sdelay $0x3  }
0x98: {  	_ =	strace s17  }
0x99: {  	s3 =	sld [smem:$0x3FFC];
	_ =	sdelay $0x3  }
0x9a: {  	_ =	strace s3  }
0x9b: {  	s3 =	sld [smem:$0x3FFD];
	_ =	sdelay $0x3  }
0x9c: {  	_ =	strace s3  }
0x9d: {  	_ =	strace $0x8FFFFFFF  }
0x9e: {  	s18 =	sld [smem:$0x3FDB];
	_ =	sdelay $0x1  }
0x9f: {  	s19 =	simm.s32 $_scs_section_size  }
0xa0: {  	s5 =	simm.s32 $_size__tile_overlayer_lowered;
	s6 =	simm.s32 $_tile_overlayer_lowered  }
0xa1: {  	s22 =	simm.s32 $0x1BFF;
	s21 =	sshll.u32 s6, $0x1;
	s3 =	sadd.s32 s19, s18  }
0xa2: {  	s7 =	simm.s32 $0x0;
	s20 =	sshll.u32 s5, $0x1;
	s5 =	sadd.s32 s21, s3  }
0xa3: {  	[timem:s7], [sflag:s22] =	dma.local [hbm:s5], s20  }
0xa4: {  	_ =	swait.ge [sflag:s22], s20  }
0xa5: {  	s4 =	ssub.s32 $0x0, s20;
	[sflag:s22] =	ssyncset.done $0x0  }
0xa6: {  	[sflag:s22] =	ssyncadd.s32 s4;
	_ =	sdelay $0x1  }
0xa7: {  	s23 =	simm.s32 $0x1B8B  }
0xa8: {  	_ =	swait.ge [sflag:s23], $0x1  }
0xa9: {  	[sflag:s23] =	ssyncset.done $0x0  }
0xaa: {  	s25 =	simm.s32 $0x1B8E;
	s24 =	sld [smem:$0x3FFE];
	[sflag:s23] =	ssyncadd.s32 $0xFFFFFFFF  }
0xab: {  	s26 =	simm.s32 $execute0_lowered;
	[smem:$0x3FD2] =	sst s25  }
0xac: {  	s5 =	sshll.u32 s26, $0x1;
	_ =	strace $0x80000052;
	[dreg:$0x1] =	wrdreg $0xFFFFFFFF  }
0xad: {  	s28 =	simm.s32 $_size_execute0_lowered;
	s3 =	sadd.s32 s3, s5;
	[dreg:$0x0] =	wrdreg $0x0  }
0xae: {  	s5 =	sshll.u32 s28, $0x1;
	[dreg:$0x2] =	wrdreg s3  }
0xaf: {  	[dreg:$0x3] =	wrdreg s5  }
0xb0: {  	[dreg:$0x4] =	wrdreg $0xC0  }
0xb1: {  	_ =	task [dreg:s7], $0x5FFFF  }
0xb2: {  	[dreg:$0x1] =	wrdreg $0xFFFFFFFF  }
0xb3: {  	[dreg:$0x0] =	wrdreg $0x60  }
0xb4: {  	[dreg:$0x2] =	wrdreg s16  }
0xb5: {  	[dreg:$0x3] =	wrdreg s24  }
0xb6: {  	[dreg:$0x4] =	wrdreg $0x90000  }
0xb7: {  	[dreg:$0x5] =	wrdreg $0x9  }
0xb8: {  	_ =	task.clear_ibuf [dreg:s7], $0x6FFFF;
	_ =	strace $0x90000052  }
0xb9: {  	s29 =	simm.s32 $0x9;
	_ =	strace $0x80000054  }
0xba: {  	_ =	swait.ge [sflag:s29], $0x1  }
0xbb: {  	[sflag:s29] =	ssyncadd.s32 $0xFFFFFFFF  }
0xbc: {  	_ =	strace $0x90000054  }
0xbd: {  	_ =	sfence  }
0xbe: {  	s30 =	sld [smem:$0x0];
	_ =	sdelay $0x2  }
0xbf: {  	s31 =	sshll.u32 s1, $0xD;
	s1 =	sshrl.u32 s1, $0x2  }
0xc0: {  	s3 =	sand.u32 $0x4000, s31;
	s1 =	sadd.s32 s1, s30  }
0xc1: {  	s0 =	sor.u32 s3, s0;
	s1 =	sshll.u32 s1, $0x11  }
0xc2: {  	s0 =	sor.u32 s1, s0  }
0xc3: {  	s0 =	sadd.s32 $0x8F2B, s0  }
0xc4: {  	[sflag:s0] =	ssyncadd.remote.s32 $0x1  }
0xc5: {  	_ =	sfence.sel $0xFFFF  }
0xc6: {  	[dreg:$0x0] =	wrdreg $0xFFFFFFFF;
	(pc) =	sbr.abs _section_cstart, $3  }
0xc7: {  	[dreg:$0x1] =	wrdreg $0xFFFFFFFF  }
0xc8: {  	_ =	task.clear_ibuf [dreg:s7], $0x2FFFF;
	_ =	strace $0x9FFFFFFF  }
0xc9: {  	(tm) =	ssettm $0x7FFFFFFF  }
tec
execute0_lowered:
.L_overlay_start_1:
0x0: {  	(tag) =	ssettag $0x1  }
0x1: {  	s1 =	rddreg [dreg:$0x0]  }
0x2: {  	s0 =	srdreg.scid;
	s6 =	rddreg [dreg:$0x1]  }
0x3: {  	s3 =	rddreg [dreg:$0x2];
	s4 =	simm.s32 $0x0;
	s14 =	simm.s32 $0x2800  }
0x4: {  	s15 =	simm.s32 $0x80;
	s16 =	simm.s32 $0x5000;
	s17 =	simm.s32 $0x1  }
0x5: {  	s20 =	simm.s32 $0x0;
	s5 =	sand.u32 $0x1, s0;
	s0 =	stileid.u32  }
0x6: {  	[smem:$0x7FF] =	sst s4;
	s12 =	sadd.s32 $0x3F600, s6;
	s8 =	smul.u32 $0x13C00, s0  }
0x7: {  	s18 =	sadd.s32 $0x128400, s3;
	s2 =	sshll.u32 s5, $0x4;
	s11 =	smul.u32 $0x4F000, s0  }
0x8: {  	s10 =	ssub.s32 $0x2, s5;
	s29 =	smul.u32 $0x138800, s5;
	s30 =	sshll.u32 s0, $0x6  }
0x9: {  	p0 =	seq.s32 s0, $0xF;
	s7 =	sor.u32 s0, s2;
	s2 =	rddreg [dreg:$0x3]  }
0xa: {  	_ =	strace $0x80000053;
	s26 =	sshrl.u32 s10, $0x1;
	s18 =	sshrl.u32 @p0 s18, $0x3  }
0xb: {  	s7 =	smul.u32 $0x500, s7;
	s25 =	sshrl.u32 s8, $0x3;
	s13 =	ssub.s32 s10, s26  }
0xc: {  	s28 =	sshrl.u32 s11, $0x2;
	s8 =	sadd.s32 s8, s29;
	s10 =	sshrl.u32 s29, $0x3  }
0xd: {  	s19 =	sadd.s32 s28, s3;
	s31 =	sshrl.u32 s8, $0x3;
	s10 =	sadd.s32 s12, s10  }
0xe: {  	s11 =	smax.u32 s13, $0x1;
	s13 =	simm.s32 $0x2;
	s9 =	sadd.s32 s7, s6  }
0xf: {  	s7 =	sadd.s32 s25, s6;
	s6 =	sor.u32 $0x1C02, s30;
	s10 =	sadd.s32 $0x25080, s10  }
0x10: {  	s5 =	sadd.s32 $0x17E00, s7;
	s7 =	sadd.s32 $0xDE00, s9;
	s8 =	sadd.s32 $0x3E00, s9  }
0x11: {  	s9 =	sadd.s32 s12, s31;
	s12 =	sshrl.u32 s19, $0x3;
	s19 =	sshrl.u32 @!p0 s19, $0x3  }
.LBB2_1:
0x12: {  	[spmem:s12], [sflag:s6] =	dma.local [hbm:s5], $0x2780  }
0x13: {  	_ =	swait.ge [sflag:s13], $0x2780  }
0x14: {  	[sflag:s13] =	ssyncset.done $0x0  }
0x15: {  	[sflag:s13] =	ssyncadd.s32 $0xFFFFD880  }
0x16: {  	[tilespmem:s4], [sflag:$0x2] =	stream.linear.gather [hbm4b:s7+s4], $0x2780, $0x38;
	[tilespmem:$0x1CC00] =	vst v63  }
0x17: {  	_ =	swait.ge [sflag:s13], $0x2780  }
0x18: {  	[sflag:s13] =	ssyncset.done $0x0  }
0x19: {  	[sflag:s13] =	ssyncadd.s32 $0xFFFFD880  }
0x1a: {  	[tilespmem:s14], [sflag:$0x2] =	stream.linear.gather [hbm4b:s8+s4], $0x2780, $0x38;
	[tilespmem:$0x1CC00] =	vst v63  }
0x1b: {  	_ =	swait.ge [sflag:s13], $0x2780  }
0x1c: {  	[sflag:s13] =	ssyncset.done $0x0  }
0x1d: {  	[sflag:s13] =	ssyncadd.s32 $0xFFFFD880  }
0x1e: {  	s21 =	simm.s32 $0x0;
	[bflag:$0x0] =	sbarrier.arrive $0xFFFF  }
0x1f: {  	[tilespmem:s16], [sflag:$0x1] =	stream.indirect.gather [hbm4b:s1+s15], $0x80, s21, s15, $0xb8;
	[tilespmem:$0x1CC00] =	vst v63  }
0x20: {  	_ =	swait.ge [sflag:s17], $0x4000  }
0x21: {  	[sflag:s17] =	ssyncset.done $0x0  }
0x22: {  	s31 =	simm.s32 $0x2800;
	[sflag:s17] =	ssyncadd.s32 $0xFFFFC000  }
0x23: {  	[spmem:s3] =	stream.indirect.scatter.add.f32 [tilespmem:s16], [sflag:$0x2], $0x80, s31, s15, $0xb8;
	[tilespmem:$0x1CC00] =	vst v63  }
0x24: {  	_ =	swait.ge [sflag:s13], $0x4000  }
0x25: {  	s22 =	simm.s32 $0x400;
	s21 =	simm.s32 $0x200;
	[sflag:s13] =	ssyncset.done $0x0  }
.LBB2_2:
0x26: {  	s23 =	sshra.s32 s21, $0x2  }
0x27: {  	[sflag:s13] =	ssyncadd.s32 $0xFFFFC000;
	s21 =	smov.u32 s22;
	s24 =	sadd.s32 $0x200, s22  }
0x28: {  	[tilespmem:s16], [sflag:$0x1] =	stream.indirect.gather [hbm4b:s1+s15], $0x80, s23, s15, $0xb8;
	[tilespmem:$0x1CC00] =	vst v63  }
0x29: {  	p1 =	sne.s32 s22, $0x9C00;
	_ =	swait.ge [sflag:s17], $0x4000  }
.Ltmp0:
0x2a: {  	[sflag:s17] =	ssyncset.done $0x0;
	(pc) =	sbr.rel @p1 .LBB2_2-.Ltmp0, $4  }
0x2b: {  	s22 =	sadd.s32 $0x2800, s23;
	[sflag:s17] =	ssyncadd.s32 $0xFFFFC000  }
0x2c: {  	[spmem:s3] =	stream.indirect.scatter.add.f32 [tilespmem:s16], [sflag:$0x2], $0x80, s22, s15, $0xb8;
	[tilespmem:$0x1CC00] =	vst v63  }
0x2d: {  	_ =	swait.ge [sflag:s13], $0x4000  }
0x2e: {  	s22 =	smov.u32 s24;
	[sflag:s13] =	ssyncset.done $0x0  }
0x2f: {  	s21 =	sshra.s32 s21, $0x2;
	[sflag:s13] =	ssyncadd.s32 $0xFFFFC000  }
0x30: {  	[tilespmem:s16], [sflag:$0x1] =	stream.indirect.gather [hbm4b:s1+s15], $0x80, s21, s15, $0xb8;
	[tilespmem:$0x1CC00] =	vst v63  }
0x31: {  	_ =	swait.ge [sflag:s17], $0x4000  }
0x32: {  	[sflag:s17] =	ssyncset.done $0x0  }
0x33: {  	s21 =	sadd.s32 $0x2800, s21;
	[sflag:s17] =	ssyncadd.s32 $0xFFFFC000  }
0x34: {  	[spmem:s3] =	stream.indirect.scatter.add.f32 [tilespmem:s16], [sflag:$0x2], $0x80, s21, s15, $0xb8;
	[tilespmem:$0x1CC00] =	vst v63  }
0x35: {  	_ =	swait.ge [sflag:s13], $0x4000  }
0x36: {  	[sflag:s13] =	ssyncset.done $0x0  }
0x37: {  	[sflag:s13] =	ssyncadd.s32 $0xFFFFC000  }
0x38: {  	s21 =	simm.s32 @p0 $0x2;
	[bflag:$0x0] =	sbarrier.arrive $0xFFFF  }
0x39: {  	[hbm:s10], [sflag:s6] =	dma.local @p0 [spmem:s18], $0x2080  }
0x3a: {  	s20 =	sadd.s32 $0x1, s20;
	_ =	swait.ge @p0 [sflag:s21], $0x2080  }
0x3b: {  	p1 =	sne.s32 s20, s11;
	[sflag:s21] =	ssyncset.done @p0 $0x0  }
.Ltmp1:
0x3c: {  	[sflag:s21] =	ssyncadd.s32 @p0 $0xFFFFDF80;
	s21 =	simm.s32 @!p0 $0x2;
	(pc) =	sbr.rel @p1 .LBB2_1-.Ltmp1, $4  }
0x3d: {  	[hbm:s9], [sflag:s6] =	dma.local @!p0 [spmem:s19], $0x2780  }
0x3e: {  	_ =	swait.ge @!p0 [sflag:s21], $0x2780  }
0x3f: {  	[sflag:s21] =	ssyncset.done @!p0 $0x0  }
0x40: {  	[sflag:s21] =	ssyncadd.s32 @!p0 $0xFFFFD880  }
0x41: {  	_ =	sfence.sel $0x180000  }
0x42: {  	[bflag:$0x0] =	sbarrier.arrive $0xFFFF  }
0x43: {  	p0 =	sne.s32 s0, $0x0;
	_ =	strace $0x90000053  }
0x44: {  	s0 =	sadd.s32 @!p0 $0x100000, s2;
	[bflag:$0x2] =	sbarrier.arrive $0xFFFF  }
0x45: {  	[sflag:s0] =	ssyncadd.tile.s32 @!p0 $0x1;
	_ =	shalt  }
.Lfunc_end2:
_tile_overlayer_lowered:
.L_overlay_start_2:
0x46: {  	(tag) =	ssettag $0x2  }
0x47: {  	s0 =	rddreg [dreg:$0x0];
	s2 =	stileid.u32  }
0x48: {  	s1 =	rddreg [dreg:$0x1];
	p0 =	sne.s32 s2, $0x0  }
0x49: {  	s3 =	rddreg [dreg:$0x2];
	[bflag:$0x3] =	sbarrier.arrive $0xFFFF;
	s2 =	simm.s32 @!p0 $0x1C02  }
0x4a: {  	[timem:s3], [sflag:s2] =	dma.local @!p0 [hbm:s0], s1  }
0x4b: {  	s0 =	simm.s32 @!p0 $0x2  }
0x4c: {  	_ =	swait.ge @!p0 [sflag:s0], s1  }
0x4d: {  	s1 =	ssub.s32 @!p0 $0x0, s1;
	[sflag:s0] =	ssyncset.done @!p0 $0x0  }
0x4e: {  	[sflag:s0] =	ssyncadd.s32 @!p0 s1  }
0x4f: {  	[bflag:$0x3] =	sbarrier.arrive $0xFFFF  }
0x50: {  	_ =	shalt  }

</sc_bundles>
